<compile_context>
chip_gen: v7x
topology: tpu7x:2x2x1
jax: 0.10.2.dev20260603
libtpu: 0.0.44.dev20260713+nightly
codegen_flags: <defaults>
</compile_context>

<pallas_src>
import functools

import jax
import jax.numpy as jnp
from jax.experimental import pallas as pl
from jax.experimental.pallas import tpu as pltpu
from jax.experimental.pallas import tpu_sc as plsc

KNN = 16
PADC = 16
TN_A = 256
TN_C = 128
TN_D = 256


def _topk_proj_body(n_points, xyzp_tile, xyzp_full, x_tile,
                    wqk, bqk, wv, bv, wd1, table_out, idx_out):
    tn = xyzp_tile.shape[0]
    xt = xyzp_tile[...]
    xf = xyzp_full[...]
    rn = jnp.sum(xt * xt, axis=1, keepdims=True)
    fn = jnp.sum(xf * xf, axis=1, keepdims=True)
    xt_aug = jnp.concatenate([-2.0 * xt, jnp.ones((tn, 1), jnp.float32)],
                             axis=1)
    xf_aug = jnp.concatenate([xf, fn], axis=1)
    d = jax.lax.dot_general(xt_aug, xf_aug, (((1,), (1,)), ((), ())),
                            preferred_element_type=jnp.float32)
    d = d + rn

    col_f = jax.lax.broadcasted_iota(jnp.int32, (tn, n_points), 1).astype(
        jnp.float32)
    big = jnp.float32(n_points)
    sels = []
    for j in range(KNN):
        m = jnp.min(d, axis=1, keepdims=True)
        cand = jnp.where(d == m, col_f, big)
        sel = jnp.min(cand, axis=1, keepdims=True)
        sels.append(sel)
        if j + 1 < KNN:
            d = jnp.where(col_f == sel, jnp.inf, d)
    idx_out[...] = jnp.concatenate(sels, axis=1).astype(jnp.int32)

    xx = x_tile[...]
    q = jnp.dot(xx, wqk[...], preferred_element_type=jnp.float32) + bqk[...]
    v = jnp.dot(xx, wv[...], preferred_element_type=jnp.float32) + bv[...]
    p = jnp.dot(xt, wd1[...], preferred_element_type=jnp.float32)
    table_out[...] = jnp.concatenate([q * q, v, p], axis=1)


def _attn_body(tn_c, g_ref, tblq_ref, bd1_ref, wd2_ref, bd2_ref, t_ref, s_ref):
    g = g_ref[...]
    c = g.shape[1] // 3
    xq2 = g[:, :c]
    xv = g[:, c:2 * c]
    pg = g[:, 2 * c:]
    pq = tblq_ref[...][:, 2 * c:]
    pqb = jnp.broadcast_to(pq[:, None, :], (tn_c, KNN, c)).reshape(
        tn_c * KNN, c)
    h = pqb - pg + bd1_ref[...]
    pos = jnp.dot(jnp.maximum(h, 0.0), wd2_ref[...],
                  preferred_element_type=jnp.float32) + bd2_ref[...]
    energy = pos + xq2
    mx = jnp.max(energy, axis=1, keepdims=True)
    e = jnp.exp(energy - mx)
    attn = e / jnp.sum(e, axis=1, keepdims=True)
    t_ref[...] = attn * xv
    s_ref[0] = jnp.sum(attn.reshape(tn_c, KNN, c), axis=0)


def _norm_body(tn_d, n_s_tiles, t_ref, s_ref, x_ref, out_ref):
    c = x_ref.shape[1]
    s = jnp.sum(s_ref[...].reshape(n_s_tiles, KNN, c), axis=0)
    sinv = 1.0 / (1e-9 + s)
    t = t_ref[...].reshape(tn_d, KNN, c)
    out_ref[...] = x_ref[...] + jnp.sum(t * sinv[None, :, :], axis=1)


def _sc_gather(table, idx_flat):
    n_idx = idx_flat.shape[1]
    dbig = table.shape[1]
    win = 128
    mesh = plsc.VectorSubcoreMesh(core_axis_name="c", subcore_axis_name="s")

    @functools.partial(
        pl.kernel,
        out_type=jax.ShapeDtypeStruct((n_idx, dbig), jnp.float32),
        mesh=mesh,
    )
    def sc_kernel(tab_hbm, i_hbm, g_hbm):
        def body(i_vmem, g_vmem):
            pltpu.sync_copy(tab_hbm.at[i_vmem.at[0]], g_vmem)

        pltpu.emit_pipeline(
            body,
            grid=(n_idx // win,),
            in_specs=[pl.BlockSpec((1, win), lambda i: (0, i))],
            out_specs=[pl.BlockSpec((win, dbig), lambda i: (i, 0))],
            core_axis_name=("c", "s"),
            dimension_semantics=(pltpu.PARALLEL,),
        )(i_hbm, g_hbm)

    return sc_kernel(table, idx_flat)


@jax.jit
def kernel(xyz, x, Wqk, bqk, Wv, bv, Wd1, bd1, Wd2, bd2):
    B, N, C = x.shape
    f32 = jnp.float32

    xyzp = jnp.pad(xyz, ((0, 0), (0, 0), (0, PADC - xyz.shape[2])))
    wd1p = jnp.pad(Wd1, ((0, PADC - Wd1.shape[0]), (0, 0)))
    bqk2 = bqk.reshape(1, C)
    bv2 = bv.reshape(1, C)
    bd12 = bd1.reshape(1, C)
    bd22 = bd2.reshape(1, C)

    topk_call = pl.pallas_call(
        functools.partial(_topk_proj_body, N),
        grid=(N // TN_A,),
        in_specs=[
            pl.BlockSpec((TN_A, PADC), lambda i: (i, 0)),
            pl.BlockSpec((N, PADC), lambda i: (0, 0)),
            pl.BlockSpec((TN_A, C), lambda i: (i, 0)),
            pl.BlockSpec((C, C), lambda i: (0, 0)),
            pl.BlockSpec((1, C), lambda i: (0, 0)),
            pl.BlockSpec((C, C), lambda i: (0, 0)),
            pl.BlockSpec((1, C), lambda i: (0, 0)),
            pl.BlockSpec((PADC, C), lambda i: (0, 0)),
        ],
        out_specs=[
            pl.BlockSpec((TN_A, 3 * C), lambda i: (i, 0)),
            pl.BlockSpec((TN_A, KNN), lambda i: (i, 0)),
        ],
        out_shape=[
            jax.ShapeDtypeStruct((N, 3 * C), f32),
            jax.ShapeDtypeStruct((N, KNN), jnp.int32),
        ],
        compiler_params=pltpu.CompilerParams(
            dimension_semantics=("parallel",)),
    )

    attn_call = pl.pallas_call(
        functools.partial(_attn_body, TN_C),
        grid=(N // TN_C,),
        in_specs=[
            pl.BlockSpec((TN_C * KNN, 3 * C), lambda i: (i, 0)),
            pl.BlockSpec((TN_C, 3 * C), lambda i: (i, 0)),
            pl.BlockSpec((1, C), lambda i: (0, 0)),
            pl.BlockSpec((C, C), lambda i: (0, 0)),
            pl.BlockSpec((1, C), lambda i: (0, 0)),
        ],
        out_specs=[
            pl.BlockSpec((TN_C * KNN, C), lambda i: (i, 0)),
            pl.BlockSpec((1, KNN, C), lambda i: (i, 0, 0)),
        ],
        out_shape=[
            jax.ShapeDtypeStruct((N * KNN, C), f32),
            jax.ShapeDtypeStruct((N // TN_C, KNN, C), f32),
        ],
        compiler_params=pltpu.CompilerParams(
            dimension_semantics=("parallel",)),
    )

    n_s_tiles = N // TN_C
    norm_call = pl.pallas_call(
        functools.partial(_norm_body, TN_D, n_s_tiles),
        grid=(N // TN_D,),
        in_specs=[
            pl.BlockSpec((TN_D * KNN, C), lambda i: (i, 0)),
            pl.BlockSpec((n_s_tiles * KNN, C), lambda i: (0, 0)),
            pl.BlockSpec((TN_D, C), lambda i: (i, 0)),
        ],
        out_specs=pl.BlockSpec((TN_D, C), lambda i: (i, 0)),
        out_shape=jax.ShapeDtypeStruct((N, C), f32),
        compiler_params=pltpu.CompilerParams(
            dimension_semantics=("parallel",)),
    )

    tables, idxs, gs, outs = [], [], [], []
    for b in range(B):
        table, idx = topk_call(xyzp[b], xyzp[b], x[b], Wqk, bqk2, Wv, bv2,
                               wd1p)
        tables.append(table)
        idxs.append(idx)
        gs.append(_sc_gather(table, idx.reshape(1, N * KNN)))
        if b > 0:
            t_arr, s_arr = attn_call(gs[b - 1], tables[b - 1], bd12, Wd2,
                                     bd22)
            outs.append(norm_call(t_arr, s_arr.reshape(-1, C), x[b - 1]))
    t_arr, s_arr = attn_call(gs[B - 1], tables[B - 1], bd12, Wd2, bd22)
    outs.append(norm_call(t_arr, s_arr.reshape(-1, C), x[B - 1]))
    return jnp.stack(outs)

# --- scband reference (transcript-rebuilt; emitter-appended) ---
"""Pipeline reference for scband-transformer-block-21680994910209 (READ-ONLY COPY).

The authoritative reference and input builder live on the scoring server;
editing this copy changes nothing except your own understanding.
"""

import jax, jax.numpy as jnp
import numpy as np

K_NEIGHBORS = 16


def square_distance(src, dst):
    # src: [B, N, C], dst: [B, M, C] -> [B, N, M]
    dist = -2.0 * jnp.matmul(src, jnp.transpose(dst, (0, 2, 1)))
    dist = dist + jnp.sum(src ** 2, axis=-1)[:, :, None]
    dist = dist + jnp.sum(dst ** 2, axis=-1)[:, None, :]
    return dist


def index_points(points, idx):
    # points: [B, N, C], idx: [B, S, k] -> [B, S, k, C]
    B = points.shape[0]
    batch_idx = jnp.arange(B)[:, None, None]
    return points[batch_idx, idx]


def setup_inputs(seed: int = 0) -> dict:
    key = jax.random.key(seed)
    ks = jax.random.split(key, 10)
    B, N, C = 4, 2048, 128
    s = 1.0 / np.sqrt(C)
    return {
        "xyz": jax.random.normal(ks[0], (B, N, 3), dtype=jnp.float32),
        "x": jax.random.normal(ks[1], (B, N, C), dtype=jnp.float32),
        # q_conv and k_conv share the same weight/bias in the torch module
        "Wqk": jax.random.normal(ks[2], (C, C), dtype=jnp.float32) * s,
        "bqk": jax.random.normal(ks[3], (C,), dtype=jnp.float32) * s,
        "Wv": jax.random.normal(ks[4], (C, C), dtype=jnp.float32) * s,
        "bv": jax.random.normal(ks[5], (C,), dtype=jnp.float32) * s,
        # fc_delta: Linear(3->C), ReLU, Linear(C->C)
        "Wd1": jax.random.normal(ks[6], (3, C), dtype=jnp.float32) * (1.0 / np.sqrt(3.0)),
        "bd1": jax.random.normal(ks[7], (C,), dtype=jnp.float32) * (1.0 / np.sqrt(3.0)),
        "Wd2": jax.random.normal(ks[8], (C, C), dtype=jnp.float32) * s,
        "bd2": jax.random.normal(ks[9], (C,), dtype=jnp.float32) * s,
    }


def reference(xyz, x, Wqk, bqk, Wv, bv, Wd1, bd1, Wd2, bd2):
    k = K_NEIGHBORS
    dists = square_distance(xyz, xyz)  # [B, N, N]
    knn_idx = jnp.argsort(dists, axis=-1)[:, :, :k]  # [B, N, k]
    knn_xyz = index_points(xyz, knn_idx)  # [B, N, k, 3]
    knn_features = index_points(x, knn_idx)  # [B, N, k, C]
    pre = x
    delta = xyz[:, :, None, :] - knn_xyz  # [B, N, k, 3]
    pos_enc = jnp.maximum(delta @ Wd1 + bd1, 0.0) @ Wd2 + bd2  # [B, N, k, C]
    x_q = knn_features @ Wqk + bqk
    x_k = knn_features @ Wqk + bqk  # shared weights -> x_k == x_q
    x_v = knn_features @ Wv + bv
    qk = x_q * x_k  # einsum('bmnf,bmnf->bmnf')
    energy = pos_enc + qk
    attention = jax.nn.softmax(energy, axis=-1)
    attention = attention / (1e-09 + jnp.sum(attention, axis=1, keepdims=True))
    res = jnp.sum(attention * x_v, axis=2)  # einsum('bmnf,bmnf->bmf')
    return pre + res

if __name__ == "__main__":
    import jax
    _d = setup_inputs()
    print(jax.jit(kernel)(*tuple(_d.values())))

</pallas_src>

<mosaic_0001>
#map = affine_map<(d0, d1) -> (0, 0)>
module attributes {stable_mosaic.version = 14 : i64} {
  func.func @sc_kernel(%arg0: i32, %arg1: i32, %arg2: memref<2048x384xf32, #tpu.memory_space<hbm>>, %arg3: memref<1x32768xi32, #tpu.memory_space<hbm>>, %arg4: memref<32768x384xf32, #tpu.memory_space<hbm>>) attributes {dimension_semantics = [#tpu.dimension_semantics<core_parallel>, #tpu.dimension_semantics<subcore_parallel>], iteration_bounds = array<i64: 2, 16>, scalar_prefetch = 0 : i64, scratch_operands = 0 : i64, tpu.core_type = #tpu.core_type<sc_vector_subcore>, window_params = [{transform_indices = #map}, {transform_indices = #map}, {transform_indices = #map}]} {
    %mul3A = arith.constant 1 : i32
    %mul3A_0 = arith.muli %arg1, %mul3A : i32
    %add3A = arith.constant 0 : i32
    %add3A_1 = arith.addi %add3A, %mul3A_0 : i32
    %mul3A_2 = arith.constant 16 : i32
    %mul3A_3 = arith.muli %arg0, %mul3A_2 : i32
    %add3A_4 = arith.addi %add3A_1, %mul3A_3 : i32
    %mul3A_5 = arith.constant 8 : i32
    %mul3A_6 = arith.muli %add3A_4, %mul3A_5 : i32
    "tpu.region"() ({
      %run_scoped3A = memref.alloca() : memref<2x1x128xi32, #tpu.memory_space<vmem>>
      %run_scoped3A_7 = tpu.sem_alloc : memref<2x!tpu.dma_semaphore, #tpu.memory_space<semaphore_mem>>
      %run_scoped3A_8 = memref.alloca() : memref<2x128x384xf32, #tpu.memory_space<vmem>>
      %run_scoped3A_9 = tpu.sem_alloc : memref<2x!tpu.dma_semaphore, #tpu.memory_space<semaphore_mem>>
      %add3A_10 = arith.constant 0 : i32
      %add3A_11 = arith.addi %add3A_10, %mul3A_6 : i32
      %select_n3A = arith.constant true
      %select_n3A_12 = arith.constant 0 : i32
      %select_n3A_13 = arith.constant -1 : i32
      %select_n3A_14 = arith.select %select_n3A, %select_n3A_13, %select_n3A_12 : i32
      %eq3A = arith.constant -1 : i32
      %eq3A_15 = arith.cmpi eq, %select_n3A_14, %eq3A : i32
      %select_n3A_16 = arith.constant 7 : i32
      %select_n3A_17 = arith.select %eq3A_15, %select_n3A_16, %select_n3A_14 : i32
      %add3A_18 = arith.addi %select_n3A_17, %mul3A_6 : i32
      %select_n3A_19 = arith.constant true
      %select_n3A_20 = arith.constant 0 : i32
      %select_n3A_21 = arith.constant 1 : i32
      %select_n3A_22 = arith.select %select_n3A_19, %select_n3A_21, %select_n3A_20 : i32
      %eq3A_23 = arith.constant 8 : i32
      %eq3A_24 = arith.cmpi eq, %select_n3A_22, %eq3A_23 : i32
      %select_n3A_25 = arith.constant 0 : i32
      %select_n3A_26 = arith.select %eq3A_24, %select_n3A_25, %select_n3A_22 : i32
      %add3A_27 = arith.addi %select_n3A_26, %mul3A_6 : i32
      %add3A_28 = arith.constant 1 : i32
      %add3A_29 = arith.addi %select_n3A_26, %add3A_28 : i32
      %select_n3A_30 = arith.constant true
      %select_n3A_31 = arith.select %select_n3A_30, %add3A_29, %select_n3A_26 : i32
      %eq3A_32 = arith.constant 8 : i32
      %eq3A_33 = arith.cmpi eq, %select_n3A_31, %eq3A_32 : i32
      %select_n3A_34 = arith.constant 0 : i32
      %select_n3A_35 = arith.select %eq3A_33, %select_n3A_34, %select_n3A_31 : i32
      %add3A_36 = arith.addi %select_n3A_35, %mul3A_6 : i32
      "tpu.trace_start"() <{level = 10 : i32, message = "ep_initialize_0"}> : () -> ()
      %rem3A = arith.constant 0 : i32
      %rem3A_37 = arith.constant 2 : i32
      %rem3A_38 = arith.remui %rem3A, %rem3A_37 : i32
      %mul3A_39 = arith.constant 128 : i32
      %mul3A_40 = arith.muli %mul3A_39, %add3A_11 : i32
      %dma_start3A = arith.constant 0 : i32
      %dma_start3A_41 = arith.constant 0 : i32
      %dma_start3A_42 = tpu.memref_slice %run_scoped3A[%rem3A_38, %dma_start3A, %dma_start3A_41] : memref<2x1x128xi32, #tpu.memory_space<vmem>> -> memref<1x1x128xi32, #tpu.memory_space<vmem>>
      %dma_start3A_43 = tpu.memref_squeeze %dma_start3A_42 : memref<1x1x128xi32, #tpu.memory_space<vmem>> -> memref<1x128xi32, #tpu.memory_space<vmem>>
      %dma_start3A_44 = arith.constant 0 : i32
      %dma_start3A_45 = tpu.memref_slice %arg3[%dma_start3A_44, %mul3A_40] : memref<1x32768xi32, #tpu.memory_space<hbm>> -> memref<1x128xi32, #tpu.memory_space<hbm>>
      %dma_start3A_46 = tpu.memref_slice %run_scoped3A_7[%rem3A_38] : memref<2x!tpu.dma_semaphore, #tpu.memory_space<semaphore_mem>> -> memref<1x!tpu.dma_semaphore, #tpu.memory_space<semaphore_mem>>
      %dma_start3A_47 = tpu.memref_squeeze %dma_start3A_46 : memref<1x!tpu.dma_semaphore, #tpu.memory_space<semaphore_mem>> -> memref<!tpu.dma_semaphore, #tpu.memory_space<semaphore_mem>>
      %dma_start3A_48 = arith.constant 0 : i32
      %dma_start3A_49 = arith.constant 0 : i32
      %dma_start3A_50 = tpu.memref_slice %run_scoped3A[%rem3A_38, %dma_start3A_48, %dma_start3A_49] : memref<2x1x128xi32, #tpu.memory_space<vmem>> -> memref<1x1x128xi32, #tpu.memory_space<vmem>>
      %dma_start3A_51 = tpu.memref_squeeze %dma_start3A_50 : memref<1x1x128xi32, #tpu.memory_space<vmem>> -> memref<1x128xi32, #tpu.memory_space<vmem>>
      %dma_start3A_52 = arith.constant 0 : i32
      %dma_start3A_53 = tpu.memref_slice %arg3[%dma_start3A_52, %mul3A_40] : memref<1x32768xi32, #tpu.memory_space<hbm>> -> memref<1x128xi32, #tpu.memory_space<hbm>>
      tpu.enqueue_dma source(%dma_start3A_53 : memref<1x128xi32, #tpu.memory_space<hbm>>) target(%dma_start3A_51 : memref<1x128xi32, #tpu.memory_space<vmem>>) target_semaphore(%dma_start3A_47 : memref<!tpu.dma_semaphore, #tpu.memory_space<semaphore_mem>>)
      %add3A_54 = arith.constant 0 : i32
      %add3A_55 = arith.constant 1 : i32
      %add3A_56 = arith.addi %add3A_54, %add3A_55 : i32
      %select_n3A_57 = arith.constant true
      %select_n3A_58 = arith.constant 0 : i32
      %select_n3A_59 = arith.select %select_n3A_57, %add3A_56, %select_n3A_58 : i32
      "tpu.trace_stop"() : () -> ()
      %scan3A = arith.constant 0 : i32
      %scan3A_60 = arith.constant 0 : i32
      %scan3A_61 = arith.constant 0 : i32
      %scan3A_62 = arith.constant 0 : i32
      %scan3A_63 = arith.constant 0 : i32
      %scan3A_64 = arith.constant 8 : i32
      %scan3A_65 = arith.addi %scan3A_63, %scan3A_64 : i32
      %scan3A_66 = arith.constant 1 : i32
      %scan3A_67:5 = scf.for %scan3A_121 = %scan3A_63 to %scan3A_65 step %scan3A_66 iter_args(%scan3A_122 = %select_n3A_59, %scan3A_123 = %scan3A, %scan3A_124 = %scan3A_60, %scan3A_125 = %scan3A_61, %scan3A_126 = %scan3A_62) -> (i32, i32, i32, i32, i32)  : i32 {
        %eq3A_127 = arith.constant 0 : i32
        %eq3A_128 = arith.cmpi eq, %scan3A_121, %eq3A_127 : i32
        %eq3A_129 = arith.constant 7 : i32
        %eq3A_130 = arith.cmpi eq, %scan3A_121, %eq3A_129 : i32
        %add3A_131 = arith.addi %scan3A_126, %mul3A_6 : i32
        %sub3A_132 = arith.constant 1 : i32
        %sub3A_133 = arith.subi %scan3A_126, %sub3A_132 : i32
        %select_n3A_134 = arith.constant true
        %select_n3A_135 = arith.select %select_n3A_134, %sub3A_133, %scan3A_126 : i32
        %eq3A_136 = arith.constant -1 : i32
        %eq3A_137 = arith.cmpi eq, %select_n3A_135, %eq3A_136 : i32
        %select_n3A_138 = arith.constant 7 : i32
        %select_n3A_139 = arith.select %eq3A_137, %select_n3A_138, %select_n3A_135 : i32
        %add3A_140 = arith.addi %select_n3A_139, %mul3A_6 : i32
        %add3A_141 = arith.constant 1 : i32
        %add3A_142 = arith.addi %scan3A_126, %add3A_141 : i32
        %select_n3A_143 = arith.constant true
        %select_n3A_144 = arith.select %select_n3A_143, %add3A_142, %scan3A_126 : i32
        %eq3A_145 = arith.constant 8 : i32
        %eq3A_146 = arith.cmpi eq, %select_n3A_144, %eq3A_145 : i32
        %select_n3A_147 = arith.constant 0 : i32
        %select_n3A_148 = arith.select %eq3A_146, %select_n3A_147, %select_n3A_144 : i32
        %add3A_149 = arith.addi %select_n3A_148, %mul3A_6 : i32
        %add3A_150 = arith.constant 1 : i32
        %add3A_151 = arith.addi %select_n3A_148, %add3A_150 : i32
        %select_n3A_152 = arith.constant true
        %select_n3A_153 = arith.select %select_n3A_152, %add3A_151, %select_n3A_148 : i32
        %eq3A_154 = arith.constant 8 : i32
        %eq3A_155 = arith.cmpi eq, %select_n3A_153, %eq3A_154 : i32
        %select_n3A_156 = arith.constant 0 : i32
        %select_n3A_157 = arith.select %eq3A_155, %select_n3A_156, %select_n3A_153 : i32
        %add3A_158 = arith.addi %select_n3A_157, %mul3A_6 : i32
        %ne3A = arith.cmpi ne, %add3A_131, %add3A_149 : i32
        %or3A = arith.constant false
        %or3A_159 = arith.ori %or3A, %ne3A : i1
        %ge3A = arith.constant 7 : i32
        %ge3A_160 = arith.cmpi sge, %scan3A_121, %ge3A : i32
        %not3A = arith.constant true
        %not3A_161 = arith.xori %ge3A_160, %not3A : i1
        %and3A = arith.andi %or3A_159, %not3A_161 : i1
        %convert_element_type3A = arith.extui %and3A : i1 to i32
        %cond3A = arith.constant 0 : i32
        %cond3A_162 = arith.cmpi ne, %convert_element_type3A, %cond3A : i32
        scf.if %cond3A_162 {
          "tpu.trace_start"() <{level = 10 : i32, message = "ep_copy_in"}> : () -> ()
          %rem3A_264 = arith.constant 2 : i32
          %rem3A_265 = arith.remui %scan3A_122, %rem3A_264 : i32
          %mul3A_266 = arith.constant 128 : i32
          %mul3A_267 = arith.muli %mul3A_266, %add3A_149 : i32
          %dma_start3A_268 = arith.constant 0 : i32
          %dma_start3A_269 = arith.constant 0 : i32
          %dma_start3A_270 = tpu.memref_slice %run_scoped3A[%rem3A_265, %dma_start3A_268, %dma_start3A_269] : memref<2x1x128xi32, #tpu.memory_space<vmem>> -> memref<1x1x128xi32, #tpu.memory_space<vmem>>
          %dma_start3A_271 = tpu.memref_squeeze %dma_start3A_270 : memref<1x1x128xi32, #tpu.memory_space<vmem>> -> memref<1x128xi32, #tpu.memory_space<vmem>>
          %dma_start3A_272 = arith.constant 0 : i32
          %dma_start3A_273 = tpu.memref_slice %arg3[%dma_start3A_272, %mul3A_267] : memref<1x32768xi32, #tpu.memory_space<hbm>> -> memref<1x128xi32, #tpu.memory_space<hbm>>
          %dma_start3A_274 = tpu.memref_slice %run_scoped3A_7[%rem3A_265] : memref<2x!tpu.dma_semaphore, #tpu.memory_space<semaphore_mem>> -> memref<1x!tpu.dma_semaphore, #tpu.memory_space<semaphore_mem>>
          %dma_start3A_275 = tpu.memref_squeeze %dma_start3A_274 : memref<1x!tpu.dma_semaphore, #tpu.memory_space<semaphore_mem>> -> memref<!tpu.dma_semaphore, #tpu.memory_space<semaphore_mem>>
          %dma_start3A_276 = arith.constant 0 : i32
          %dma_start3A_277 = arith.constant 0 : i32
          %dma_start3A_278 = tpu.memref_slice %run_scoped3A[%rem3A_265, %dma_start3A_276, %dma_start3A_277] : memref<2x1x128xi32, #tpu.memory_space<vmem>> -> memref<1x1x128xi32, #tpu.memory_space<vmem>>
          %dma_start3A_279 = tpu.memref_squeeze %dma_start3A_278 : memref<1x1x128xi32, #tpu.memory_space<vmem>> -> memref<1x128xi32, #tpu.memory_space<vmem>>
          %dma_start3A_280 = arith.constant 0 : i32
          %dma_start3A_281 = tpu.memref_slice %arg3[%dma_start3A_280, %mul3A_267] : memref<1x32768xi32, #tpu.memory_space<hbm>> -> memref<1x128xi32, #tpu.memory_space<hbm>>
          tpu.enqueue_dma source(%dma_start3A_281 : memref<1x128xi32, #tpu.memory_space<hbm>>) target(%dma_start3A_279 : memref<1x128xi32, #tpu.memory_space<vmem>>) target_semaphore(%dma_start3A_275 : memref<!tpu.dma_semaphore, #tpu.memory_space<semaphore_mem>>)
          "tpu.trace_stop"() : () -> ()
        } else {
        }
        %and3A_163 = arith.constant true
        %and3A_164 = arith.andi %and3A, %and3A_163 : i1
        %add3A_165 = arith.constant 1 : i32
        %add3A_166 = arith.addi %scan3A_122, %add3A_165 : i32
        %select_n3A_167 = arith.select %and3A_164, %add3A_166, %scan3A_122 : i32
        %ne3A_168 = arith.cmpi ne, %add3A_131, %add3A_149 : i32
        %or3A_169 = arith.constant false
        %or3A_170 = arith.ori %or3A_169, %ne3A_168 : i1
        %or3A_171 = arith.constant false
        %or3A_172 = arith.ori %or3A_170, %or3A_171 : i1
        %ge3A_173 = arith.constant 7 : i32
        %ge3A_174 = arith.cmpi sge, %scan3A_121, %ge3A_173 : i32
        %not3A_175 = arith.constant true
        %not3A_176 = arith.xori %ge3A_174, %not3A_175 : i1
        %and3A_177 = arith.andi %or3A_172, %not3A_176 : i1
        %ne3A_178 = arith.cmpi ne, %add3A_131, %add3A_140 : i32
        %or3A_179 = arith.constant false
        %or3A_180 = arith.ori %or3A_179, %ne3A_178 : i1
        %or3A_181 = arith.ori %or3A_180, %eq3A_128 : i1
        %convert_element_type3A_182 = arith.extui %or3A_181 : i1 to i32
        %cond3A_183 = arith.constant 0 : i32
        %cond3A_184 = arith.cmpi ne, %convert_element_type3A_182, %cond3A_183 : i32
        scf.if %cond3A_184 {
          "tpu.trace_start"() <{level = 10 : i32, message = "ep_wait_in"}> : () -> ()
          %mul3A_264 = arith.constant 128 : i32
          %mul3A_265 = arith.muli %mul3A_264, %add3A_131 : i32
          %rem3A_266 = arith.constant 2 : i32
          %rem3A_267 = arith.remui %scan3A_123, %rem3A_266 : i32
          %dma_wait3A_268 = arith.constant 0 : i32
          %dma_wait3A_269 = arith.constant 0 : i32
          %dma_wait3A_270 = tpu.memref_slice %run_scoped3A[%rem3A_267, %dma_wait3A_268, %dma_wait3A_269] : memref<2x1x128xi32, #tpu.memory_space<vmem>> -> memref<1x1x128xi32, #tpu.memory_space<vmem>>
          %dma_wait3A_271 = tpu.memref_squeeze %dma_wait3A_270 : memref<1x1x128xi32, #tpu.memory_space<vmem>> -> memref<1x128xi32, #tpu.memory_space<vmem>>
          %dma_wait3A_272 = arith.constant 0 : i32
          %dma_wait3A_273 = tpu.memref_slice %arg3[%dma_wait3A_272, %mul3A_265] : memref<1x32768xi32, #tpu.memory_space<hbm>> -> memref<1x128xi32, #tpu.memory_space<hbm>>
          %dma_wait3A_274 = tpu.memref_slice %run_scoped3A_7[%rem3A_267] : memref<2x!tpu.dma_semaphore, #tpu.memory_space<semaphore_mem>> -> memref<1x!tpu.dma_semaphore, #tpu.memory_space<semaphore_mem>>
          %dma_wait3A_275 = tpu.memref_squeeze %dma_wait3A_274 : memref<1x!tpu.dma_semaphore, #tpu.memory_space<semaphore_mem>> -> memref<!tpu.dma_semaphore, #tpu.memory_space<semaphore_mem>>
          %dma_wait3A_276 = arith.constant 0 : i32
          %dma_wait3A_277 = arith.constant 0 : i32
          %dma_wait3A_278 = tpu.memref_slice %run_scoped3A[%rem3A_267, %dma_wait3A_276, %dma_wait3A_277] : memref<2x1x128xi32, #tpu.memory_space<vmem>> -> memref<1x1x128xi32, #tpu.memory_space<vmem>>
          %dma_wait3A_279 = tpu.memref_squeeze %dma_wait3A_278 : memref<1x1x128xi32, #tpu.memory_space<vmem>> -> memref<1x128xi32, #tpu.memory_space<vmem>>
          %dma_wait3A_280 = arith.constant 0 : i32
          %dma_wait3A_281 = tpu.memref_slice %arg3[%dma_wait3A_280, %mul3A_265] : memref<1x32768xi32, #tpu.memory_space<hbm>> -> memref<1x128xi32, #tpu.memory_space<hbm>>
          tpu.wait_dma2 semaphore(%dma_wait3A_275 : memref<!tpu.dma_semaphore, #tpu.memory_space<semaphore_mem>>) src(%dma_wait3A_281 : memref<1x128xi32, #tpu.memory_space<hbm>>) dst(%dma_wait3A_279 : memref<1x128xi32, #tpu.memory_space<vmem>>)
          "tpu.trace_stop"() : () -> ()
        } else {
        }
        %ne3A_185 = arith.cmpi ne, %add3A_131, %add3A_140 : i32
        %or3A_186 = arith.constant false
        %or3A_187 = arith.ori %or3A_186, %ne3A_185 : i1
        %or3A_188 = arith.constant false
        %or3A_189 = arith.ori %or3A_187, %or3A_188 : i1
        %or3A_190 = arith.ori %or3A_189, %eq3A_128 : i1
        %convert_element_type3A_191 = arith.extui %or3A_190 : i1 to i32
        %cond3A_192 = arith.constant 0 : i32
        %cond3A_193 = arith.cmpi ne, %convert_element_type3A_191, %cond3A_192 : i32
        scf.if %cond3A_193 {
        } else {
        }
        %rem3A_194 = arith.constant 2 : i32
        %rem3A_195 = arith.remui %scan3A_123, %rem3A_194 : i32
        %rem3A_196 = arith.constant 2 : i32
        %rem3A_197 = arith.remui %scan3A_124, %rem3A_196 : i32
        %run_scoped3A_198 = arith.constant 0 : i32
        "tpu.trace_start"() <{level = 10 : i32, message = "ep_run_kernel"}> : () -> ()
        "tpu.region"() ({
          %run_scoped3A_264 = tpu.sem_alloc : memref<!tpu.dma_semaphore, #tpu.memory_space<semaphore_mem>>
          %dma_start3A_265 = arith.constant 0 : i32
          %dma_start3A_266 = arith.constant 0 : i32
          %dma_start3A_267 = tpu.memref_slice %run_scoped3A_8[%rem3A_197, %dma_start3A_265, %dma_start3A_266] : memref<2x128x384xf32, #tpu.memory_space<vmem>> -> memref<1x128x384xf32, #tpu.memory_space<vmem>>
          %dma_start3A_268 = tpu.memref_squeeze %dma_start3A_267 : memref<1x128x384xf32, #tpu.memory_space<vmem>> -> memref<128x384xf32, #tpu.memory_space<vmem>>
          %dma_start3A_269 = arith.constant 0 : i32
          %dma_start3A_270 = arith.constant 0 : i32
          %dma_start3A_271 = tpu.memref_slice %run_scoped3A[%rem3A_195, %dma_start3A_269, %dma_start3A_270] : memref<2x1x128xi32, #tpu.memory_space<vmem>> -> memref<1x1x128xi32, #tpu.memory_space<vmem>>
          %dma_start3A_272 = tpu.memref_squeeze %dma_start3A_271 : memref<1x1x128xi32, #tpu.memory_space<vmem>> -> memref<1x128xi32, #tpu.memory_space<vmem>>
          %dma_start3A_273 = arith.constant 0 : i32
          %dma_start3A_274 = tpu.memref_slice %dma_start3A_272[%run_scoped3A_198, %dma_start3A_273] : memref<1x128xi32, #tpu.memory_space<vmem>> -> memref<1x128xi32, #tpu.memory_space<vmem>>
          %dma_start3A_275 = tpu.memref_squeeze %dma_start3A_274 : memref<1x128xi32, #tpu.memory_space<vmem>> -> memref<128xi32, #tpu.memory_space<vmem>>
          %dma_start3A_276 = arith.constant 0 : i32
          %dma_start3A_277 = arith.constant 0 : i32
          %dma_start3A_278 = tpu.memref_slice %arg2[%dma_start3A_276, %dma_start3A_277] : memref<2048x384xf32, #tpu.memory_space<hbm>> -> memref<2048x384xf32, #tpu.memory_space<hbm>>
          tpu.enqueue_indirect_dma source(%dma_start3A_278 : memref<2048x384xf32, #tpu.memory_space<hbm>>) target(%dma_start3A_268 : memref<128x384xf32, #tpu.memory_space<vmem>>) offsets(%dma_start3A_275 : memref<128xi32, #tpu.memory_space<vmem>>) semaphore(%run_scoped3A_264 : memref<!tpu.dma_semaphore, #tpu.memory_space<semaphore_mem>>)
          %dma_wait3A_279 = arith.constant 0 : i32
          %dma_wait3A_280 = arith.constant 0 : i32
          %dma_wait3A_281 = tpu.memref_slice %run_scoped3A_8[%rem3A_197, %dma_wait3A_279, %dma_wait3A_280] : memref<2x128x384xf32, #tpu.memory_space<vmem>> -> memref<1x128x384xf32, #tpu.memory_space<vmem>>
          %dma_wait3A_282 = tpu.memref_squeeze %dma_wait3A_281 : memref<1x128x384xf32, #tpu.memory_space<vmem>> -> memref<128x384xf32, #tpu.memory_space<vmem>>
          %dma_wait3A_283 = arith.constant 0 : i32
          %dma_wait3A_284 = arith.constant 0 : i32
          %dma_wait3A_285 = tpu.memref_slice %run_scoped3A[%rem3A_195, %dma_wait3A_283, %dma_wait3A_284] : memref<2x1x128xi32, #tpu.memory_space<vmem>> -> memref<1x1x128xi32, #tpu.memory_space<vmem>>
          %dma_wait3A_286 = tpu.memref_squeeze %dma_wait3A_285 : memref<1x1x128xi32, #tpu.memory_space<vmem>> -> memref<1x128xi32, #tpu.memory_space<vmem>>
          %dma_wait3A_287 = arith.constant 0 : i32
          %dma_wait3A_288 = tpu.memref_slice %dma_wait3A_286[%run_scoped3A_198, %dma_wait3A_287] : memref<1x128xi32, #tpu.memory_space<vmem>> -> memref<1x128xi32, #tpu.memory_space<vmem>>
          %dma_wait3A_289 = tpu.memref_squeeze %dma_wait3A_288 : memref<1x128xi32, #tpu.memory_space<vmem>> -> memref<128xi32, #tpu.memory_space<vmem>>
          %dma_wait3A_290 = arith.constant 0 : i32
          %dma_wait3A_291 = arith.constant 0 : i32
          %dma_wait3A_292 = tpu.memref_slice %arg2[%dma_wait3A_290, %dma_wait3A_291] : memref<2048x384xf32, #tpu.memory_space<hbm>> -> memref<2048x384xf32, #tpu.memory_space<hbm>>
          tpu.wait_indirect_dma semaphore(%run_scoped3A_264 : memref<!tpu.dma_semaphore, #tpu.memory_space<semaphore_mem>>) src(%dma_wait3A_292 : memref<2048x384xf32, #tpu.memory_space<hbm>>) dst(%dma_wait3A_282 : memref<128x384xf32, #tpu.memory_space<vmem>>)
          tpu.yield
        }) : () -> ()
        "tpu.trace_stop"() : () -> ()
        %ne3A_199 = arith.cmpi ne, %add3A_131, %add3A_149 : i32
        %or3A_200 = arith.constant false
        %or3A_201 = arith.ori %or3A_200, %ne3A_199 : i1
        %or3A_202 = arith.ori %or3A_201, %eq3A_130 : i1
        %convert_element_type3A_203 = arith.extui %or3A_202 : i1 to i32
        %cond3A_204 = arith.constant 0 : i32
        %cond3A_205 = arith.cmpi ne, %convert_element_type3A_203, %cond3A_204 : i32
        scf.if %cond3A_205 {
        } else {
        }
        %and3A_206 = arith.constant false
        %and3A_207 = arith.andi %or3A_202, %and3A_206 : i1
        %ne3A_208 = arith.cmpi ne, %add3A_131, %add3A_149 : i32
        %or3A_209 = arith.constant false
        %or3A_210 = arith.ori %or3A_209, %ne3A_208 : i1
        %or3A_211 = arith.constant false
        %or3A_212 = arith.ori %or3A_210, %or3A_211 : i1
        %or3A_213 = arith.ori %or3A_212, %eq3A_130 : i1
        %convert_element_type3A_214 = arith.extui %or3A_213 : i1 to i32
        %cond3A_215 = arith.constant 0 : i32
        %cond3A_216 = arith.cmpi ne, %convert_element_type3A_214, %cond3A_215 : i32
        scf.if %cond3A_216 {
          "tpu.trace_start"() <{level = 10 : i32, message = "ep_copy_out"}> : () -> ()
          %rem3A_264 = arith.constant 2 : i32
          %rem3A_265 = arith.remui %scan3A_124, %rem3A_264 : i32
          %mul3A_266 = arith.constant 128 : i32
          %mul3A_267 = arith.muli %mul3A_266, %add3A_131 : i32
          %dma_start3A_268 = arith.constant 0 : i32
          %dma_start3A_269 = arith.constant 0 : i32
          %dma_start3A_270 = tpu.memref_slice %run_scoped3A_8[%rem3A_265, %dma_start3A_268, %dma_start3A_269] : memref<2x128x384xf32, #tpu.memory_space<vmem>> -> memref<1x128x384xf32, #tpu.memory_space<vmem>>
          %dma_start3A_271 = tpu.memref_squeeze %dma_start3A_270 : memref<1x128x384xf32, #tpu.memory_space<vmem>> -> memref<128x384xf32, #tpu.memory_space<vmem>>
          %dma_start3A_272 = arith.constant 0 : i32
          %dma_start3A_273 = tpu.memref_slice %arg4[%mul3A_267, %dma_start3A_272] : memref<32768x384xf32, #tpu.memory_space<hbm>> -> memref<128x384xf32, #tpu.memory_space<hbm>>
          %dma_start3A_274 = tpu.memref_slice %run_scoped3A_9[%rem3A_265] : memref<2x!tpu.dma_semaphore, #tpu.memory_space<semaphore_mem>> -> memref<1x!tpu.dma_semaphore, #tpu.memory_space<semaphore_mem>>
          %dma_start3A_275 = tpu.memref_squeeze %dma_start3A_274 : memref<1x!tpu.dma_semaphore, #tpu.memory_space<semaphore_mem>> -> memref<!tpu.dma_semaphore, #tpu.memory_space<semaphore_mem>>
          %dma_start3A_276 = arith.constant 0 : i32
          %dma_start3A_277 = tpu.memref_slice %arg4[%mul3A_267, %dma_start3A_276] : memref<32768x384xf32, #tpu.memory_space<hbm>> -> memref<128x384xf32, #tpu.memory_space<hbm>>
          %dma_start3A_278 = arith.constant 0 : i32
          %dma_start3A_279 = arith.constant 0 : i32
          %dma_start3A_280 = tpu.memref_slice %run_scoped3A_8[%rem3A_265, %dma_start3A_278, %dma_start3A_279] : memref<2x128x384xf32, #tpu.memory_space<vmem>> -> memref<1x128x384xf32, #tpu.memory_space<vmem>>
          %dma_start3A_281 = tpu.memref_squeeze %dma_start3A_280 : memref<1x128x384xf32, #tpu.memory_space<vmem>> -> memref<128x384xf32, #tpu.memory_space<vmem>>
          tpu.enqueue_dma source(%dma_start3A_281 : memref<128x384xf32, #tpu.memory_space<vmem>>) target(%dma_start3A_277 : memref<128x384xf32, #tpu.memory_space<hbm>>) target_semaphore(%dma_start3A_275 : memref<!tpu.dma_semaphore, #tpu.memory_space<semaphore_mem>>)
          "tpu.trace_stop"() : () -> ()
        } else {
        }
        %and3A_217 = arith.constant true
        %and3A_218 = arith.andi %or3A_213, %and3A_217 : i1
        %add3A_219 = arith.constant 1 : i32
        %add3A_220 = arith.addi %scan3A_124, %add3A_219 : i32
        %select_n3A_221 = arith.select %and3A_218, %add3A_220, %scan3A_124 : i32
        %ne3A_222 = arith.cmpi ne, %add3A_131, %add3A_140 : i32
        %or3A_223 = arith.constant false
        %or3A_224 = arith.ori %or3A_223, %ne3A_222 : i1
        %not3A_225 = arith.constant true
        %not3A_226 = arith.xori %eq3A_128, %not3A_225 : i1
        %and3A_227 = arith.andi %or3A_224, %not3A_226 : i1
        %convert_element_type3A_228 = arith.extui %and3A_227 : i1 to i32
        %cond3A_229 = arith.constant 0 : i32
        %cond3A_230 = arith.cmpi ne, %convert_element_type3A_228, %cond3A_229 : i32
        scf.if %cond3A_230 {
        } else {
        }
        %and3A_231 = arith.constant false
        %and3A_232 = arith.andi %and3A_227, %and3A_231 : i1
        %ne3A_233 = arith.cmpi ne, %add3A_131, %add3A_140 : i32
        %or3A_234 = arith.constant false
        %or3A_235 = arith.ori %or3A_234, %ne3A_233 : i1
        %or3A_236 = arith.constant false
        %or3A_237 = arith.ori %or3A_235, %or3A_236 : i1
        %not3A_238 = arith.constant true
        %not3A_239 = arith.xori %eq3A_128, %not3A_238 : i1
        %and3A_240 = arith.andi %or3A_237, %not3A_239 : i1
        %convert_element_type3A_241 = arith.extui %and3A_240 : i1 to i32
        %cond3A_242 = arith.constant 0 : i32
        %cond3A_243 = arith.cmpi ne, %convert_element_type3A_241, %cond3A_242 : i32
        scf.if %cond3A_243 {
          "tpu.trace_start"() <{level = 10 : i32, message = "ep_wait_out"}> : () -> ()
          %rem3A_264 = arith.constant 2 : i32
          %rem3A_265 = arith.remui %scan3A_125, %rem3A_264 : i32
          %mul3A_266 = arith.constant 128 : i32
          %mul3A_267 = arith.muli %mul3A_266, %add3A_140 : i32
          %dma_wait3A_268 = arith.constant 0 : i32
          %dma_wait3A_269 = arith.constant 0 : i32
          %dma_wait3A_270 = tpu.memref_slice %run_scoped3A_8[%rem3A_265, %dma_wait3A_268, %dma_wait3A_269] : memref<2x128x384xf32, #tpu.memory_space<vmem>> -> memref<1x128x384xf32, #tpu.memory_space<vmem>>
          %dma_wait3A_271 = tpu.memref_squeeze %dma_wait3A_270 : memref<1x128x384xf32, #tpu.memory_space<vmem>> -> memref<128x384xf32, #tpu.memory_space<vmem>>
          %dma_wait3A_272 = arith.constant 0 : i32
          %dma_wait3A_273 = tpu.memref_slice %arg4[%mul3A_267, %dma_wait3A_272] : memref<32768x384xf32, #tpu.memory_space<hbm>> -> memref<128x384xf32, #tpu.memory_space<hbm>>
          %dma_wait3A_274 = tpu.memref_slice %run_scoped3A_9[%rem3A_265] : memref<2x!tpu.dma_semaphore, #tpu.memory_space<semaphore_mem>> -> memref<1x!tpu.dma_semaphore, #tpu.memory_space<semaphore_mem>>
          %dma_wait3A_275 = tpu.memref_squeeze %dma_wait3A_274 : memref<1x!tpu.dma_semaphore, #tpu.memory_space<semaphore_mem>> -> memref<!tpu.dma_semaphore, #tpu.memory_space<semaphore_mem>>
          %dma_wait3A_276 = arith.constant 0 : i32
          %dma_wait3A_277 = tpu.memref_slice %arg4[%mul3A_267, %dma_wait3A_276] : memref<32768x384xf32, #tpu.memory_space<hbm>> -> memref<128x384xf32, #tpu.memory_space<hbm>>
          %dma_wait3A_278 = arith.constant 0 : i32
          %dma_wait3A_279 = arith.constant 0 : i32
          %dma_wait3A_280 = tpu.memref_slice %run_scoped3A_8[%rem3A_265, %dma_wait3A_278, %dma_wait3A_279] : memref<2x128x384xf32, #tpu.memory_space<vmem>> -> memref<1x128x384xf32, #tpu.memory_space<vmem>>
          %dma_wait3A_281 = tpu.memref_squeeze %dma_wait3A_280 : memref<1x128x384xf32, #tpu.memory_space<vmem>> -> memref<128x384xf32, #tpu.memory_space<vmem>>
          tpu.wait_dma2 semaphore(%dma_wait3A_275 : memref<!tpu.dma_semaphore, #tpu.memory_space<semaphore_mem>>) src(%dma_wait3A_281 : memref<128x384xf32, #tpu.memory_space<vmem>>) dst(%dma_wait3A_277 : memref<128x384xf32, #tpu.memory_space<hbm>>)
          "tpu.trace_stop"() : () -> ()
        } else {
        }
        %and3A_244 = arith.constant true
        %and3A_245 = arith.andi %and3A_240, %and3A_244 : i1
        %add3A_246 = arith.constant 1 : i32
        %add3A_247 = arith.addi %scan3A_125, %add3A_246 : i32
        %select_n3A_248 = arith.select %and3A_245, %add3A_247, %scan3A_125 : i32
        %ne3A_249 = arith.cmpi ne, %add3A_131, %add3A_149 : i32
        %or3A_250 = arith.constant false
        %or3A_251 = arith.ori %or3A_250, %ne3A_249 : i1
        %or3A_252 = arith.ori %or3A_251, %eq3A_130 : i1
        %add3A_253 = arith.constant 1 : i32
        %add3A_254 = arith.addi %scan3A_123, %add3A_253 : i32
        %select_n3A_255 = arith.select %or3A_252, %add3A_254, %scan3A_123 : i32
        %add3A_256 = arith.constant 1 : i32
        %add3A_257 = arith.addi %scan3A_126, %add3A_256 : i32
        %select_n3A_258 = arith.constant true
        %select_n3A_259 = arith.select %select_n3A_258, %add3A_257, %scan3A_126 : i32
        %eq3A_260 = arith.constant 8 : i32
        %eq3A_261 = arith.cmpi eq, %select_n3A_259, %eq3A_260 : i32
        %select_n3A_262 = arith.constant 0 : i32
        %select_n3A_263 = arith.select %eq3A_261, %select_n3A_262, %select_n3A_259 : i32
        scf.yield %select_n3A_167, %select_n3A_255, %select_n3A_221, %select_n3A_248, %select_n3A_263 : i32, i32, i32, i32, i32
      }
      %scan3A_68 = arith.constant 8 : i32
      %sub3A = arith.constant 1 : i32
      %sub3A_69 = arith.subi %scan3A_67#4, %sub3A : i32
      %select_n3A_70 = arith.constant true
      %select_n3A_71 = arith.select %select_n3A_70, %sub3A_69, %scan3A_67#4 : i32
      %eq3A_72 = arith.constant -1 : i32
      %eq3A_73 = arith.cmpi eq, %select_n3A_71, %eq3A_72 : i32
      %select_n3A_74 = arith.constant 7 : i32
      %select_n3A_75 = arith.select %eq3A_73, %select_n3A_74, %select_n3A_71 : i32
      %add3A_76 = arith.addi %select_n3A_75, %mul3A_6 : i32
      %sub3A_77 = arith.constant 1 : i32
      %sub3A_78 = arith.subi %select_n3A_75, %sub3A_77 : i32
      %select_n3A_79 = arith.constant true
      %select_n3A_80 = arith.select %select_n3A_79, %sub3A_78, %select_n3A_75 : i32
      %eq3A_81 = arith.constant -1 : i32
      %eq3A_82 = arith.cmpi eq, %select_n3A_80, %eq3A_81 : i32
      %select_n3A_83 = arith.constant 7 : i32
      %select_n3A_84 = arith.select %eq3A_82, %select_n3A_83, %select_n3A_80 : i32
      %add3A_85 = arith.addi %select_n3A_84, %mul3A_6 : i32
      %add3A_86 = arith.constant 1 : i32
      %add3A_87 = arith.addi %select_n3A_75, %add3A_86 : i32
      %select_n3A_88 = arith.constant true
      %select_n3A_89 = arith.select %select_n3A_88, %add3A_87, %select_n3A_75 : i32
      %eq3A_90 = arith.constant 8 : i32
      %eq3A_91 = arith.cmpi eq, %select_n3A_89, %eq3A_90 : i32
      %select_n3A_92 = arith.constant 0 : i32
      %select_n3A_93 = arith.select %eq3A_91, %select_n3A_92, %select_n3A_89 : i32
      %add3A_94 = arith.addi %select_n3A_93, %mul3A_6 : i32
      %add3A_95 = arith.constant 1 : i32
      %add3A_96 = arith.addi %select_n3A_93, %add3A_95 : i32
      %select_n3A_97 = arith.constant true
      %select_n3A_98 = arith.select %select_n3A_97, %add3A_96, %select_n3A_93 : i32
      %eq3A_99 = arith.constant 8 : i32
      %eq3A_100 = arith.cmpi eq, %select_n3A_98, %eq3A_99 : i32
      %select_n3A_101 = arith.constant 0 : i32
      %select_n3A_102 = arith.select %eq3A_100, %select_n3A_101, %select_n3A_98 : i32
      %add3A_103 = arith.addi %select_n3A_102, %mul3A_6 : i32
      "tpu.trace_start"() <{level = 10 : i32, message = "ep_finalize"}> : () -> ()
      %rem3A_104 = arith.constant 2 : i32
      %rem3A_105 = arith.remui %scan3A_67#3, %rem3A_104 : i32
      %mul3A_106 = arith.constant 128 : i32
      %mul3A_107 = arith.muli %mul3A_106, %add3A_76 : i32
      %dma_wait3A = arith.constant 0 : i32
      %dma_wait3A_108 = arith.constant 0 : i32
      %dma_wait3A_109 = tpu.memref_slice %run_scoped3A_8[%rem3A_105, %dma_wait3A, %dma_wait3A_108] : memref<2x128x384xf32, #tpu.memory_space<vmem>> -> memref<1x128x384xf32, #tpu.memory_space<vmem>>
      %dma_wait3A_110 = tpu.memref_squeeze %dma_wait3A_109 : memref<1x128x384xf32, #tpu.memory_space<vmem>> -> memref<128x384xf32, #tpu.memory_space<vmem>>
      %dma_wait3A_111 = arith.constant 0 : i32
      %dma_wait3A_112 = tpu.memref_slice %arg4[%mul3A_107, %dma_wait3A_111] : memref<32768x384xf32, #tpu.memory_space<hbm>> -> memref<128x384xf32, #tpu.memory_space<hbm>>
      %dma_wait3A_113 = tpu.memref_slice %run_scoped3A_9[%rem3A_105] : memref<2x!tpu.dma_semaphore, #tpu.memory_space<semaphore_mem>> -> memref<1x!tpu.dma_semaphore, #tpu.memory_space<semaphore_mem>>
      %dma_wait3A_114 = tpu.memref_squeeze %dma_wait3A_113 : memref<1x!tpu.dma_semaphore, #tpu.memory_space<semaphore_mem>> -> memref<!tpu.dma_semaphore, #tpu.memory_space<semaphore_mem>>
      %dma_wait3A_115 = arith.constant 0 : i32
      %dma_wait3A_116 = tpu.memref_slice %arg4[%mul3A_107, %dma_wait3A_115] : memref<32768x384xf32, #tpu.memory_space<hbm>> -> memref<128x384xf32, #tpu.memory_space<hbm>>
      %dma_wait3A_117 = arith.constant 0 : i32
      %dma_wait3A_118 = arith.constant 0 : i32
      %dma_wait3A_119 = tpu.memref_slice %run_scoped3A_8[%rem3A_105, %dma_wait3A_117, %dma_wait3A_118] : memref<2x128x384xf32, #tpu.memory_space<vmem>> -> memref<1x128x384xf32, #tpu.memory_space<vmem>>
      %dma_wait3A_120 = tpu.memref_squeeze %dma_wait3A_119 : memref<1x128x384xf32, #tpu.memory_space<vmem>> -> memref<128x384xf32, #tpu.memory_space<vmem>>
      tpu.wait_dma2 semaphore(%dma_wait3A_114 : memref<!tpu.dma_semaphore, #tpu.memory_space<semaphore_mem>>) src(%dma_wait3A_120 : memref<128x384xf32, #tpu.memory_space<vmem>>) dst(%dma_wait3A_116 : memref<128x384xf32, #tpu.memory_space<hbm>>)
      "tpu.trace_stop"() : () -> ()
      tpu.yield
    }) : () -> ()
    return
  }
}

#map = affine_map<(d0, d1) -> (0, 0)>
module attributes {stable_mosaic.version = 14 : i64} {
  func.func @sc_kernel(%arg0: i32, %arg1: i32, %arg2: memref<2048x384xf32, #tpu.memory_space<hbm>>, %arg3: memref<1x32768xi32, #tpu.memory_space<hbm>>, %arg4: memref<32768x384xf32, #tpu.memory_space<hbm>>) attributes {dimension_semantics = [#tpu.dimension_semantics<core_parallel>, #tpu.dimension_semantics<subcore_parallel>], iteration_bounds = array<i64: 2, 16>, scalar_prefetch = 0 : i64, scratch_operands = 0 : i64, tpu.core_type = #tpu.core_type<sc_vector_subcore>, window_params = [{transform_indices = #map}, {transform_indices = #map}, {transform_indices = #map}]} {
    %mul3A = arith.constant 1 : i32
    %mul3A_0 = arith.muli %arg1, %mul3A : i32
    %add3A = arith.constant 0 : i32
    %add3A_1 = arith.addi %add3A, %mul3A_0 : i32
    %mul3A_2 = arith.constant 16 : i32
    %mul3A_3 = arith.muli %arg0, %mul3A_2 : i32
    %add3A_4 = arith.addi %add3A_1, %mul3A_3 : i32
    %mul3A_5 = arith.constant 8 : i32
    %mul3A_6 = arith.muli %add3A_4, %mul3A_5 : i32
    "tpu.region"() ({
      %run_scoped3A = memref.alloca() : memref<2x1x128xi32, #tpu.memory_space<vmem>>
      %run_scoped3A_7 = tpu.sem_alloc : memref<2x!tpu.dma_semaphore, #tpu.memory_space<semaphore_mem>>
      %run_scoped3A_8 = memref.alloca() : memref<2x128x384xf32, #tpu.memory_space<vmem>>
      %run_scoped3A_9 = tpu.sem_alloc : memref<2x!tpu.dma_semaphore, #tpu.memory_space<semaphore_mem>>
      %add3A_10 = arith.constant 0 : i32
      %add3A_11 = arith.addi %add3A_10, %mul3A_6 : i32
      %select_n3A = arith.constant true
      %select_n3A_12 = arith.constant 0 : i32
      %select_n3A_13 = arith.constant -1 : i32
      %select_n3A_14 = arith.select %select_n3A, %select_n3A_13, %select_n3A_12 : i32
      %eq3A = arith.constant -1 : i32
      %eq3A_15 = arith.cmpi eq, %select_n3A_14, %eq3A : i32
      %select_n3A_16 = arith.constant 7 : i32
      %select_n3A_17 = arith.select %eq3A_15, %select_n3A_16, %select_n3A_14 : i32
      %add3A_18 = arith.addi %select_n3A_17, %mul3A_6 : i32
      %select_n3A_19 = arith.constant true
      %select_n3A_20 = arith.constant 0 : i32
      %select_n3A_21 = arith.constant 1 : i32
      %select_n3A_22 = arith.select %select_n3A_19, %select_n3A_21, %select_n3A_20 : i32
      %eq3A_23 = arith.constant 8 : i32
      %eq3A_24 = arith.cmpi eq, %select_n3A_22, %eq3A_23 : i32
      %select_n3A_25 = arith.constant 0 : i32
      %select_n3A_26 = arith.select %eq3A_24, %select_n3A_25, %select_n3A_22 : i32
      %add3A_27 = arith.addi %select_n3A_26, %mul3A_6 : i32
      %add3A_28 = arith.constant 1 : i32
      %add3A_29 = arith.addi %select_n3A_26, %add3A_28 : i32
      %select_n3A_30 = arith.constant true
      %select_n3A_31 = arith.select %select_n3A_30, %add3A_29, %select_n3A_26 : i32
      %eq3A_32 = arith.constant 8 : i32
      %eq3A_33 = arith.cmpi eq, %select_n3A_31, %eq3A_32 : i32
      %select_n3A_34 = arith.constant 0 : i32
      %select_n3A_35 = arith.select %eq3A_33, %select_n3A_34, %select_n3A_31 : i32
      %add3A_36 = arith.addi %select_n3A_35, %mul3A_6 : i32
      "tpu.trace_start"() <{level = 10 : i32, message = "ep_initialize_0"}> : () -> ()
      %rem3A = arith.constant 0 : i32
      %rem3A_37 = arith.constant 2 : i32
      %rem3A_38 = arith.remui %rem3A, %rem3A_37 : i32
      %mul3A_39 = arith.constant 128 : i32
      %mul3A_40 = arith.muli %mul3A_39, %add3A_11 : i32
      %dma_start3A = arith.constant 0 : i32
      %dma_start3A_41 = arith.constant 0 : i32
      %dma_start3A_42 = tpu.memref_slice %run_scoped3A[%rem3A_38, %dma_start3A, %dma_start3A_41] : memref<2x1x128xi32, #tpu.memory_space<vmem>> -> memref<1x1x128xi32, #tpu.memory_space<vmem>>
      %dma_start3A_43 = tpu.memref_squeeze %dma_start3A_42 : memref<1x1x128xi32, #tpu.memory_space<vmem>> -> memref<1x128xi32, #tpu.memory_space<vmem>>
      %dma_start3A_44 = arith.constant 0 : i32
      %dma_start3A_45 = tpu.memref_slice %arg3[%dma_start3A_44, %mul3A_40] : memref<1x32768xi32, #tpu.memory_space<hbm>> -> memref<1x128xi32, #tpu.memory_space<hbm>>
      %dma_start3A_46 = tpu.memref_slice %run_scoped3A_7[%rem3A_38] : memref<2x!tpu.dma_semaphore, #tpu.memory_space<semaphore_mem>> -> memref<1x!tpu.dma_semaphore, #tpu.memory_space<semaphore_mem>>
      %dma_start3A_47 = tpu.memref_squeeze %dma_start3A_46 : memref<1x!tpu.dma_semaphore, #tpu.memory_space<semaphore_mem>> -> memref<!tpu.dma_semaphore, #tpu.memory_space<semaphore_mem>>
      %dma_start3A_48 = arith.constant 0 : i32
      %dma_start3A_49 = arith.constant 0 : i32
      %dma_start3A_50 = tpu.memref_slice %run_scoped3A[%rem3A_38, %dma_start3A_48, %dma_start3A_49] : memref<2x1x128xi32, #tpu.memory_space<vmem>> -> memref<1x1x128xi32, #tpu.memory_space<vmem>>
      %dma_start3A_51 = tpu.memref_squeeze %dma_start3A_50 : memref<1x1x128xi32, #tpu.memory_space<vmem>> -> memref<1x128xi32, #tpu.memory_space<vmem>>
      %dma_start3A_52 = arith.constant 0 : i32
      %dma_start3A_53 = tpu.memref_slice %arg3[%dma_start3A_52, %mul3A_40] : memref<1x32768xi32, #tpu.memory_space<hbm>> -> memref<1x128xi32, #tpu.memory_space<hbm>>
      tpu.enqueue_dma source(%dma_start3A_53 : memref<1x128xi32, #tpu.memory_space<hbm>>) target(%dma_start3A_51 : memref<1x128xi32, #tpu.memory_space<vmem>>) target_semaphore(%dma_start3A_47 : memref<!tpu.dma_semaphore, #tpu.memory_space<semaphore_mem>>)
      %add3A_54 = arith.constant 0 : i32
      %add3A_55 = arith.constant 1 : i32
      %add3A_56 = arith.addi %add3A_54, %add3A_55 : i32
      %select_n3A_57 = arith.constant true
      %select_n3A_58 = arith.constant 0 : i32
      %select_n3A_59 = arith.select %select_n3A_57, %add3A_56, %select_n3A_58 : i32
      "tpu.trace_stop"() : () -> ()
      %scan3A = arith.constant 0 : i32
      %scan3A_60 = arith.constant 0 : i32
      %scan3A_61 = arith.constant 0 : i32
      %scan3A_62 = arith.constant 0 : i32
      %scan3A_63 = arith.constant 0 : i32
      %scan3A_64 = arith.constant 8 : i32
      %scan3A_65 = arith.addi %scan3A_63, %scan3A_64 : i32
      %scan3A_66 = arith.constant 1 : i32
      %scan3A_67:5 = scf.for %scan3A_121 = %scan3A_63 to %scan3A_65 step %scan3A_66 iter_args(%scan3A_122 = %select_n3A_59, %scan3A_123 = %scan3A, %scan3A_124 = %scan3A_60, %scan3A_125 = %scan3A_61, %scan3A_126 = %scan3A_62) -> (i32, i32, i32, i32, i32)  : i32 {
        %eq3A_127 = arith.constant 0 : i32
        %eq3A_128 = arith.cmpi eq, %scan3A_121, %eq3A_127 : i32
        %eq3A_129 = arith.constant 7 : i32
        %eq3A_130 = arith.cmpi eq, %scan3A_121, %eq3A_129 : i32
        %add3A_131 = arith.addi %scan3A_126, %mul3A_6 : i32
        %sub3A_132 = arith.constant 1 : i32
        %sub3A_133 = arith.subi %scan3A_126, %sub3A_132 : i32
        %select_n3A_134 = arith.constant true
        %select_n3A_135 = arith.select %select_n3A_134, %sub3A_133, %scan3A_126 : i32
        %eq3A_136 = arith.constant -1 : i32
        %eq3A_137 = arith.cmpi eq, %select_n3A_135, %eq3A_136 : i32
        %select_n3A_138 = arith.constant 7 : i32
        %select_n3A_139 = arith.select %eq3A_137, %select_n3A_138, %select_n3A_135 : i32
        %add3A_140 = arith.addi %select_n3A_139, %mul3A_6 : i32
        %add3A_141 = arith.constant 1 : i32
        %add3A_142 = arith.addi %scan3A_126, %add3A_141 : i32
        %select_n3A_143 = arith.constant true
        %select_n3A_144 = arith.select %select_n3A_143, %add3A_142, %scan3A_126 : i32
        %eq3A_145 = arith.constant 8 : i32
        %eq3A_146 = arith.cmpi eq, %select_n3A_144, %eq3A_145 : i32
        %select_n3A_147 = arith.constant 0 : i32
        %select_n3A_148 = arith.select %eq3A_146, %select_n3A_147, %select_n3A_144 : i32
        %add3A_149 = arith.addi %select_n3A_148, %mul3A_6 : i32
        %add3A_150 = arith.constant 1 : i32
        %add3A_151 = arith.addi %select_n3A_148, %add3A_150 : i32
        %select_n3A_152 = arith.constant true
        %select_n3A_153 = arith.select %select_n3A_152, %add3A_151, %select_n3A_148 : i32
        %eq3A_154 = arith.constant 8 : i32
        %eq3A_155 = arith.cmpi eq, %select_n3A_153, %eq3A_154 : i32
        %select_n3A_156 = arith.constant 0 : i32
        %select_n3A_157 = arith.select %eq3A_155, %select_n3A_156, %select_n3A_153 : i32
        %add3A_158 = arith.addi %select_n3A_157, %mul3A_6 : i32
        %ne3A = arith.cmpi ne, %add3A_131, %add3A_149 : i32
        %or3A = arith.constant false
        %or3A_159 = arith.ori %or3A, %ne3A : i1
        %ge3A = arith.constant 7 : i32
        %ge3A_160 = arith.cmpi sge, %scan3A_121, %ge3A : i32
        %not3A = arith.constant true
        %not3A_161 = arith.xori %ge3A_160, %not3A : i1
        %and3A = arith.andi %or3A_159, %not3A_161 : i1
        %convert_element_type3A = arith.extui %and3A : i1 to i32
        %cond3A = arith.constant 0 : i32
        %cond3A_162 = arith.cmpi ne, %convert_element_type3A, %cond3A : i32
        scf.if %cond3A_162 {
          "tpu.trace_start"() <{level = 10 : i32, message = "ep_copy_in"}> : () -> ()
          %rem3A_264 = arith.constant 2 : i32
          %rem3A_265 = arith.remui %scan3A_122, %rem3A_264 : i32
          %mul3A_266 = arith.constant 128 : i32
          %mul3A_267 = arith.muli %mul3A_266, %add3A_149 : i32
          %dma_start3A_268 = arith.constant 0 : i32
          %dma_start3A_269 = arith.constant 0 : i32
          %dma_start3A_270 = tpu.memref_slice %run_scoped3A[%rem3A_265, %dma_start3A_268, %dma_start3A_269] : memref<2x1x128xi32, #tpu.memory_space<vmem>> -> memref<1x1x128xi32, #tpu.memory_space<vmem>>
          %dma_start3A_271 = tpu.memref_squeeze %dma_start3A_270 : memref<1x1x128xi32, #tpu.memory_space<vmem>> -> memref<1x128xi32, #tpu.memory_space<vmem>>
          %dma_start3A_272 = arith.constant 0 : i32
          %dma_start3A_273 = tpu.memref_slice %arg3[%dma_start3A_272, %mul3A_267] : memref<1x32768xi32, #tpu.memory_space<hbm>> -> memref<1x128xi32, #tpu.memory_space<hbm>>
          %dma_start3A_274 = tpu.memref_slice %run_scoped3A_7[%rem3A_265] : memref<2x!tpu.dma_semaphore, #tpu.memory_space<semaphore_mem>> -> memref<1x!tpu.dma_semaphore, #tpu.memory_space<semaphore_mem>>
          %dma_start3A_275 = tpu.memref_squeeze %dma_start3A_274 : memref<1x!tpu.dma_semaphore, #tpu.memory_space<semaphore_mem>> -> memref<!tpu.dma_semaphore, #tpu.memory_space<semaphore_mem>>
          %dma_start3A_276 = arith.constant 0 : i32
          %dma_start3A_277 = arith.constant 0 : i32
          %dma_start3A_278 = tpu.memref_slice %run_scoped3A[%rem3A_265, %dma_start3A_276, %dma_start3A_277] : memref<2x1x128xi32, #tpu.memory_space<vmem>> -> memref<1x1x128xi32, #tpu.memory_space<vmem>>
          %dma_start3A_279 = tpu.memref_squeeze %dma_start3A_278 : memref<1x1x128xi32, #tpu.memory_space<vmem>> -> memref<1x128xi32, #tpu.memory_space<vmem>>
          %dma_start3A_280 = arith.constant 0 : i32
          %dma_start3A_281 = tpu.memref_slice %arg3[%dma_start3A_280, %mul3A_267] : memref<1x32768xi32, #tpu.memory_space<hbm>> -> memref<1x128xi32, #tpu.memory_space<hbm>>
          tpu.enqueue_dma source(%dma_start3A_281 : memref<1x128xi32, #tpu.memory_space<hbm>>) target(%dma_start3A_279 : memref<1x128xi32, #tpu.memory_space<vmem>>) target_semaphore(%dma_start3A_275 : memref<!tpu.dma_semaphore, #tpu.memory_space<semaphore_mem>>)
          "tpu.trace_stop"() : () -> ()
        } else {
        }
        %and3A_163 = arith.constant true
        %and3A_164 = arith.andi %and3A, %and3A_163 : i1
        %add3A_165 = arith.constant 1 : i32
        %add3A_166 = arith.addi %scan3A_122, %add3A_165 : i32
        %select_n3A_167 = arith.select %and3A_164, %add3A_166, %scan3A_122 : i32
        %ne3A_168 = arith.cmpi ne, %add3A_131, %add3A_149 : i32
        %or3A_169 = arith.constant false
        %or3A_170 = arith.ori %or3A_169, %ne3A_168 : i1
        %or3A_171 = arith.constant false
        %or3A_172 = arith.ori %or3A_170, %or3A_171 : i1
        %ge3A_173 = arith.constant 7 : i32
        %ge3A_174 = arith.cmpi sge, %scan3A_121, %ge3A_173 : i32
        %not3A_175 = arith.constant true
        %not3A_176 = arith.xori %ge3A_174, %not3A_175 : i1
        %and3A_177 = arith.andi %or3A_172, %not3A_176 : i1
        %ne3A_178 = arith.cmpi ne, %add3A_131, %add3A_140 : i32
        %or3A_179 = arith.constant false
        %or3A_180 = arith.ori %or3A_179, %ne3A_178 : i1
        %or3A_181 = arith.ori %or3A_180, %eq3A_128 : i1
        %convert_element_type3A_182 = arith.extui %or3A_181 : i1 to i32
        %cond3A_183 = arith.constant 0 : i32
        %cond3A_184 = arith.cmpi ne, %convert_element_type3A_182, %cond3A_183 : i32
        scf.if %cond3A_184 {
          "tpu.trace_start"() <{level = 10 : i32, message = "ep_wait_in"}> : () -> ()
          %mul3A_264 = arith.constant 128 : i32
          %mul3A_265 = arith.muli %mul3A_264, %add3A_131 : i32
          %rem3A_266 = arith.constant 2 : i32
          %rem3A_267 = arith.remui %scan3A_123, %rem3A_266 : i32
          %dma_wait3A_268 = arith.constant 0 : i32
          %dma_wait3A_269 = arith.constant 0 : i32
          %dma_wait3A_270 = tpu.memref_slice %run_scoped3A[%rem3A_267, %dma_wait3A_268, %dma_wait3A_269] : memref<2x1x128xi32, #tpu.memory_space<vmem>> -> memref<1x1x128xi32, #tpu.memory_space<vmem>>
          %dma_wait3A_271 = tpu.memref_squeeze %dma_wait3A_270 : memref<1x1x128xi32, #tpu.memory_space<vmem>> -> memref<1x128xi32, #tpu.memory_space<vmem>>
          %dma_wait3A_272 = arith.constant 0 : i32
          %dma_wait3A_273 = tpu.memref_slice %arg3[%dma_wait3A_272, %mul3A_265] : memref<1x32768xi32, #tpu.memory_space<hbm>> -> memref<1x128xi32, #tpu.memory_space<hbm>>
          %dma_wait3A_274 = tpu.memref_slice %run_scoped3A_7[%rem3A_267] : memref<2x!tpu.dma_semaphore, #tpu.memory_space<semaphore_mem>> -> memref<1x!tpu.dma_semaphore, #tpu.memory_space<semaphore_mem>>
          %dma_wait3A_275 = tpu.memref_squeeze %dma_wait3A_274 : memref<1x!tpu.dma_semaphore, #tpu.memory_space<semaphore_mem>> -> memref<!tpu.dma_semaphore, #tpu.memory_space<semaphore_mem>>
          %dma_wait3A_276 = arith.constant 0 : i32
          %dma_wait3A_277 = arith.constant 0 : i32
          %dma_wait3A_278 = tpu.memref_slice %run_scoped3A[%rem3A_267, %dma_wait3A_276, %dma_wait3A_277] : memref<2x1x128xi32, #tpu.memory_space<vmem>> -> memref<1x1x128xi32, #tpu.memory_space<vmem>>
          %dma_wait3A_279 = tpu.memref_squeeze %dma_wait3A_278 : memref<1x1x128xi32, #tpu.memory_space<vmem>> -> memref<1x128xi32, #tpu.memory_space<vmem>>
          %dma_wait3A_280 = arith.constant 0 : i32
          %dma_wait3A_281 = tpu.memref_slice %arg3[%dma_wait3A_280, %mul3A_265] : memref<1x32768xi32, #tpu.memory_space<hbm>> -> memref<1x128xi32, #tpu.memory_space<hbm>>
          tpu.wait_dma2 semaphore(%dma_wait3A_275 : memref<!tpu.dma_semaphore, #tpu.memory_space<semaphore_mem>>) src(%dma_wait3A_281 : memref<1x128xi32, #tpu.memory_space<hbm>>) dst(%dma_wait3A_279 : memref<1x128xi32, #tpu.memory_space<vmem>>)
          "tpu.trace_stop"() : () -> ()
        } else {
        }
        %ne3A_185 = arith.cmpi ne, %add3A_131, %add3A_140 : i32
        %or3A_186 = arith.constant false
        %or3A_187 = arith.ori %or3A_186, %ne3A_185 : i1
        %or3A_188 = arith.constant false
        %or3A_189 = arith.ori %or3A_187, %or3A_188 : i1
        %or3A_190 = arith.ori %or3A_189, %eq3A_128 : i1
        %convert_element_type3A_191 = arith.extui %or3A_190 : i1 to i32
        %cond3A_192 = arith.constant 0 : i32
        %cond3A_193 = arith.cmpi ne, %convert_element_type3A_191, %cond3A_192 : i32
        scf.if %cond3A_193 {
        } else {
        }
        %rem3A_194 = arith.constant 2 : i32
        %rem3A_195 = arith.remui %scan3A_123, %rem3A_194 : i32
        %rem3A_196 = arith.constant 2 : i32
        %rem3A_197 = arith.remui %scan3A_124, %rem3A_196 : i32
        %run_scoped3A_198 = arith.constant 0 : i32
        "tpu.trace_start"() <{level = 10 : i32, message = "ep_run_kernel"}> : () -> ()
        "tpu.region"() ({
          %run_scoped3A_264 = tpu.sem_alloc : memref<!tpu.dma_semaphore, #tpu.memory_space<semaphore_mem>>
          %dma_start3A_265 = arith.constant 0 : i32
          %dma_start3A_266 = arith.constant 0 : i32
          %dma_start3A_267 = tpu.memref_slice %run_scoped3A_8[%rem3A_197, %dma_start3A_265, %dma_start3A_266] : memref<2x128x384xf32, #tpu.memory_space<vmem>> -> memref<1x128x384xf32, #tpu.memory_space<vmem>>
          %dma_start3A_268 = tpu.memref_squeeze %dma_start3A_267 : memref<1x128x384xf32, #tpu.memory_space<vmem>> -> memref<128x384xf32, #tpu.memory_space<vmem>>
          %dma_start3A_269 = arith.constant 0 : i32
          %dma_start3A_270 = arith.constant 0 : i32
          %dma_start3A_271 = tpu.memref_slice %run_scoped3A[%rem3A_195, %dma_start3A_269, %dma_start3A_270] : memref<2x1x128xi32, #tpu.memory_space<vmem>> -> memref<1x1x128xi32, #tpu.memory_space<vmem>>
          %dma_start3A_272 = tpu.memref_squeeze %dma_start3A_271 : memref<1x1x128xi32, #tpu.memory_space<vmem>> -> memref<1x128xi32, #tpu.memory_space<vmem>>
          %dma_start3A_273 = arith.constant 0 : i32
          %dma_start3A_274 = tpu.memref_slice %dma_start3A_272[%run_scoped3A_198, %dma_start3A_273] : memref<1x128xi32, #tpu.memory_space<vmem>> -> memref<1x128xi32, #tpu.memory_space<vmem>>
          %dma_start3A_275 = tpu.memref_squeeze %dma_start3A_274 : memref<1x128xi32, #tpu.memory_space<vmem>> -> memref<128xi32, #tpu.memory_space<vmem>>
          %dma_start3A_276 = arith.constant 0 : i32
          %dma_start3A_277 = arith.constant 0 : i32
          %dma_start3A_278 = tpu.memref_slice %arg2[%dma_start3A_276, %dma_start3A_277] : memref<2048x384xf32, #tpu.memory_space<hbm>> -> memref<2048x384xf32, #tpu.memory_space<hbm>>
          tpu.enqueue_indirect_dma source(%dma_start3A_278 : memref<2048x384xf32, #tpu.memory_space<hbm>>) target(%dma_start3A_268 : memref<128x384xf32, #tpu.memory_space<vmem>>) offsets(%dma_start3A_275 : memref<128xi32, #tpu.memory_space<vmem>>) semaphore(%run_scoped3A_264 : memref<!tpu.dma_semaphore, #tpu.memory_space<semaphore_mem>>)
          %dma_wait3A_279 = arith.constant 0 : i32
          %dma_wait3A_280 = arith.constant 0 : i32
          %dma_wait3A_281 = tpu.memref_slice %run_scoped3A_8[%rem3A_197, %dma_wait3A_279, %dma_wait3A_280] : memref<2x128x384xf32, #tpu.memory_space<vmem>> -> memref<1x128x384xf32, #tpu.memory_space<vmem>>
          %dma_wait3A_282 = tpu.memref_squeeze %dma_wait3A_281 : memref<1x128x384xf32, #tpu.memory_space<vmem>> -> memref<128x384xf32, #tpu.memory_space<vmem>>
          %dma_wait3A_283 = arith.constant 0 : i32
          %dma_wait3A_284 = arith.constant 0 : i32
          %dma_wait3A_285 = tpu.memref_slice %run_scoped3A[%rem3A_195, %dma_wait3A_283, %dma_wait3A_284] : memref<2x1x128xi32, #tpu.memory_space<vmem>> -> memref<1x1x128xi32, #tpu.memory_space<vmem>>
          %dma_wait3A_286 = tpu.memref_squeeze %dma_wait3A_285 : memref<1x1x128xi32, #tpu.memory_space<vmem>> -> memref<1x128xi32, #tpu.memory_space<vmem>>
          %dma_wait3A_287 = arith.constant 0 : i32
          %dma_wait3A_288 = tpu.memref_slice %dma_wait3A_286[%run_scoped3A_198, %dma_wait3A_287] : memref<1x128xi32, #tpu.memory_space<vmem>> -> memref<1x128xi32, #tpu.memory_space<vmem>>
          %dma_wait3A_289 = tpu.memref_squeeze %dma_wait3A_288 : memref<1x128xi32, #tpu.memory_space<vmem>> -> memref<128xi32, #tpu.memory_space<vmem>>
          %dma_wait3A_290 = arith.constant 0 : i32
          %dma_wait3A_291 = arith.constant 0 : i32
          %dma_wait3A_292 = tpu.memref_slice %arg2[%dma_wait3A_290, %dma_wait3A_291] : memref<2048x384xf32, #tpu.memory_space<hbm>> -> memref<2048x384xf32, #tpu.memory_space<hbm>>
          tpu.wait_indirect_dma semaphore(%run_scoped3A_264 : memref<!tpu.dma_semaphore, #tpu.memory_space<semaphore_mem>>) src(%dma_wait3A_292 : memref<2048x384xf32, #tpu.memory_space<hbm>>) dst(%dma_wait3A_282 : memref<128x384xf32, #tpu.memory_space<vmem>>)
          tpu.yield
        }) : () -> ()
        "tpu.trace_stop"() : () -> ()
        %ne3A_199 = arith.cmpi ne, %add3A_131, %add3A_149 : i32
        %or3A_200 = arith.constant false
        %or3A_201 = arith.ori %or3A_200, %ne3A_199 : i1
        %or3A_202 = arith.ori %or3A_201, %eq3A_130 : i1
        %convert_element_type3A_203 = arith.extui %or3A_202 : i1 to i32
        %cond3A_204 = arith.constant 0 : i32
        %cond3A_205 = arith.cmpi ne, %convert_element_type3A_203, %cond3A_204 : i32
        scf.if %cond3A_205 {
        } else {
        }
        %and3A_206 = arith.constant false
        %and3A_207 = arith.andi %or3A_202, %and3A_206 : i1
        %ne3A_208 = arith.cmpi ne, %add3A_131, %add3A_149 : i32
        %or3A_209 = arith.constant false
        %or3A_210 = arith.ori %or3A_209, %ne3A_208 : i1
        %or3A_211 = arith.constant false
        %or3A_212 = arith.ori %or3A_210, %or3A_211 : i1
        %or3A_213 = arith.ori %or3A_212, %eq3A_130 : i1
        %convert_element_type3A_214 = arith.extui %or3A_213 : i1 to i32
        %cond3A_215 = arith.constant 0 : i32
        %cond3A_216 = arith.cmpi ne, %convert_element_type3A_214, %cond3A_215 : i32
        scf.if %cond3A_216 {
          "tpu.trace_start"() <{level = 10 : i32, message = "ep_copy_out"}> : () -> ()
          %rem3A_264 = arith.constant 2 : i32
          %rem3A_265 = arith.remui %scan3A_124, %rem3A_264 : i32
          %mul3A_266 = arith.constant 128 : i32
          %mul3A_267 = arith.muli %mul3A_266, %add3A_131 : i32
          %dma_start3A_268 = arith.constant 0 : i32
          %dma_start3A_269 = arith.constant 0 : i32
          %dma_start3A_270 = tpu.memref_slice %run_scoped3A_8[%rem3A_265, %dma_start3A_268, %dma_start3A_269] : memref<2x128x384xf32, #tpu.memory_space<vmem>> -> memref<1x128x384xf32, #tpu.memory_space<vmem>>
          %dma_start3A_271 = tpu.memref_squeeze %dma_start3A_270 : memref<1x128x384xf32, #tpu.memory_space<vmem>> -> memref<128x384xf32, #tpu.memory_space<vmem>>
          %dma_start3A_272 = arith.constant 0 : i32
          %dma_start3A_273 = tpu.memref_slice %arg4[%mul3A_267, %dma_start3A_272] : memref<32768x384xf32, #tpu.memory_space<hbm>> -> memref<128x384xf32, #tpu.memory_space<hbm>>
          %dma_start3A_274 = tpu.memref_slice %run_scoped3A_9[%rem3A_265] : memref<2x!tpu.dma_semaphore, #tpu.memory_space<semaphore_mem>> -> memref<1x!tpu.dma_semaphore, #tpu.memory_space<semaphore_mem>>
          %dma_start3A_275 = tpu.memref_squeeze %dma_start3A_274 : memref<1x!tpu.dma_semaphore, #tpu.memory_space<semaphore_mem>> -> memref<!tpu.dma_semaphore, #tpu.memory_space<semaphore_mem>>
          %dma_start3A_276 = arith.constant 0 : i32
          %dma_start3A_277 = tpu.memref_slice %arg4[%mul3A_267, %dma_start3A_276] : memref<32768x384xf32, #tpu.memory_space<hbm>> -> memref<128x384xf32, #tpu.memory_space<hbm>>
          %dma_start3A_278 = arith.constant 0 : i32
          %dma_start3A_279 = arith.constant 0 : i32
          %dma_start3A_280 = tpu.memref_slice %run_scoped3A_8[%rem3A_265, %dma_start3A_278, %dma_start3A_279] : memref<2x128x384xf32, #tpu.memory_space<vmem>> -> memref<1x128x384xf32, #tpu.memory_space<vmem>>
          %dma_start3A_281 = tpu.memref_squeeze %dma_start3A_280 : memref<1x128x384xf32, #tpu.memory_space<vmem>> -> memref<128x384xf32, #tpu.memory_space<vmem>>
          tpu.enqueue_dma source(%dma_start3A_281 : memref<128x384xf32, #tpu.memory_space<vmem>>) target(%dma_start3A_277 : memref<128x384xf32, #tpu.memory_space<hbm>>) target_semaphore(%dma_start3A_275 : memref<!tpu.dma_semaphore, #tpu.memory_space<semaphore_mem>>)
          "tpu.trace_stop"() : () -> ()
        } else {
        }
        %and3A_217 = arith.constant true
        %and3A_218 = arith.andi %or3A_213, %and3A_217 : i1
        %add3A_219 = arith.constant 1 : i32
        %add3A_220 = arith.addi %scan3A_124, %add3A_219 : i32
        %select_n3A_221 = arith.select %and3A_218, %add3A_220, %scan3A_124 : i32
        %ne3A_222 = arith.cmpi ne, %add3A_131, %add3A_140 : i32
        %or3A_223 = arith.constant false
        %or3A_224 = arith.ori %or3A_223, %ne3A_222 : i1
        %not3A_225 = arith.constant true
        %not3A_226 = arith.xori %eq3A_128, %not3A_225 : i1
        %and3A_227 = arith.andi %or3A_224, %not3A_226 : i1
        %convert_element_type3A_228 = arith.extui %and3A_227 : i1 to i32
        %cond3A_229 = arith.constant 0 : i32
        %cond3A_230 = arith.cmpi ne, %convert_element_type3A_228, %cond3A_229 : i32
        scf.if %cond3A_230 {
        } else {
        }
        %and3A_231 = arith.constant false
        %and3A_232 = arith.andi %and3A_227, %and3A_231 : i1
        %ne3A_233 = arith.cmpi ne, %add3A_131, %add3A_140 : i32
        %or3A_234 = arith.constant false
        %or3A_235 = arith.ori %or3A_234, %ne3A_233 : i1
        %or3A_236 = arith.constant false
        %or3A_237 = arith.ori %or3A_235, %or3A_236 : i1
        %not3A_238 = arith.constant true
        %not3A_239 = arith.xori %eq3A_128, %not3A_238 : i1
        %and3A_240 = arith.andi %or3A_237, %not3A_239 : i1
        %convert_element_type3A_241 = arith.extui %and3A_240 : i1 to i32
        %cond3A_242 = arith.constant 0 : i32
        %cond3A_243 = arith.cmpi ne, %convert_element_type3A_241, %cond3A_242 : i32
        scf.if %cond3A_243 {
          "tpu.trace_start"() <{level = 10 : i32, message = "ep_wait_out"}> : () -> ()
          %rem3A_264 = arith.constant 2 : i32
          %rem3A_265 = arith.remui %scan3A_125, %rem3A_264 : i32
          %mul3A_266 = arith.constant 128 : i32
          %mul3A_267 = arith.muli %mul3A_266, %add3A_140 : i32
          %dma_wait3A_268 = arith.constant 0 : i32
          %dma_wait3A_269 = arith.constant 0 : i32
          %dma_wait3A_270 = tpu.memref_slice %run_scoped3A_8[%rem3A_265, %dma_wait3A_268, %dma_wait3A_269] : memref<2x128x384xf32, #tpu.memory_space<vmem>> -> memref<1x128x384xf32, #tpu.memory_space<vmem>>
          %dma_wait3A_271 = tpu.memref_squeeze %dma_wait3A_270 : memref<1x128x384xf32, #tpu.memory_space<vmem>> -> memref<128x384xf32, #tpu.memory_space<vmem>>
          %dma_wait3A_272 = arith.constant 0 : i32
          %dma_wait3A_273 = tpu.memref_slice %arg4[%mul3A_267, %dma_wait3A_272] : memref<32768x384xf32, #tpu.memory_space<hbm>> -> memref<128x384xf32, #tpu.memory_space<hbm>>
          %dma_wait3A_274 = tpu.memref_slice %run_scoped3A_9[%rem3A_265] : memref<2x!tpu.dma_semaphore, #tpu.memory_space<semaphore_mem>> -> memref<1x!tpu.dma_semaphore, #tpu.memory_space<semaphore_mem>>
          %dma_wait3A_275 = tpu.memref_squeeze %dma_wait3A_274 : memref<1x!tpu.dma_semaphore, #tpu.memory_space<semaphore_mem>> -> memref<!tpu.dma_semaphore, #tpu.memory_space<semaphore_mem>>
          %dma_wait3A_276 = arith.constant 0 : i32
          %dma_wait3A_277 = tpu.memref_slice %arg4[%mul3A_267, %dma_wait3A_276] : memref<32768x384xf32, #tpu.memory_space<hbm>> -> memref<128x384xf32, #tpu.memory_space<hbm>>
          %dma_wait3A_278 = arith.constant 0 : i32
          %dma_wait3A_279 = arith.constant 0 : i32
          %dma_wait3A_280 = tpu.memref_slice %run_scoped3A_8[%rem3A_265, %dma_wait3A_278, %dma_wait3A_279] : memref<2x128x384xf32, #tpu.memory_space<vmem>> -> memref<1x128x384xf32, #tpu.memory_space<vmem>>
          %dma_wait3A_281 = tpu.memref_squeeze %dma_wait3A_280 : memref<1x128x384xf32, #tpu.memory_space<vmem>> -> memref<128x384xf32, #tpu.memory_space<vmem>>
          tpu.wait_dma2 semaphore(%dma_wait3A_275 : memref<!tpu.dma_semaphore, #tpu.memory_space<semaphore_mem>>) src(%dma_wait3A_281 : memref<128x384xf32, #tpu.memory_space<vmem>>) dst(%dma_wait3A_277 : memref<128x384xf32, #tpu.memory_space<hbm>>)
          "tpu.trace_stop"() : () -> ()
        } else {
        }
        %and3A_244 = arith.constant true
        %and3A_245 = arith.andi %and3A_240, %and3A_244 : i1
        %add3A_246 = arith.constant 1 : i32
        %add3A_247 = arith.addi %scan3A_125, %add3A_246 : i32
        %select_n3A_248 = arith.select %and3A_245, %add3A_247, %scan3A_125 : i32
        %ne3A_249 = arith.cmpi ne, %add3A_131, %add3A_149 : i32
        %or3A_250 = arith.constant false
        %or3A_251 = arith.ori %or3A_250, %ne3A_249 : i1
        %or3A_252 = arith.ori %or3A_251, %eq3A_130 : i1
        %add3A_253 = arith.constant 1 : i32
        %add3A_254 = arith.addi %scan3A_123, %add3A_253 : i32
        %select_n3A_255 = arith.select %or3A_252, %add3A_254, %scan3A_123 : i32
        %add3A_256 = arith.constant 1 : i32
        %add3A_257 = arith.addi %scan3A_126, %add3A_256 : i32
        %select_n3A_258 = arith.constant true
        %select_n3A_259 = arith.select %select_n3A_258, %add3A_257, %scan3A_126 : i32
        %eq3A_260 = arith.constant 8 : i32
        %eq3A_261 = arith.cmpi eq, %select_n3A_259, %eq3A_260 : i32
        %select_n3A_262 = arith.constant 0 : i32
        %select_n3A_263 = arith.select %eq3A_261, %select_n3A_262, %select_n3A_259 : i32
        scf.yield %select_n3A_167, %select_n3A_255, %select_n3A_221, %select_n3A_248, %select_n3A_263 : i32, i32, i32, i32, i32
      }
      %scan3A_68 = arith.constant 8 : i32
      %sub3A = arith.constant 1 : i32
      %sub3A_69 = arith.subi %scan3A_67#4, %sub3A : i32
      %select_n3A_70 = arith.constant true
      %select_n3A_71 = arith.select %select_n3A_70, %sub3A_69, %scan3A_67#4 : i32
      %eq3A_72 = arith.constant -1 : i32
      %eq3A_73 = arith.cmpi eq, %select_n3A_71, %eq3A_72 : i32
      %select_n3A_74 = arith.constant 7 : i32
      %select_n3A_75 = arith.select %eq3A_73, %select_n3A_74, %select_n3A_71 : i32
      %add3A_76 = arith.addi %select_n3A_75, %mul3A_6 : i32
      %sub3A_77 = arith.constant 1 : i32
      %sub3A_78 = arith.subi %select_n3A_75, %sub3A_77 : i32
      %select_n3A_79 = arith.constant true
      %select_n3A_80 = arith.select %select_n3A_79, %sub3A_78, %select_n3A_75 : i32
      %eq3A_81 = arith.constant -1 : i32
      %eq3A_82 = arith.cmpi eq, %select_n3A_80, %eq3A_81 : i32
      %select_n3A_83 = arith.constant 7 : i32
      %select_n3A_84 = arith.select %eq3A_82, %select_n3A_83, %select_n3A_80 : i32
      %add3A_85 = arith.addi %select_n3A_84, %mul3A_6 : i32
      %add3A_86 = arith.constant 1 : i32
      %add3A_87 = arith.addi %select_n3A_75, %add3A_86 : i32
      %select_n3A_88 = arith.constant true
      %select_n3A_89 = arith.select %select_n3A_88, %add3A_87, %select_n3A_75 : i32
      %eq3A_90 = arith.constant 8 : i32
      %eq3A_91 = arith.cmpi eq, %select_n3A_89, %eq3A_90 : i32
      %select_n3A_92 = arith.constant 0 : i32
      %select_n3A_93 = arith.select %eq3A_91, %select_n3A_92, %select_n3A_89 : i32
      %add3A_94 = arith.addi %select_n3A_93, %mul3A_6 : i32
      %add3A_95 = arith.constant 1 : i32
      %add3A_96 = arith.addi %select_n3A_93, %add3A_95 : i32
      %select_n3A_97 = arith.constant true
      %select_n3A_98 = arith.select %select_n3A_97, %add3A_96, %select_n3A_93 : i32
      %eq3A_99 = arith.constant 8 : i32
      %eq3A_100 = arith.cmpi eq, %select_n3A_98, %eq3A_99 : i32
      %select_n3A_101 = arith.constant 0 : i32
      %select_n3A_102 = arith.select %eq3A_100, %select_n3A_101, %select_n3A_98 : i32
      %add3A_103 = arith.addi %select_n3A_102, %mul3A_6 : i32
      "tpu.trace_start"() <{level = 10 : i32, message = "ep_finalize"}> : () -> ()
      %rem3A_104 = arith.constant 2 : i32
      %rem3A_105 = arith.remui %scan3A_67#3, %rem3A_104 : i32
      %mul3A_106 = arith.constant 128 : i32
      %mul3A_107 = arith.muli %mul3A_106, %add3A_76 : i32
      %dma_wait3A = arith.constant 0 : i32
      %dma_wait3A_108 = arith.constant 0 : i32
      %dma_wait3A_109 = tpu.memref_slice %run_scoped3A_8[%rem3A_105, %dma_wait3A, %dma_wait3A_108] : memref<2x128x384xf32, #tpu.memory_space<vmem>> -> memref<1x128x384xf32, #tpu.memory_space<vmem>>
      %dma_wait3A_110 = tpu.memref_squeeze %dma_wait3A_109 : memref<1x128x384xf32, #tpu.memory_space<vmem>> -> memref<128x384xf32, #tpu.memory_space<vmem>>
      %dma_wait3A_111 = arith.constant 0 : i32
      %dma_wait3A_112 = tpu.memref_slice %arg4[%mul3A_107, %dma_wait3A_111] : memref<32768x384xf32, #tpu.memory_space<hbm>> -> memref<128x384xf32, #tpu.memory_space<hbm>>
      %dma_wait3A_113 = tpu.memref_slice %run_scoped3A_9[%rem3A_105] : memref<2x!tpu.dma_semaphore, #tpu.memory_space<semaphore_mem>> -> memref<1x!tpu.dma_semaphore, #tpu.memory_space<semaphore_mem>>
      %dma_wait3A_114 = tpu.memref_squeeze %dma_wait3A_113 : memref<1x!tpu.dma_semaphore, #tpu.memory_space<semaphore_mem>> -> memref<!tpu.dma_semaphore, #tpu.memory_space<semaphore_mem>>
      %dma_wait3A_115 = arith.constant 0 : i32
      %dma_wait3A_116 = tpu.memref_slice %arg4[%mul3A_107, %dma_wait3A_115] : memref<32768x384xf32, #tpu.memory_space<hbm>> -> memref<128x384xf32, #tpu.memory_space<hbm>>
      %dma_wait3A_117 = arith.constant 0 : i32
      %dma_wait3A_118 = arith.constant 0 : i32
      %dma_wait3A_119 = tpu.memref_slice %run_scoped3A_8[%rem3A_105, %dma_wait3A_117, %dma_wait3A_118] : memref<2x128x384xf32, #tpu.memory_space<vmem>> -> memref<1x128x384xf32, #tpu.memory_space<vmem>>
      %dma_wait3A_120 = tpu.memref_squeeze %dma_wait3A_119 : memref<1x128x384xf32, #tpu.memory_space<vmem>> -> memref<128x384xf32, #tpu.memory_space<vmem>>
      tpu.wait_dma2 semaphore(%dma_wait3A_114 : memref<!tpu.dma_semaphore, #tpu.memory_space<semaphore_mem>>) src(%dma_wait3A_120 : memref<128x384xf32, #tpu.memory_space<vmem>>) dst(%dma_wait3A_116 : memref<128x384xf32, #tpu.memory_space<hbm>>)
      "tpu.trace_stop"() : () -> ()
      tpu.yield
    }) : () -> ()
    return
  }
}

#map = affine_map<(d0, d1) -> (0, 0)>
module attributes {stable_mosaic.version = 14 : i64} {
  func.func @sc_kernel(%arg0: i32, %arg1: i32, %arg2: memref<2048x384xf32, #tpu.memory_space<hbm>>, %arg3: memref<1x32768xi32, #tpu.memory_space<hbm>>, %arg4: memref<32768x384xf32, #tpu.memory_space<hbm>>) attributes {dimension_semantics = [#tpu.dimension_semantics<core_parallel>, #tpu.dimension_semantics<subcore_parallel>], iteration_bounds = array<i64: 2, 16>, scalar_prefetch = 0 : i64, scratch_operands = 0 : i64, tpu.core_type = #tpu.core_type<sc_vector_subcore>, window_params = [{transform_indices = #map}, {transform_indices = #map}, {transform_indices = #map}]} {
    %mul3A = arith.constant 1 : i32
    %mul3A_0 = arith.muli %arg1, %mul3A : i32
    %add3A = arith.constant 0 : i32
    %add3A_1 = arith.addi %add3A, %mul3A_0 : i32
    %mul3A_2 = arith.constant 16 : i32
    %mul3A_3 = arith.muli %arg0, %mul3A_2 : i32
    %add3A_4 = arith.addi %add3A_1, %mul3A_3 : i32
    %mul3A_5 = arith.constant 8 : i32
    %mul3A_6 = arith.muli %add3A_4, %mul3A_5 : i32
    "tpu.region"() ({
      %run_scoped3A = memref.alloca() : memref<2x1x128xi32, #tpu.memory_space<vmem>>
      %run_scoped3A_7 = tpu.sem_alloc : memref<2x!tpu.dma_semaphore, #tpu.memory_space<semaphore_mem>>
      %run_scoped3A_8 = memref.alloca() : memref<2x128x384xf32, #tpu.memory_space<vmem>>
      %run_scoped3A_9 = tpu.sem_alloc : memref<2x!tpu.dma_semaphore, #tpu.memory_space<semaphore_mem>>
      %add3A_10 = arith.constant 0 : i32
      %add3A_11 = arith.addi %add3A_10, %mul3A_6 : i32
      %select_n3A = arith.constant true
      %select_n3A_12 = arith.constant 0 : i32
      %select_n3A_13 = arith.constant -1 : i32
      %select_n3A_14 = arith.select %select_n3A, %select_n3A_13, %select_n3A_12 : i32
      %eq3A = arith.constant -1 : i32
      %eq3A_15 = arith.cmpi eq, %select_n3A_14, %eq3A : i32
      %select_n3A_16 = arith.constant 7 : i32
      %select_n3A_17 = arith.select %eq3A_15, %select_n3A_16, %select_n3A_14 : i32
      %add3A_18 = arith.addi %select_n3A_17, %mul3A_6 : i32
      %select_n3A_19 = arith.constant true
      %select_n3A_20 = arith.constant 0 : i32
      %select_n3A_21 = arith.constant 1 : i32
      %select_n3A_22 = arith.select %select_n3A_19, %select_n3A_21, %select_n3A_20 : i32
      %eq3A_23 = arith.constant 8 : i32
      %eq3A_24 = arith.cmpi eq, %select_n3A_22, %eq3A_23 : i32
      %select_n3A_25 = arith.constant 0 : i32
      %select_n3A_26 = arith.select %eq3A_24, %select_n3A_25, %select_n3A_22 : i32
      %add3A_27 = arith.addi %select_n3A_26, %mul3A_6 : i32
      %add3A_28 = arith.constant 1 : i32
      %add3A_29 = arith.addi %select_n3A_26, %add3A_28 : i32
      %select_n3A_30 = arith.constant true
      %select_n3A_31 = arith.select %select_n3A_30, %add3A_29, %select_n3A_26 : i32
      %eq3A_32 = arith.constant 8 : i32
      %eq3A_33 = arith.cmpi eq, %select_n3A_31, %eq3A_32 : i32
      %select_n3A_34 = arith.constant 0 : i32
      %select_n3A_35 = arith.select %eq3A_33, %select_n3A_34, %select_n3A_31 : i32
      %add3A_36 = arith.addi %select_n3A_35, %mul3A_6 : i32
      "tpu.trace_start"() <{level = 10 : i32, message = "ep_initialize_0"}> : () -> ()
      %rem3A = arith.constant 0 : i32
      %rem3A_37 = arith.constant 2 : i32
      %rem3A_38 = arith.remui %rem3A, %rem3A_37 : i32
      %mul3A_39 = arith.constant 128 : i32
      %mul3A_40 = arith.muli %mul3A_39, %add3A_11 : i32
      %dma_start3A = arith.constant 0 : i32
      %dma_start3A_41 = arith.constant 0 : i32
      %dma_start3A_42 = tpu.memref_slice %run_scoped3A[%rem3A_38, %dma_start3A, %dma_start3A_41] : memref<2x1x128xi32, #tpu.memory_space<vmem>> -> memref<1x1x128xi32, #tpu.memory_space<vmem>>
      %dma_start3A_43 = tpu.memref_squeeze %dma_start3A_42 : memref<1x1x128xi32, #tpu.memory_space<vmem>> -> memref<1x128xi32, #tpu.memory_space<vmem>>
      %dma_start3A_44 = arith.constant 0 : i32
      %dma_start3A_45 = tpu.memref_slice %arg3[%dma_start3A_44, %mul3A_40] : memref<1x32768xi32, #tpu.memory_space<hbm>> -> memref<1x128xi32, #tpu.memory_space<hbm>>
      %dma_start3A_46 = tpu.memref_slice %run_scoped3A_7[%rem3A_38] : memref<2x!tpu.dma_semaphore, #tpu.memory_space<semaphore_mem>> -> memref<1x!tpu.dma_semaphore, #tpu.memory_space<semaphore_mem>>
      %dma_start3A_47 = tpu.memref_squeeze %dma_start3A_46 : memref<1x!tpu.dma_semaphore, #tpu.memory_space<semaphore_mem>> -> memref<!tpu.dma_semaphore, #tpu.memory_space<semaphore_mem>>
      %dma_start3A_48 = arith.constant 0 : i32
      %dma_start3A_49 = arith.constant 0 : i32
      %dma_start3A_50 = tpu.memref_slice %run_scoped3A[%rem3A_38, %dma_start3A_48, %dma_start3A_49] : memref<2x1x128xi32, #tpu.memory_space<vmem>> -> memref<1x1x128xi32, #tpu.memory_space<vmem>>
      %dma_start3A_51 = tpu.memref_squeeze %dma_start3A_50 : memref<1x1x128xi32, #tpu.memory_space<vmem>> -> memref<1x128xi32, #tpu.memory_space<vmem>>
      %dma_start3A_52 = arith.constant 0 : i32
      %dma_start3A_53 = tpu.memref_slice %arg3[%dma_start3A_52, %mul3A_40] : memref<1x32768xi32, #tpu.memory_space<hbm>> -> memref<1x128xi32, #tpu.memory_space<hbm>>
      tpu.enqueue_dma source(%dma_start3A_53 : memref<1x128xi32, #tpu.memory_space<hbm>>) target(%dma_start3A_51 : memref<1x128xi32, #tpu.memory_space<vmem>>) target_semaphore(%dma_start3A_47 : memref<!tpu.dma_semaphore, #tpu.memory_space<semaphore_mem>>)
      %add3A_54 = arith.constant 0 : i32
      %add3A_55 = arith.constant 1 : i32
      %add3A_56 = arith.addi %add3A_54, %add3A_55 : i32
      %select_n3A_57 = arith.constant true
      %select_n3A_58 = arith.constant 0 : i32
      %select_n3A_59 = arith.select %select_n3A_57, %add3A_56, %select_n3A_58 : i32
      "tpu.trace_stop"() : () -> ()
      %scan3A = arith.constant 0 : i32
      %scan3A_60 = arith.constant 0 : i32
      %scan3A_61 = arith.constant 0 : i32
      %scan3A_62 = arith.constant 0 : i32
      %scan3A_63 = arith.constant 0 : i32
      %scan3A_64 = arith.constant 8 : i32
      %scan3A_65 = arith.addi %scan3A_63, %scan3A_64 : i32
      %scan3A_66 = arith.constant 1 : i32
      %scan3A_67:5 = scf.for %scan3A_121 = %scan3A_63 to %scan3A_65 step %scan3A_66 iter_args(%scan3A_122 = %select_n3A_59, %scan3A_123 = %scan3A, %scan3A_124 = %scan3A_60, %scan3A_125 = %scan3A_61, %scan3A_126 = %scan3A_62) -> (i32, i32, i32, i32, i32)  : i32 {
        %eq3A_127 = arith.constant 0 : i32
        %eq3A_128 = arith.cmpi eq, %scan3A_121, %eq3A_127 : i32
        %eq3A_129 = arith.constant 7 : i32
        %eq3A_130 = arith.cmpi eq, %scan3A_121, %eq3A_129 : i32
        %add3A_131 = arith.addi %scan3A_126, %mul3A_6 : i32
        %sub3A_132 = arith.constant 1 : i32
        %sub3A_133 = arith.subi %scan3A_126, %sub3A_132 : i32
        %select_n3A_134 = arith.constant true
        %select_n3A_135 = arith.select %select_n3A_134, %sub3A_133, %scan3A_126 : i32
        %eq3A_136 = arith.constant -1 : i32
        %eq3A_137 = arith.cmpi eq, %select_n3A_135, %eq3A_136 : i32
        %select_n3A_138 = arith.constant 7 : i32
        %select_n3A_139 = arith.select %eq3A_137, %select_n3A_138, %select_n3A_135 : i32
        %add3A_140 = arith.addi %select_n3A_139, %mul3A_6 : i32
        %add3A_141 = arith.constant 1 : i32
        %add3A_142 = arith.addi %scan3A_126, %add3A_141 : i32
        %select_n3A_143 = arith.constant true
        %select_n3A_144 = arith.select %select_n3A_143, %add3A_142, %scan3A_126 : i32
        %eq3A_145 = arith.constant 8 : i32
        %eq3A_146 = arith.cmpi eq, %select_n3A_144, %eq3A_145 : i32
        %select_n3A_147 = arith.constant 0 : i32
        %select_n3A_148 = arith.select %eq3A_146, %select_n3A_147, %select_n3A_144 : i32
        %add3A_149 = arith.addi %select_n3A_148, %mul3A_6 : i32
        %add3A_150 = arith.constant 1 : i32
        %add3A_151 = arith.addi %select_n3A_148, %add3A_150 : i32
        %select_n3A_152 = arith.constant true
        %select_n3A_153 = arith.select %select_n3A_152, %add3A_151, %select_n3A_148 : i32
        %eq3A_154 = arith.constant 8 : i32
        %eq3A_155 = arith.cmpi eq, %select_n3A_153, %eq3A_154 : i32
        %select_n3A_156 = arith.constant 0 : i32
        %select_n3A_157 = arith.select %eq3A_155, %select_n3A_156, %select_n3A_153 : i32
        %add3A_158 = arith.addi %select_n3A_157, %mul3A_6 : i32
        %ne3A = arith.cmpi ne, %add3A_131, %add3A_149 : i32
        %or3A = arith.constant false
        %or3A_159 = arith.ori %or3A, %ne3A : i1
        %ge3A = arith.constant 7 : i32
        %ge3A_160 = arith.cmpi sge, %scan3A_121, %ge3A : i32
        %not3A = arith.constant true
        %not3A_161 = arith.xori %ge3A_160, %not3A : i1
        %and3A = arith.andi %or3A_159, %not3A_161 : i1
        %convert_element_type3A = arith.extui %and3A : i1 to i32
        %cond3A = arith.constant 0 : i32
        %cond3A_162 = arith.cmpi ne, %convert_element_type3A, %cond3A : i32
        scf.if %cond3A_162 {
          "tpu.trace_start"() <{level = 10 : i32, message = "ep_copy_in"}> : () -> ()
          %rem3A_264 = arith.constant 2 : i32
          %rem3A_265 = arith.remui %scan3A_122, %rem3A_264 : i32
          %mul3A_266 = arith.constant 128 : i32
          %mul3A_267 = arith.muli %mul3A_266, %add3A_149 : i32
          %dma_start3A_268 = arith.constant 0 : i32
          %dma_start3A_269 = arith.constant 0 : i32
          %dma_start3A_270 = tpu.memref_slice %run_scoped3A[%rem3A_265, %dma_start3A_268, %dma_start3A_269] : memref<2x1x128xi32, #tpu.memory_space<vmem>> -> memref<1x1x128xi32, #tpu.memory_space<vmem>>
          %dma_start3A_271 = tpu.memref_squeeze %dma_start3A_270 : memref<1x1x128xi32, #tpu.memory_space<vmem>> -> memref<1x128xi32, #tpu.memory_space<vmem>>
          %dma_start3A_272 = arith.constant 0 : i32
          %dma_start3A_273 = tpu.memref_slice %arg3[%dma_start3A_272, %mul3A_267] : memref<1x32768xi32, #tpu.memory_space<hbm>> -> memref<1x128xi32, #tpu.memory_space<hbm>>
          %dma_start3A_274 = tpu.memref_slice %run_scoped3A_7[%rem3A_265] : memref<2x!tpu.dma_semaphore, #tpu.memory_space<semaphore_mem>> -> memref<1x!tpu.dma_semaphore, #tpu.memory_space<semaphore_mem>>
          %dma_start3A_275 = tpu.memref_squeeze %dma_start3A_274 : memref<1x!tpu.dma_semaphore, #tpu.memory_space<semaphore_mem>> -> memref<!tpu.dma_semaphore, #tpu.memory_space<semaphore_mem>>
          %dma_start3A_276 = arith.constant 0 : i32
          %dma_start3A_277 = arith.constant 0 : i32
          %dma_start3A_278 = tpu.memref_slice %run_scoped3A[%rem3A_265, %dma_start3A_276, %dma_start3A_277] : memref<2x1x128xi32, #tpu.memory_space<vmem>> -> memref<1x1x128xi32, #tpu.memory_space<vmem>>
          %dma_start3A_279 = tpu.memref_squeeze %dma_start3A_278 : memref<1x1x128xi32, #tpu.memory_space<vmem>> -> memref<1x128xi32, #tpu.memory_space<vmem>>
          %dma_start3A_280 = arith.constant 0 : i32
          %dma_start3A_281 = tpu.memref_slice %arg3[%dma_start3A_280, %mul3A_267] : memref<1x32768xi32, #tpu.memory_space<hbm>> -> memref<1x128xi32, #tpu.memory_space<hbm>>
          tpu.enqueue_dma source(%dma_start3A_281 : memref<1x128xi32, #tpu.memory_space<hbm>>) target(%dma_start3A_279 : memref<1x128xi32, #tpu.memory_space<vmem>>) target_semaphore(%dma_start3A_275 : memref<!tpu.dma_semaphore, #tpu.memory_space<semaphore_mem>>)
          "tpu.trace_stop"() : () -> ()
        } else {
        }
        %and3A_163 = arith.constant true
        %and3A_164 = arith.andi %and3A, %and3A_163 : i1
        %add3A_165 = arith.constant 1 : i32
        %add3A_166 = arith.addi %scan3A_122, %add3A_165 : i32
        %select_n3A_167 = arith.select %and3A_164, %add3A_166, %scan3A_122 : i32
        %ne3A_168 = arith.cmpi ne, %add3A_131, %add3A_149 : i32
        %or3A_169 = arith.constant false
        %or3A_170 = arith.ori %or3A_169, %ne3A_168 : i1
        %or3A_171 = arith.constant false
        %or3A_172 = arith.ori %or3A_170, %or3A_171 : i1
        %ge3A_173 = arith.constant 7 : i32
        %ge3A_174 = arith.cmpi sge, %scan3A_121, %ge3A_173 : i32
        %not3A_175 = arith.constant true
        %not3A_176 = arith.xori %ge3A_174, %not3A_175 : i1
        %and3A_177 = arith.andi %or3A_172, %not3A_176 : i1
        %ne3A_178 = arith.cmpi ne, %add3A_131, %add3A_140 : i32
        %or3A_179 = arith.constant false
        %or3A_180 = arith.ori %or3A_179, %ne3A_178 : i1
        %or3A_181 = arith.ori %or3A_180, %eq3A_128 : i1
        %convert_element_type3A_182 = arith.extui %or3A_181 : i1 to i32
        %cond3A_183 = arith.constant 0 : i32
        %cond3A_184 = arith.cmpi ne, %convert_element_type3A_182, %cond3A_183 : i32
        scf.if %cond3A_184 {
          "tpu.trace_start"() <{level = 10 : i32, message = "ep_wait_in"}> : () -> ()
          %mul3A_264 = arith.constant 128 : i32
          %mul3A_265 = arith.muli %mul3A_264, %add3A_131 : i32
          %rem3A_266 = arith.constant 2 : i32
          %rem3A_267 = arith.remui %scan3A_123, %rem3A_266 : i32
          %dma_wait3A_268 = arith.constant 0 : i32
          %dma_wait3A_269 = arith.constant 0 : i32
          %dma_wait3A_270 = tpu.memref_slice %run_scoped3A[%rem3A_267, %dma_wait3A_268, %dma_wait3A_269] : memref<2x1x128xi32, #tpu.memory_space<vmem>> -> memref<1x1x128xi32, #tpu.memory_space<vmem>>
          %dma_wait3A_271 = tpu.memref_squeeze %dma_wait3A_270 : memref<1x1x128xi32, #tpu.memory_space<vmem>> -> memref<1x128xi32, #tpu.memory_space<vmem>>
          %dma_wait3A_272 = arith.constant 0 : i32
          %dma_wait3A_273 = tpu.memref_slice %arg3[%dma_wait3A_272, %mul3A_265] : memref<1x32768xi32, #tpu.memory_space<hbm>> -> memref<1x128xi32, #tpu.memory_space<hbm>>
          %dma_wait3A_274 = tpu.memref_slice %run_scoped3A_7[%rem3A_267] : memref<2x!tpu.dma_semaphore, #tpu.memory_space<semaphore_mem>> -> memref<1x!tpu.dma_semaphore, #tpu.memory_space<semaphore_mem>>
          %dma_wait3A_275 = tpu.memref_squeeze %dma_wait3A_274 : memref<1x!tpu.dma_semaphore, #tpu.memory_space<semaphore_mem>> -> memref<!tpu.dma_semaphore, #tpu.memory_space<semaphore_mem>>
          %dma_wait3A_276 = arith.constant 0 : i32
          %dma_wait3A_277 = arith.constant 0 : i32
          %dma_wait3A_278 = tpu.memref_slice %run_scoped3A[%rem3A_267, %dma_wait3A_276, %dma_wait3A_277] : memref<2x1x128xi32, #tpu.memory_space<vmem>> -> memref<1x1x128xi32, #tpu.memory_space<vmem>>
          %dma_wait3A_279 = tpu.memref_squeeze %dma_wait3A_278 : memref<1x1x128xi32, #tpu.memory_space<vmem>> -> memref<1x128xi32, #tpu.memory_space<vmem>>
          %dma_wait3A_280 = arith.constant 0 : i32
          %dma_wait3A_281 = tpu.memref_slice %arg3[%dma_wait3A_280, %mul3A_265] : memref<1x32768xi32, #tpu.memory_space<hbm>> -> memref<1x128xi32, #tpu.memory_space<hbm>>
          tpu.wait_dma2 semaphore(%dma_wait3A_275 : memref<!tpu.dma_semaphore, #tpu.memory_space<semaphore_mem>>) src(%dma_wait3A_281 : memref<1x128xi32, #tpu.memory_space<hbm>>) dst(%dma_wait3A_279 : memref<1x128xi32, #tpu.memory_space<vmem>>)
          "tpu.trace_stop"() : () -> ()
        } else {
        }
        %ne3A_185 = arith.cmpi ne, %add3A_131, %add3A_140 : i32
        %or3A_186 = arith.constant false
        %or3A_187 = arith.ori %or3A_186, %ne3A_185 : i1
        %or3A_188 = arith.constant false
        %or3A_189 = arith.ori %or3A_187, %or3A_188 : i1
        %or3A_190 = arith.ori %or3A_189, %eq3A_128 : i1
        %convert_element_type3A_191 = arith.extui %or3A_190 : i1 to i32
        %cond3A_192 = arith.constant 0 : i32
        %cond3A_193 = arith.cmpi ne, %convert_element_type3A_191, %cond3A_192 : i32
        scf.if %cond3A_193 {
        } else {
        }
        %rem3A_194 = arith.constant 2 : i32
        %rem3A_195 = arith.remui %scan3A_123, %rem3A_194 : i32
        %rem3A_196 = arith.constant 2 : i32
        %rem3A_197 = arith.remui %scan3A_124, %rem3A_196 : i32
        %run_scoped3A_198 = arith.constant 0 : i32
        "tpu.trace_start"() <{level = 10 : i32, message = "ep_run_kernel"}> : () -> ()
        "tpu.region"() ({
          %run_scoped3A_264 = tpu.sem_alloc : memref<!tpu.dma_semaphore, #tpu.memory_space<semaphore_mem>>
          %dma_start3A_265 = arith.constant 0 : i32
          %dma_start3A_266 = arith.constant 0 : i32
          %dma_start3A_267 = tpu.memref_slice %run_scoped3A_8[%rem3A_197, %dma_start3A_265, %dma_start3A_266] : memref<2x128x384xf32, #tpu.memory_space<vmem>> -> memref<1x128x384xf32, #tpu.memory_space<vmem>>
          %dma_start3A_268 = tpu.memref_squeeze %dma_start3A_267 : memref<1x128x384xf32, #tpu.memory_space<vmem>> -> memref<128x384xf32, #tpu.memory_space<vmem>>
          %dma_start3A_269 = arith.constant 0 : i32
          %dma_start3A_270 = arith.constant 0 : i32
          %dma_start3A_271 = tpu.memref_slice %run_scoped3A[%rem3A_195, %dma_start3A_269, %dma_start3A_270] : memref<2x1x128xi32, #tpu.memory_space<vmem>> -> memref<1x1x128xi32, #tpu.memory_space<vmem>>
          %dma_start3A_272 = tpu.memref_squeeze %dma_start3A_271 : memref<1x1x128xi32, #tpu.memory_space<vmem>> -> memref<1x128xi32, #tpu.memory_space<vmem>>
          %dma_start3A_273 = arith.constant 0 : i32
          %dma_start3A_274 = tpu.memref_slice %dma_start3A_272[%run_scoped3A_198, %dma_start3A_273] : memref<1x128xi32, #tpu.memory_space<vmem>> -> memref<1x128xi32, #tpu.memory_space<vmem>>
          %dma_start3A_275 = tpu.memref_squeeze %dma_start3A_274 : memref<1x128xi32, #tpu.memory_space<vmem>> -> memref<128xi32, #tpu.memory_space<vmem>>
          %dma_start3A_276 = arith.constant 0 : i32
          %dma_start3A_277 = arith.constant 0 : i32
          %dma_start3A_278 = tpu.memref_slice %arg2[%dma_start3A_276, %dma_start3A_277] : memref<2048x384xf32, #tpu.memory_space<hbm>> -> memref<2048x384xf32, #tpu.memory_space<hbm>>
          tpu.enqueue_indirect_dma source(%dma_start3A_278 : memref<2048x384xf32, #tpu.memory_space<hbm>>) target(%dma_start3A_268 : memref<128x384xf32, #tpu.memory_space<vmem>>) offsets(%dma_start3A_275 : memref<128xi32, #tpu.memory_space<vmem>>) semaphore(%run_scoped3A_264 : memref<!tpu.dma_semaphore, #tpu.memory_space<semaphore_mem>>)
          %dma_wait3A_279 = arith.constant 0 : i32
          %dma_wait3A_280 = arith.constant 0 : i32
          %dma_wait3A_281 = tpu.memref_slice %run_scoped3A_8[%rem3A_197, %dma_wait3A_279, %dma_wait3A_280] : memref<2x128x384xf32, #tpu.memory_space<vmem>> -> memref<1x128x384xf32, #tpu.memory_space<vmem>>
          %dma_wait3A_282 = tpu.memref_squeeze %dma_wait3A_281 : memref<1x128x384xf32, #tpu.memory_space<vmem>> -> memref<128x384xf32, #tpu.memory_space<vmem>>
          %dma_wait3A_283 = arith.constant 0 : i32
          %dma_wait3A_284 = arith.constant 0 : i32
          %dma_wait3A_285 = tpu.memref_slice %run_scoped3A[%rem3A_195, %dma_wait3A_283, %dma_wait3A_284] : memref<2x1x128xi32, #tpu.memory_space<vmem>> -> memref<1x1x128xi32, #tpu.memory_space<vmem>>
          %dma_wait3A_286 = tpu.memref_squeeze %dma_wait3A_285 : memref<1x1x128xi32, #tpu.memory_space<vmem>> -> memref<1x128xi32, #tpu.memory_space<vmem>>
          %dma_wait3A_287 = arith.constant 0 : i32
          %dma_wait3A_288 = tpu.memref_slice %dma_wait3A_286[%run_scoped3A_198, %dma_wait3A_287] : memref<1x128xi32, #tpu.memory_space<vmem>> -> memref<1x128xi32, #tpu.memory_space<vmem>>
          %dma_wait3A_289 = tpu.memref_squeeze %dma_wait3A_288 : memref<1x128xi32, #tpu.memory_space<vmem>> -> memref<128xi32, #tpu.memory_space<vmem>>
          %dma_wait3A_290 = arith.constant 0 : i32
          %dma_wait3A_291 = arith.constant 0 : i32
          %dma_wait3A_292 = tpu.memref_slice %arg2[%dma_wait3A_290, %dma_wait3A_291] : memref<2048x384xf32, #tpu.memory_space<hbm>> -> memref<2048x384xf32, #tpu.memory_space<hbm>>
          tpu.wait_indirect_dma semaphore(%run_scoped3A_264 : memref<!tpu.dma_semaphore, #tpu.memory_space<semaphore_mem>>) src(%dma_wait3A_292 : memref<2048x384xf32, #tpu.memory_space<hbm>>) dst(%dma_wait3A_282 : memref<128x384xf32, #tpu.memory_space<vmem>>)
          tpu.yield
        }) : () -> ()
        "tpu.trace_stop"() : () -> ()
        %ne3A_199 = arith.cmpi ne, %add3A_131, %add3A_149 : i32
        %or3A_200 = arith.constant false
        %or3A_201 = arith.ori %or3A_200, %ne3A_199 : i1
        %or3A_202 = arith.ori %or3A_201, %eq3A_130 : i1
        %convert_element_type3A_203 = arith.extui %or3A_202 : i1 to i32
        %cond3A_204 = arith.constant 0 : i32
        %cond3A_205 = arith.cmpi ne, %convert_element_type3A_203, %cond3A_204 : i32
        scf.if %cond3A_205 {
        } else {
        }
        %and3A_206 = arith.constant false
        %and3A_207 = arith.andi %or3A_202, %and3A_206 : i1
        %ne3A_208 = arith.cmpi ne, %add3A_131, %add3A_149 : i32
        %or3A_209 = arith.constant false
        %or3A_210 = arith.ori %or3A_209, %ne3A_208 : i1
        %or3A_211 = arith.constant false
        %or3A_212 = arith.ori %or3A_210, %or3A_211 : i1
        %or3A_213 = arith.ori %or3A_212, %eq3A_130 : i1
        %convert_element_type3A_214 = arith.extui %or3A_213 : i1 to i32
        %cond3A_215 = arith.constant 0 : i32
        %cond3A_216 = arith.cmpi ne, %convert_element_type3A_214, %cond3A_215 : i32
        scf.if %cond3A_216 {
          "tpu.trace_start"() <{level = 10 : i32, message = "ep_copy_out"}> : () -> ()
          %rem3A_264 = arith.constant 2 : i32
          %rem3A_265 = arith.remui %scan3A_124, %rem3A_264 : i32
          %mul3A_266 = arith.constant 128 : i32
          %mul3A_267 = arith.muli %mul3A_266, %add3A_131 : i32
          %dma_start3A_268 = arith.constant 0 : i32
          %dma_start3A_269 = arith.constant 0 : i32
          %dma_start3A_270 = tpu.memref_slice %run_scoped3A_8[%rem3A_265, %dma_start3A_268, %dma_start3A_269] : memref<2x128x384xf32, #tpu.memory_space<vmem>> -> memref<1x128x384xf32, #tpu.memory_space<vmem>>
          %dma_start3A_271 = tpu.memref_squeeze %dma_start3A_270 : memref<1x128x384xf32, #tpu.memory_space<vmem>> -> memref<128x384xf32, #tpu.memory_space<vmem>>
          %dma_start3A_272 = arith.constant 0 : i32
          %dma_start3A_273 = tpu.memref_slice %arg4[%mul3A_267, %dma_start3A_272] : memref<32768x384xf32, #tpu.memory_space<hbm>> -> memref<128x384xf32, #tpu.memory_space<hbm>>
          %dma_start3A_274 = tpu.memref_slice %run_scoped3A_9[%rem3A_265] : memref<2x!tpu.dma_semaphore, #tpu.memory_space<semaphore_mem>> -> memref<1x!tpu.dma_semaphore, #tpu.memory_space<semaphore_mem>>
          %dma_start3A_275 = tpu.memref_squeeze %dma_start3A_274 : memref<1x!tpu.dma_semaphore, #tpu.memory_space<semaphore_mem>> -> memref<!tpu.dma_semaphore, #tpu.memory_space<semaphore_mem>>
          %dma_start3A_276 = arith.constant 0 : i32
          %dma_start3A_277 = tpu.memref_slice %arg4[%mul3A_267, %dma_start3A_276] : memref<32768x384xf32, #tpu.memory_space<hbm>> -> memref<128x384xf32, #tpu.memory_space<hbm>>
          %dma_start3A_278 = arith.constant 0 : i32
          %dma_start3A_279 = arith.constant 0 : i32
          %dma_start3A_280 = tpu.memref_slice %run_scoped3A_8[%rem3A_265, %dma_start3A_278, %dma_start3A_279] : memref<2x128x384xf32, #tpu.memory_space<vmem>> -> memref<1x128x384xf32, #tpu.memory_space<vmem>>
          %dma_start3A_281 = tpu.memref_squeeze %dma_start3A_280 : memref<1x128x384xf32, #tpu.memory_space<vmem>> -> memref<128x384xf32, #tpu.memory_space<vmem>>
          tpu.enqueue_dma source(%dma_start3A_281 : memref<128x384xf32, #tpu.memory_space<vmem>>) target(%dma_start3A_277 : memref<128x384xf32, #tpu.memory_space<hbm>>) target_semaphore(%dma_start3A_275 : memref<!tpu.dma_semaphore, #tpu.memory_space<semaphore_mem>>)
          "tpu.trace_stop"() : () -> ()
        } else {
        }
        %and3A_217 = arith.constant true
        %and3A_218 = arith.andi %or3A_213, %and3A_217 : i1
        %add3A_219 = arith.constant 1 : i32
        %add3A_220 = arith.addi %scan3A_124, %add3A_219 : i32
        %select_n3A_221 = arith.select %and3A_218, %add3A_220, %scan3A_124 : i32
        %ne3A_222 = arith.cmpi ne, %add3A_131, %add3A_140 : i32
        %or3A_223 = arith.constant false
        %or3A_224 = arith.ori %or3A_223, %ne3A_222 : i1
        %not3A_225 = arith.constant true
        %not3A_226 = arith.xori %eq3A_128, %not3A_225 : i1
        %and3A_227 = arith.andi %or3A_224, %not3A_226 : i1
        %convert_element_type3A_228 = arith.extui %and3A_227 : i1 to i32
        %cond3A_229 = arith.constant 0 : i32
        %cond3A_230 = arith.cmpi ne, %convert_element_type3A_228, %cond3A_229 : i32
        scf.if %cond3A_230 {
        } else {
        }
        %and3A_231 = arith.constant false
        %and3A_232 = arith.andi %and3A_227, %and3A_231 : i1
        %ne3A_233 = arith.cmpi ne, %add3A_131, %add3A_140 : i32
        %or3A_234 = arith.constant false
        %or3A_235 = arith.ori %or3A_234, %ne3A_233 : i1
        %or3A_236 = arith.constant false
        %or3A_237 = arith.ori %or3A_235, %or3A_236 : i1
        %not3A_238 = arith.constant true
        %not3A_239 = arith.xori %eq3A_128, %not3A_238 : i1
        %and3A_240 = arith.andi %or3A_237, %not3A_239 : i1
        %convert_element_type3A_241 = arith.extui %and3A_240 : i1 to i32
        %cond3A_242 = arith.constant 0 : i32
        %cond3A_243 = arith.cmpi ne, %convert_element_type3A_241, %cond3A_242 : i32
        scf.if %cond3A_243 {
          "tpu.trace_start"() <{level = 10 : i32, message = "ep_wait_out"}> : () -> ()
          %rem3A_264 = arith.constant 2 : i32
          %rem3A_265 = arith.remui %scan3A_125, %rem3A_264 : i32
          %mul3A_266 = arith.constant 128 : i32
          %mul3A_267 = arith.muli %mul3A_266, %add3A_140 : i32
          %dma_wait3A_268 = arith.constant 0 : i32
          %dma_wait3A_269 = arith.constant 0 : i32
          %dma_wait3A_270 = tpu.memref_slice %run_scoped3A_8[%rem3A_265, %dma_wait3A_268, %dma_wait3A_269] : memref<2x128x384xf32, #tpu.memory_space<vmem>> -> memref<1x128x384xf32, #tpu.memory_space<vmem>>
          %dma_wait3A_271 = tpu.memref_squeeze %dma_wait3A_270 : memref<1x128x384xf32, #tpu.memory_space<vmem>> -> memref<128x384xf32, #tpu.memory_space<vmem>>
          %dma_wait3A_272 = arith.constant 0 : i32
          %dma_wait3A_273 = tpu.memref_slice %arg4[%mul3A_267, %dma_wait3A_272] : memref<32768x384xf32, #tpu.memory_space<hbm>> -> memref<128x384xf32, #tpu.memory_space<hbm>>
          %dma_wait3A_274 = tpu.memref_slice %run_scoped3A_9[%rem3A_265] : memref<2x!tpu.dma_semaphore, #tpu.memory_space<semaphore_mem>> -> memref<1x!tpu.dma_semaphore, #tpu.memory_space<semaphore_mem>>
          %dma_wait3A_275 = tpu.memref_squeeze %dma_wait3A_274 : memref<1x!tpu.dma_semaphore, #tpu.memory_space<semaphore_mem>> -> memref<!tpu.dma_semaphore, #tpu.memory_space<semaphore_mem>>
          %dma_wait3A_276 = arith.constant 0 : i32
          %dma_wait3A_277 = tpu.memref_slice %arg4[%mul3A_267, %dma_wait3A_276] : memref<32768x384xf32, #tpu.memory_space<hbm>> -> memref<128x384xf32, #tpu.memory_space<hbm>>
          %dma_wait3A_278 = arith.constant 0 : i32
          %dma_wait3A_279 = arith.constant 0 : i32
          %dma_wait3A_280 = tpu.memref_slice %run_scoped3A_8[%rem3A_265, %dma_wait3A_278, %dma_wait3A_279] : memref<2x128x384xf32, #tpu.memory_space<vmem>> -> memref<1x128x384xf32, #tpu.memory_space<vmem>>
          %dma_wait3A_281 = tpu.memref_squeeze %dma_wait3A_280 : memref<1x128x384xf32, #tpu.memory_space<vmem>> -> memref<128x384xf32, #tpu.memory_space<vmem>>
          tpu.wait_dma2 semaphore(%dma_wait3A_275 : memref<!tpu.dma_semaphore, #tpu.memory_space<semaphore_mem>>) src(%dma_wait3A_281 : memref<128x384xf32, #tpu.memory_space<vmem>>) dst(%dma_wait3A_277 : memref<128x384xf32, #tpu.memory_space<hbm>>)
          "tpu.trace_stop"() : () -> ()
        } else {
        }
        %and3A_244 = arith.constant true
        %and3A_245 = arith.andi %and3A_240, %and3A_244 : i1
        %add3A_246 = arith.constant 1 : i32
        %add3A_247 = arith.addi %scan3A_125, %add3A_246 : i32
        %select_n3A_248 = arith.select %and3A_245, %add3A_247, %scan3A_125 : i32
        %ne3A_249 = arith.cmpi ne, %add3A_131, %add3A_149 : i32
        %or3A_250 = arith.constant false
        %or3A_251 = arith.ori %or3A_250, %ne3A_249 : i1
        %or3A_252 = arith.ori %or3A_251, %eq3A_130 : i1
        %add3A_253 = arith.constant 1 : i32
        %add3A_254 = arith.addi %scan3A_123, %add3A_253 : i32
        %select_n3A_255 = arith.select %or3A_252, %add3A_254, %scan3A_123 : i32
        %add3A_256 = arith.constant 1 : i32
        %add3A_257 = arith.addi %scan3A_126, %add3A_256 : i32
        %select_n3A_258 = arith.constant true
        %select_n3A_259 = arith.select %select_n3A_258, %add3A_257, %scan3A_126 : i32
        %eq3A_260 = arith.constant 8 : i32
        %eq3A_261 = arith.cmpi eq, %select_n3A_259, %eq3A_260 : i32
        %select_n3A_262 = arith.constant 0 : i32
        %select_n3A_263 = arith.select %eq3A_261, %select_n3A_262, %select_n3A_259 : i32
        scf.yield %select_n3A_167, %select_n3A_255, %select_n3A_221, %select_n3A_248, %select_n3A_263 : i32, i32, i32, i32, i32
      }
      %scan3A_68 = arith.constant 8 : i32
      %sub3A = arith.constant 1 : i32
      %sub3A_69 = arith.subi %scan3A_67#4, %sub3A : i32
      %select_n3A_70 = arith.constant true
      %select_n3A_71 = arith.select %select_n3A_70, %sub3A_69, %scan3A_67#4 : i32
      %eq3A_72 = arith.constant -1 : i32
      %eq3A_73 = arith.cmpi eq, %select_n3A_71, %eq3A_72 : i32
      %select_n3A_74 = arith.constant 7 : i32
      %select_n3A_75 = arith.select %eq3A_73, %select_n3A_74, %select_n3A_71 : i32
      %add3A_76 = arith.addi %select_n3A_75, %mul3A_6 : i32
      %sub3A_77 = arith.constant 1 : i32
      %sub3A_78 = arith.subi %select_n3A_75, %sub3A_77 : i32
      %select_n3A_79 = arith.constant true
      %select_n3A_80 = arith.select %select_n3A_79, %sub3A_78, %select_n3A_75 : i32
      %eq3A_81 = arith.constant -1 : i32
      %eq3A_82 = arith.cmpi eq, %select_n3A_80, %eq3A_81 : i32
      %select_n3A_83 = arith.constant 7 : i32
      %select_n3A_84 = arith.select %eq3A_82, %select_n3A_83, %select_n3A_80 : i32
      %add3A_85 = arith.addi %select_n3A_84, %mul3A_6 : i32
      %add3A_86 = arith.constant 1 : i32
      %add3A_87 = arith.addi %select_n3A_75, %add3A_86 : i32
      %select_n3A_88 = arith.constant true
      %select_n3A_89 = arith.select %select_n3A_88, %add3A_87, %select_n3A_75 : i32
      %eq3A_90 = arith.constant 8 : i32
      %eq3A_91 = arith.cmpi eq, %select_n3A_89, %eq3A_90 : i32
      %select_n3A_92 = arith.constant 0 : i32
      %select_n3A_93 = arith.select %eq3A_91, %select_n3A_92, %select_n3A_89 : i32
      %add3A_94 = arith.addi %select_n3A_93, %mul3A_6 : i32
      %add3A_95 = arith.constant 1 : i32
      %add3A_96 = arith.addi %select_n3A_93, %add3A_95 : i32
      %select_n3A_97 = arith.constant true
      %select_n3A_98 = arith.select %select_n3A_97, %add3A_96, %select_n3A_93 : i32
      %eq3A_99 = arith.constant 8 : i32
      %eq3A_100 = arith.cmpi eq, %select_n3A_98, %eq3A_99 : i32
      %select_n3A_101 = arith.constant 0 : i32
      %select_n3A_102 = arith.select %eq3A_100, %select_n3A_101, %select_n3A_98 : i32
      %add3A_103 = arith.addi %select_n3A_102, %mul3A_6 : i32
      "tpu.trace_start"() <{level = 10 : i32, message = "ep_finalize"}> : () -> ()
      %rem3A_104 = arith.constant 2 : i32
      %rem3A_105 = arith.remui %scan3A_67#3, %rem3A_104 : i32
      %mul3A_106 = arith.constant 128 : i32
      %mul3A_107 = arith.muli %mul3A_106, %add3A_76 : i32
      %dma_wait3A = arith.constant 0 : i32
      %dma_wait3A_108 = arith.constant 0 : i32
      %dma_wait3A_109 = tpu.memref_slice %run_scoped3A_8[%rem3A_105, %dma_wait3A, %dma_wait3A_108] : memref<2x128x384xf32, #tpu.memory_space<vmem>> -> memref<1x128x384xf32, #tpu.memory_space<vmem>>
      %dma_wait3A_110 = tpu.memref_squeeze %dma_wait3A_109 : memref<1x128x384xf32, #tpu.memory_space<vmem>> -> memref<128x384xf32, #tpu.memory_space<vmem>>
      %dma_wait3A_111 = arith.constant 0 : i32
      %dma_wait3A_112 = tpu.memref_slice %arg4[%mul3A_107, %dma_wait3A_111] : memref<32768x384xf32, #tpu.memory_space<hbm>> -> memref<128x384xf32, #tpu.memory_space<hbm>>
      %dma_wait3A_113 = tpu.memref_slice %run_scoped3A_9[%rem3A_105] : memref<2x!tpu.dma_semaphore, #tpu.memory_space<semaphore_mem>> -> memref<1x!tpu.dma_semaphore, #tpu.memory_space<semaphore_mem>>
      %dma_wait3A_114 = tpu.memref_squeeze %dma_wait3A_113 : memref<1x!tpu.dma_semaphore, #tpu.memory_space<semaphore_mem>> -> memref<!tpu.dma_semaphore, #tpu.memory_space<semaphore_mem>>
      %dma_wait3A_115 = arith.constant 0 : i32
      %dma_wait3A_116 = tpu.memref_slice %arg4[%mul3A_107, %dma_wait3A_115] : memref<32768x384xf32, #tpu.memory_space<hbm>> -> memref<128x384xf32, #tpu.memory_space<hbm>>
      %dma_wait3A_117 = arith.constant 0 : i32
      %dma_wait3A_118 = arith.constant 0 : i32
      %dma_wait3A_119 = tpu.memref_slice %run_scoped3A_8[%rem3A_105, %dma_wait3A_117, %dma_wait3A_118] : memref<2x128x384xf32, #tpu.memory_space<vmem>> -> memref<1x128x384xf32, #tpu.memory_space<vmem>>
      %dma_wait3A_120 = tpu.memref_squeeze %dma_wait3A_119 : memref<1x128x384xf32, #tpu.memory_space<vmem>> -> memref<128x384xf32, #tpu.memory_space<vmem>>
      tpu.wait_dma2 semaphore(%dma_wait3A_114 : memref<!tpu.dma_semaphore, #tpu.memory_space<semaphore_mem>>) src(%dma_wait3A_120 : memref<128x384xf32, #tpu.memory_space<vmem>>) dst(%dma_wait3A_116 : memref<128x384xf32, #tpu.memory_space<hbm>>)
      "tpu.trace_stop"() : () -> ()
      tpu.yield
    }) : () -> ()
    return
  }
}

#map = affine_map<(d0, d1) -> (0, 0)>
module attributes {stable_mosaic.version = 14 : i64} {
  func.func @sc_kernel(%arg0: i32, %arg1: i32, %arg2: memref<2048x384xf32, #tpu.memory_space<hbm>>, %arg3: memref<1x32768xi32, #tpu.memory_space<hbm>>, %arg4: memref<32768x384xf32, #tpu.memory_space<hbm>>) attributes {dimension_semantics = [#tpu.dimension_semantics<core_parallel>, #tpu.dimension_semantics<subcore_parallel>], iteration_bounds = array<i64: 2, 16>, scalar_prefetch = 0 : i64, scratch_operands = 0 : i64, tpu.core_type = #tpu.core_type<sc_vector_subcore>, window_params = [{transform_indices = #map}, {transform_indices = #map}, {transform_indices = #map}]} {
    %mul3A = arith.constant 1 : i32
    %mul3A_0 = arith.muli %arg1, %mul3A : i32
    %add3A = arith.constant 0 : i32
    %add3A_1 = arith.addi %add3A, %mul3A_0 : i32
    %mul3A_2 = arith.constant 16 : i32
    %mul3A_3 = arith.muli %arg0, %mul3A_2 : i32
    %add3A_4 = arith.addi %add3A_1, %mul3A_3 : i32
    %mul3A_5 = arith.constant 8 : i32
    %mul3A_6 = arith.muli %add3A_4, %mul3A_5 : i32
    "tpu.region"() ({
      %run_scoped3A = memref.alloca() : memref<2x1x128xi32, #tpu.memory_space<vmem>>
      %run_scoped3A_7 = tpu.sem_alloc : memref<2x!tpu.dma_semaphore, #tpu.memory_space<semaphore_mem>>
      %run_scoped3A_8 = memref.alloca() : memref<2x128x384xf32, #tpu.memory_space<vmem>>
      %run_scoped3A_9 = tpu.sem_alloc : memref<2x!tpu.dma_semaphore, #tpu.memory_space<semaphore_mem>>
      %add3A_10 = arith.constant 0 : i32
      %add3A_11 = arith.addi %add3A_10, %mul3A_6 : i32
      %select_n3A = arith.constant true
      %select_n3A_12 = arith.constant 0 : i32
      %select_n3A_13 = arith.constant -1 : i32
      %select_n3A_14 = arith.select %select_n3A, %select_n3A_13, %select_n3A_12 : i32
      %eq3A = arith.constant -1 : i32
      %eq3A_15 = arith.cmpi eq, %select_n3A_14, %eq3A : i32
      %select_n3A_16 = arith.constant 7 : i32
      %select_n3A_17 = arith.select %eq3A_15, %select_n3A_16, %select_n3A_14 : i32
      %add3A_18 = arith.addi %select_n3A_17, %mul3A_6 : i32
      %select_n3A_19 = arith.constant true
      %select_n3A_20 = arith.constant 0 : i32
      %select_n3A_21 = arith.constant 1 : i32
      %select_n3A_22 = arith.select %select_n3A_19, %select_n3A_21, %select_n3A_20 : i32
      %eq3A_23 = arith.constant 8 : i32
      %eq3A_24 = arith.cmpi eq, %select_n3A_22, %eq3A_23 : i32
      %select_n3A_25 = arith.constant 0 : i32
      %select_n3A_26 = arith.select %eq3A_24, %select_n3A_25, %select_n3A_22 : i32
      %add3A_27 = arith.addi %select_n3A_26, %mul3A_6 : i32
      %add3A_28 = arith.constant 1 : i32
      %add3A_29 = arith.addi %select_n3A_26, %add3A_28 : i32
      %select_n3A_30 = arith.constant true
      %select_n3A_31 = arith.select %select_n3A_30, %add3A_29, %select_n3A_26 : i32
      %eq3A_32 = arith.constant 8 : i32
      %eq3A_33 = arith.cmpi eq, %select_n3A_31, %eq3A_32 : i32
      %select_n3A_34 = arith.constant 0 : i32
      %select_n3A_35 = arith.select %eq3A_33, %select_n3A_34, %select_n3A_31 : i32
      %add3A_36 = arith.addi %select_n3A_35, %mul3A_6 : i32
      "tpu.trace_start"() <{level = 10 : i32, message = "ep_initialize_0"}> : () -> ()
      %rem3A = arith.constant 0 : i32
      %rem3A_37 = arith.constant 2 : i32
      %rem3A_38 = arith.remui %rem3A, %rem3A_37 : i32
      %mul3A_39 = arith.constant 128 : i32
      %mul3A_40 = arith.muli %mul3A_39, %add3A_11 : i32
      %dma_start3A = arith.constant 0 : i32
      %dma_start3A_41 = arith.constant 0 : i32
      %dma_start3A_42 = tpu.memref_slice %run_scoped3A[%rem3A_38, %dma_start3A, %dma_start3A_41] : memref<2x1x128xi32, #tpu.memory_space<vmem>> -> memref<1x1x128xi32, #tpu.memory_space<vmem>>
      %dma_start3A_43 = tpu.memref_squeeze %dma_start3A_42 : memref<1x1x128xi32, #tpu.memory_space<vmem>> -> memref<1x128xi32, #tpu.memory_space<vmem>>
      %dma_start3A_44 = arith.constant 0 : i32
      %dma_start3A_45 = tpu.memref_slice %arg3[%dma_start3A_44, %mul3A_40] : memref<1x32768xi32, #tpu.memory_space<hbm>> -> memref<1x128xi32, #tpu.memory_space<hbm>>
      %dma_start3A_46 = tpu.memref_slice %run_scoped3A_7[%rem3A_38] : memref<2x!tpu.dma_semaphore, #tpu.memory_space<semaphore_mem>> -> memref<1x!tpu.dma_semaphore, #tpu.memory_space<semaphore_mem>>
      %dma_start3A_47 = tpu.memref_squeeze %dma_start3A_46 : memref<1x!tpu.dma_semaphore, #tpu.memory_space<semaphore_mem>> -> memref<!tpu.dma_semaphore, #tpu.memory_space<semaphore_mem>>
      %dma_start3A_48 = arith.constant 0 : i32
      %dma_start3A_49 = arith.constant 0 : i32
      %dma_start3A_50 = tpu.memref_slice %run_scoped3A[%rem3A_38, %dma_start3A_48, %dma_start3A_49] : memref<2x1x128xi32, #tpu.memory_space<vmem>> -> memref<1x1x128xi32, #tpu.memory_space<vmem>>
      %dma_start3A_51 = tpu.memref_squeeze %dma_start3A_50 : memref<1x1x128xi32, #tpu.memory_space<vmem>> -> memref<1x128xi32, #tpu.memory_space<vmem>>
      %dma_start3A_52 = arith.constant 0 : i32
      %dma_start3A_53 = tpu.memref_slice %arg3[%dma_start3A_52, %mul3A_40] : memref<1x32768xi32, #tpu.memory_space<hbm>> -> memref<1x128xi32, #tpu.memory_space<hbm>>
      tpu.enqueue_dma source(%dma_start3A_53 : memref<1x128xi32, #tpu.memory_space<hbm>>) target(%dma_start3A_51 : memref<1x128xi32, #tpu.memory_space<vmem>>) target_semaphore(%dma_start3A_47 : memref<!tpu.dma_semaphore, #tpu.memory_space<semaphore_mem>>)
      %add3A_54 = arith.constant 0 : i32
      %add3A_55 = arith.constant 1 : i32
      %add3A_56 = arith.addi %add3A_54, %add3A_55 : i32
      %select_n3A_57 = arith.constant true
      %select_n3A_58 = arith.constant 0 : i32
      %select_n3A_59 = arith.select %select_n3A_57, %add3A_56, %select_n3A_58 : i32
      "tpu.trace_stop"() : () -> ()
      %scan3A = arith.constant 0 : i32
      %scan3A_60 = arith.constant 0 : i32
      %scan3A_61 = arith.constant 0 : i32
      %scan3A_62 = arith.constant 0 : i32
      %scan3A_63 = arith.constant 0 : i32
      %scan3A_64 = arith.constant 8 : i32
      %scan3A_65 = arith.addi %scan3A_63, %scan3A_64 : i32
      %scan3A_66 = arith.constant 1 : i32
      %scan3A_67:5 = scf.for %scan3A_121 = %scan3A_63 to %scan3A_65 step %scan3A_66 iter_args(%scan3A_122 = %select_n3A_59, %scan3A_123 = %scan3A, %scan3A_124 = %scan3A_60, %scan3A_125 = %scan3A_61, %scan3A_126 = %scan3A_62) -> (i32, i32, i32, i32, i32)  : i32 {
        %eq3A_127 = arith.constant 0 : i32
        %eq3A_128 = arith.cmpi eq, %scan3A_121, %eq3A_127 : i32
        %eq3A_129 = arith.constant 7 : i32
        %eq3A_130 = arith.cmpi eq, %scan3A_121, %eq3A_129 : i32
        %add3A_131 = arith.addi %scan3A_126, %mul3A_6 : i32
        %sub3A_132 = arith.constant 1 : i32
        %sub3A_133 = arith.subi %scan3A_126, %sub3A_132 : i32
        %select_n3A_134 = arith.constant true
        %select_n3A_135 = arith.select %select_n3A_134, %sub3A_133, %scan3A_126 : i32
        %eq3A_136 = arith.constant -1 : i32
        %eq3A_137 = arith.cmpi eq, %select_n3A_135, %eq3A_136 : i32
        %select_n3A_138 = arith.constant 7 : i32
        %select_n3A_139 = arith.select %eq3A_137, %select_n3A_138, %select_n3A_135 : i32
        %add3A_140 = arith.addi %select_n3A_139, %mul3A_6 : i32
        %add3A_141 = arith.constant 1 : i32
        %add3A_142 = arith.addi %scan3A_126, %add3A_141 : i32
        %select_n3A_143 = arith.constant true
        %select_n3A_144 = arith.select %select_n3A_143, %add3A_142, %scan3A_126 : i32
        %eq3A_145 = arith.constant 8 : i32
        %eq3A_146 = arith.cmpi eq, %select_n3A_144, %eq3A_145 : i32
        %select_n3A_147 = arith.constant 0 : i32
        %select_n3A_148 = arith.select %eq3A_146, %select_n3A_147, %select_n3A_144 : i32
        %add3A_149 = arith.addi %select_n3A_148, %mul3A_6 : i32
        %add3A_150 = arith.constant 1 : i32
        %add3A_151 = arith.addi %select_n3A_148, %add3A_150 : i32
        %select_n3A_152 = arith.constant true
        %select_n3A_153 = arith.select %select_n3A_152, %add3A_151, %select_n3A_148 : i32
        %eq3A_154 = arith.constant 8 : i32
        %eq3A_155 = arith.cmpi eq, %select_n3A_153, %eq3A_154 : i32
        %select_n3A_156 = arith.constant 0 : i32
        %select_n3A_157 = arith.select %eq3A_155, %select_n3A_156, %select_n3A_153 : i32
        %add3A_158 = arith.addi %select_n3A_157, %mul3A_6 : i32
        %ne3A = arith.cmpi ne, %add3A_131, %add3A_149 : i32
        %or3A = arith.constant false
        %or3A_159 = arith.ori %or3A, %ne3A : i1
        %ge3A = arith.constant 7 : i32
        %ge3A_160 = arith.cmpi sge, %scan3A_121, %ge3A : i32
        %not3A = arith.constant true
        %not3A_161 = arith.xori %ge3A_160, %not3A : i1
        %and3A = arith.andi %or3A_159, %not3A_161 : i1
        %convert_element_type3A = arith.extui %and3A : i1 to i32
        %cond3A = arith.constant 0 : i32
        %cond3A_162 = arith.cmpi ne, %convert_element_type3A, %cond3A : i32
        scf.if %cond3A_162 {
          "tpu.trace_start"() <{level = 10 : i32, message = "ep_copy_in"}> : () -> ()
          %rem3A_264 = arith.constant 2 : i32
          %rem3A_265 = arith.remui %scan3A_122, %rem3A_264 : i32
          %mul3A_266 = arith.constant 128 : i32
          %mul3A_267 = arith.muli %mul3A_266, %add3A_149 : i32
          %dma_start3A_268 = arith.constant 0 : i32
          %dma_start3A_269 = arith.constant 0 : i32
          %dma_start3A_270 = tpu.memref_slice %run_scoped3A[%rem3A_265, %dma_start3A_268, %dma_start3A_269] : memref<2x1x128xi32, #tpu.memory_space<vmem>> -> memref<1x1x128xi32, #tpu.memory_space<vmem>>
          %dma_start3A_271 = tpu.memref_squeeze %dma_start3A_270 : memref<1x1x128xi32, #tpu.memory_space<vmem>> -> memref<1x128xi32, #tpu.memory_space<vmem>>
          %dma_start3A_272 = arith.constant 0 : i32
          %dma_start3A_273 = tpu.memref_slice %arg3[%dma_start3A_272, %mul3A_267] : memref<1x32768xi32, #tpu.memory_space<hbm>> -> memref<1x128xi32, #tpu.memory_space<hbm>>
          %dma_start3A_274 = tpu.memref_slice %run_scoped3A_7[%rem3A_265] : memref<2x!tpu.dma_semaphore, #tpu.memory_space<semaphore_mem>> -> memref<1x!tpu.dma_semaphore, #tpu.memory_space<semaphore_mem>>
          %dma_start3A_275 = tpu.memref_squeeze %dma_start3A_274 : memref<1x!tpu.dma_semaphore, #tpu.memory_space<semaphore_mem>> -> memref<!tpu.dma_semaphore, #tpu.memory_space<semaphore_mem>>
          %dma_start3A_276 = arith.constant 0 : i32
          %dma_start3A_277 = arith.constant 0 : i32
          %dma_start3A_278 = tpu.memref_slice %run_scoped3A[%rem3A_265, %dma_start3A_276, %dma_start3A_277] : memref<2x1x128xi32, #tpu.memory_space<vmem>> -> memref<1x1x128xi32, #tpu.memory_space<vmem>>
          %dma_start3A_279 = tpu.memref_squeeze %dma_start3A_278 : memref<1x1x128xi32, #tpu.memory_space<vmem>> -> memref<1x128xi32, #tpu.memory_space<vmem>>
          %dma_start3A_280 = arith.constant 0 : i32
          %dma_start3A_281 = tpu.memref_slice %arg3[%dma_start3A_280, %mul3A_267] : memref<1x32768xi32, #tpu.memory_space<hbm>> -> memref<1x128xi32, #tpu.memory_space<hbm>>
          tpu.enqueue_dma source(%dma_start3A_281 : memref<1x128xi32, #tpu.memory_space<hbm>>) target(%dma_start3A_279 : memref<1x128xi32, #tpu.memory_space<vmem>>) target_semaphore(%dma_start3A_275 : memref<!tpu.dma_semaphore, #tpu.memory_space<semaphore_mem>>)
          "tpu.trace_stop"() : () -> ()
        } else {
        }
        %and3A_163 = arith.constant true
        %and3A_164 = arith.andi %and3A, %and3A_163 : i1
        %add3A_165 = arith.constant 1 : i32
        %add3A_166 = arith.addi %scan3A_122, %add3A_165 : i32
        %select_n3A_167 = arith.select %and3A_164, %add3A_166, %scan3A_122 : i32
        %ne3A_168 = arith.cmpi ne, %add3A_131, %add3A_149 : i32
        %or3A_169 = arith.constant false
        %or3A_170 = arith.ori %or3A_169, %ne3A_168 : i1
        %or3A_171 = arith.constant false
        %or3A_172 = arith.ori %or3A_170, %or3A_171 : i1
        %ge3A_173 = arith.constant 7 : i32
        %ge3A_174 = arith.cmpi sge, %scan3A_121, %ge3A_173 : i32
        %not3A_175 = arith.constant true
        %not3A_176 = arith.xori %ge3A_174, %not3A_175 : i1
        %and3A_177 = arith.andi %or3A_172, %not3A_176 : i1
        %ne3A_178 = arith.cmpi ne, %add3A_131, %add3A_140 : i32
        %or3A_179 = arith.constant false
        %or3A_180 = arith.ori %or3A_179, %ne3A_178 : i1
        %or3A_181 = arith.ori %or3A_180, %eq3A_128 : i1
        %convert_element_type3A_182 = arith.extui %or3A_181 : i1 to i32
        %cond3A_183 = arith.constant 0 : i32
        %cond3A_184 = arith.cmpi ne, %convert_element_type3A_182, %cond3A_183 : i32
        scf.if %cond3A_184 {
          "tpu.trace_start"() <{level = 10 : i32, message = "ep_wait_in"}> : () -> ()
          %mul3A_264 = arith.constant 128 : i32
          %mul3A_265 = arith.muli %mul3A_264, %add3A_131 : i32
          %rem3A_266 = arith.constant 2 : i32
          %rem3A_267 = arith.remui %scan3A_123, %rem3A_266 : i32
          %dma_wait3A_268 = arith.constant 0 : i32
          %dma_wait3A_269 = arith.constant 0 : i32
          %dma_wait3A_270 = tpu.memref_slice %run_scoped3A[%rem3A_267, %dma_wait3A_268, %dma_wait3A_269] : memref<2x1x128xi32, #tpu.memory_space<vmem>> -> memref<1x1x128xi32, #tpu.memory_space<vmem>>
          %dma_wait3A_271 = tpu.memref_squeeze %dma_wait3A_270 : memref<1x1x128xi32, #tpu.memory_space<vmem>> -> memref<1x128xi32, #tpu.memory_space<vmem>>
          %dma_wait3A_272 = arith.constant 0 : i32
          %dma_wait3A_273 = tpu.memref_slice %arg3[%dma_wait3A_272, %mul3A_265] : memref<1x32768xi32, #tpu.memory_space<hbm>> -> memref<1x128xi32, #tpu.memory_space<hbm>>
          %dma_wait3A_274 = tpu.memref_slice %run_scoped3A_7[%rem3A_267] : memref<2x!tpu.dma_semaphore, #tpu.memory_space<semaphore_mem>> -> memref<1x!tpu.dma_semaphore, #tpu.memory_space<semaphore_mem>>
          %dma_wait3A_275 = tpu.memref_squeeze %dma_wait3A_274 : memref<1x!tpu.dma_semaphore, #tpu.memory_space<semaphore_mem>> -> memref<!tpu.dma_semaphore, #tpu.memory_space<semaphore_mem>>
          %dma_wait3A_276 = arith.constant 0 : i32
          %dma_wait3A_277 = arith.constant 0 : i32
          %dma_wait3A_278 = tpu.memref_slice %run_scoped3A[%rem3A_267, %dma_wait3A_276, %dma_wait3A_277] : memref<2x1x128xi32, #tpu.memory_space<vmem>> -> memref<1x1x128xi32, #tpu.memory_space<vmem>>
          %dma_wait3A_279 = tpu.memref_squeeze %dma_wait3A_278 : memref<1x1x128xi32, #tpu.memory_space<vmem>> -> memref<1x128xi32, #tpu.memory_space<vmem>>
          %dma_wait3A_280 = arith.constant 0 : i32
          %dma_wait3A_281 = tpu.memref_slice %arg3[%dma_wait3A_280, %mul3A_265] : memref<1x32768xi32, #tpu.memory_space<hbm>> -> memref<1x128xi32, #tpu.memory_space<hbm>>
          tpu.wait_dma2 semaphore(%dma_wait3A_275 : memref<!tpu.dma_semaphore, #tpu.memory_space<semaphore_mem>>) src(%dma_wait3A_281 : memref<1x128xi32, #tpu.memory_space<hbm>>) dst(%dma_wait3A_279 : memref<1x128xi32, #tpu.memory_space<vmem>>)
          "tpu.trace_stop"() : () -> ()
        } else {
        }
        %ne3A_185 = arith.cmpi ne, %add3A_131, %add3A_140 : i32
        %or3A_186 = arith.constant false
        %or3A_187 = arith.ori %or3A_186, %ne3A_185 : i1
        %or3A_188 = arith.constant false
        %or3A_189 = arith.ori %or3A_187, %or3A_188 : i1
        %or3A_190 = arith.ori %or3A_189, %eq3A_128 : i1
        %convert_element_type3A_191 = arith.extui %or3A_190 : i1 to i32
        %cond3A_192 = arith.constant 0 : i32
        %cond3A_193 = arith.cmpi ne, %convert_element_type3A_191, %cond3A_192 : i32
        scf.if %cond3A_193 {
        } else {
        }
        %rem3A_194 = arith.constant 2 : i32
        %rem3A_195 = arith.remui %scan3A_123, %rem3A_194 : i32
        %rem3A_196 = arith.constant 2 : i32
        %rem3A_197 = arith.remui %scan3A_124, %rem3A_196 : i32
        %run_scoped3A_198 = arith.constant 0 : i32
        "tpu.trace_start"() <{level = 10 : i32, message = "ep_run_kernel"}> : () -> ()
        "tpu.region"() ({
          %run_scoped3A_264 = tpu.sem_alloc : memref<!tpu.dma_semaphore, #tpu.memory_space<semaphore_mem>>
          %dma_start3A_265 = arith.constant 0 : i32
          %dma_start3A_266 = arith.constant 0 : i32
          %dma_start3A_267 = tpu.memref_slice %run_scoped3A_8[%rem3A_197, %dma_start3A_265, %dma_start3A_266] : memref<2x128x384xf32, #tpu.memory_space<vmem>> -> memref<1x128x384xf32, #tpu.memory_space<vmem>>
          %dma_start3A_268 = tpu.memref_squeeze %dma_start3A_267 : memref<1x128x384xf32, #tpu.memory_space<vmem>> -> memref<128x384xf32, #tpu.memory_space<vmem>>
          %dma_start3A_269 = arith.constant 0 : i32
          %dma_start3A_270 = arith.constant 0 : i32
          %dma_start3A_271 = tpu.memref_slice %run_scoped3A[%rem3A_195, %dma_start3A_269, %dma_start3A_270] : memref<2x1x128xi32, #tpu.memory_space<vmem>> -> memref<1x1x128xi32, #tpu.memory_space<vmem>>
          %dma_start3A_272 = tpu.memref_squeeze %dma_start3A_271 : memref<1x1x128xi32, #tpu.memory_space<vmem>> -> memref<1x128xi32, #tpu.memory_space<vmem>>
          %dma_start3A_273 = arith.constant 0 : i32
          %dma_start3A_274 = tpu.memref_slice %dma_start3A_272[%run_scoped3A_198, %dma_start3A_273] : memref<1x128xi32, #tpu.memory_space<vmem>> -> memref<1x128xi32, #tpu.memory_space<vmem>>
          %dma_start3A_275 = tpu.memref_squeeze %dma_start3A_274 : memref<1x128xi32, #tpu.memory_space<vmem>> -> memref<128xi32, #tpu.memory_space<vmem>>
          %dma_start3A_276 = arith.constant 0 : i32
          %dma_start3A_277 = arith.constant 0 : i32
          %dma_start3A_278 = tpu.memref_slice %arg2[%dma_start3A_276, %dma_start3A_277] : memref<2048x384xf32, #tpu.memory_space<hbm>> -> memref<2048x384xf32, #tpu.memory_space<hbm>>
          tpu.enqueue_indirect_dma source(%dma_start3A_278 : memref<2048x384xf32, #tpu.memory_space<hbm>>) target(%dma_start3A_268 : memref<128x384xf32, #tpu.memory_space<vmem>>) offsets(%dma_start3A_275 : memref<128xi32, #tpu.memory_space<vmem>>) semaphore(%run_scoped3A_264 : memref<!tpu.dma_semaphore, #tpu.memory_space<semaphore_mem>>)
          %dma_wait3A_279 = arith.constant 0 : i32
          %dma_wait3A_280 = arith.constant 0 : i32
          %dma_wait3A_281 = tpu.memref_slice %run_scoped3A_8[%rem3A_197, %dma_wait3A_279, %dma_wait3A_280] : memref<2x128x384xf32, #tpu.memory_space<vmem>> -> memref<1x128x384xf32, #tpu.memory_space<vmem>>
          %dma_wait3A_282 = tpu.memref_squeeze %dma_wait3A_281 : memref<1x128x384xf32, #tpu.memory_space<vmem>> -> memref<128x384xf32, #tpu.memory_space<vmem>>
          %dma_wait3A_283 = arith.constant 0 : i32
          %dma_wait3A_284 = arith.constant 0 : i32
          %dma_wait3A_285 = tpu.memref_slice %run_scoped3A[%rem3A_195, %dma_wait3A_283, %dma_wait3A_284] : memref<2x1x128xi32, #tpu.memory_space<vmem>> -> memref<1x1x128xi32, #tpu.memory_space<vmem>>
          %dma_wait3A_286 = tpu.memref_squeeze %dma_wait3A_285 : memref<1x1x128xi32, #tpu.memory_space<vmem>> -> memref<1x128xi32, #tpu.memory_space<vmem>>
          %dma_wait3A_287 = arith.constant 0 : i32
          %dma_wait3A_288 = tpu.memref_slice %dma_wait3A_286[%run_scoped3A_198, %dma_wait3A_287] : memref<1x128xi32, #tpu.memory_space<vmem>> -> memref<1x128xi32, #tpu.memory_space<vmem>>
          %dma_wait3A_289 = tpu.memref_squeeze %dma_wait3A_288 : memref<1x128xi32, #tpu.memory_space<vmem>> -> memref<128xi32, #tpu.memory_space<vmem>>
          %dma_wait3A_290 = arith.constant 0 : i32
          %dma_wait3A_291 = arith.constant 0 : i32
          %dma_wait3A_292 = tpu.memref_slice %arg2[%dma_wait3A_290, %dma_wait3A_291] : memref<2048x384xf32, #tpu.memory_space<hbm>> -> memref<2048x384xf32, #tpu.memory_space<hbm>>
          tpu.wait_indirect_dma semaphore(%run_scoped3A_264 : memref<!tpu.dma_semaphore, #tpu.memory_space<semaphore_mem>>) src(%dma_wait3A_292 : memref<2048x384xf32, #tpu.memory_space<hbm>>) dst(%dma_wait3A_282 : memref<128x384xf32, #tpu.memory_space<vmem>>)
          tpu.yield
        }) : () -> ()
        "tpu.trace_stop"() : () -> ()
        %ne3A_199 = arith.cmpi ne, %add3A_131, %add3A_149 : i32
        %or3A_200 = arith.constant false
        %or3A_201 = arith.ori %or3A_200, %ne3A_199 : i1
        %or3A_202 = arith.ori %or3A_201, %eq3A_130 : i1
        %convert_element_type3A_203 = arith.extui %or3A_202 : i1 to i32
        %cond3A_204 = arith.constant 0 : i32
        %cond3A_205 = arith.cmpi ne, %convert_element_type3A_203, %cond3A_204 : i32
        scf.if %cond3A_205 {
        } else {
        }
        %and3A_206 = arith.constant false
        %and3A_207 = arith.andi %or3A_202, %and3A_206 : i1
        %ne3A_208 = arith.cmpi ne, %add3A_131, %add3A_149 : i32
        %or3A_209 = arith.constant false
        %or3A_210 = arith.ori %or3A_209, %ne3A_208 : i1
        %or3A_211 = arith.constant false
        %or3A_212 = arith.ori %or3A_210, %or3A_211 : i1
        %or3A_213 = arith.ori %or3A_212, %eq3A_130 : i1
        %convert_element_type3A_214 = arith.extui %or3A_213 : i1 to i32
        %cond3A_215 = arith.constant 0 : i32
        %cond3A_216 = arith.cmpi ne, %convert_element_type3A_214, %cond3A_215 : i32
        scf.if %cond3A_216 {
          "tpu.trace_start"() <{level = 10 : i32, message = "ep_copy_out"}> : () -> ()
          %rem3A_264 = arith.constant 2 : i32
          %rem3A_265 = arith.remui %scan3A_124, %rem3A_264 : i32
          %mul3A_266 = arith.constant 128 : i32
          %mul3A_267 = arith.muli %mul3A_266, %add3A_131 : i32
          %dma_start3A_268 = arith.constant 0 : i32
          %dma_start3A_269 = arith.constant 0 : i32
          %dma_start3A_270 = tpu.memref_slice %run_scoped3A_8[%rem3A_265, %dma_start3A_268, %dma_start3A_269] : memref<2x128x384xf32, #tpu.memory_space<vmem>> -> memref<1x128x384xf32, #tpu.memory_space<vmem>>
          %dma_start3A_271 = tpu.memref_squeeze %dma_start3A_270 : memref<1x128x384xf32, #tpu.memory_space<vmem>> -> memref<128x384xf32, #tpu.memory_space<vmem>>
          %dma_start3A_272 = arith.constant 0 : i32
          %dma_start3A_273 = tpu.memref_slice %arg4[%mul3A_267, %dma_start3A_272] : memref<32768x384xf32, #tpu.memory_space<hbm>> -> memref<128x384xf32, #tpu.memory_space<hbm>>
          %dma_start3A_274 = tpu.memref_slice %run_scoped3A_9[%rem3A_265] : memref<2x!tpu.dma_semaphore, #tpu.memory_space<semaphore_mem>> -> memref<1x!tpu.dma_semaphore, #tpu.memory_space<semaphore_mem>>
          %dma_start3A_275 = tpu.memref_squeeze %dma_start3A_274 : memref<1x!tpu.dma_semaphore, #tpu.memory_space<semaphore_mem>> -> memref<!tpu.dma_semaphore, #tpu.memory_space<semaphore_mem>>
          %dma_start3A_276 = arith.constant 0 : i32
          %dma_start3A_277 = tpu.memref_slice %arg4[%mul3A_267, %dma_start3A_276] : memref<32768x384xf32, #tpu.memory_space<hbm>> -> memref<128x384xf32, #tpu.memory_space<hbm>>
          %dma_start3A_278 = arith.constant 0 : i32
          %dma_start3A_279 = arith.constant 0 : i32
          %dma_start3A_280 = tpu.memref_slice %run_scoped3A_8[%rem3A_265, %dma_start3A_278, %dma_start3A_279] : memref<2x128x384xf32, #tpu.memory_space<vmem>> -> memref<1x128x384xf32, #tpu.memory_space<vmem>>
          %dma_start3A_281 = tpu.memref_squeeze %dma_start3A_280 : memref<1x128x384xf32, #tpu.memory_space<vmem>> -> memref<128x384xf32, #tpu.memory_space<vmem>>
          tpu.enqueue_dma source(%dma_start3A_281 : memref<128x384xf32, #tpu.memory_space<vmem>>) target(%dma_start3A_277 : memref<128x384xf32, #tpu.memory_space<hbm>>) target_semaphore(%dma_start3A_275 : memref<!tpu.dma_semaphore, #tpu.memory_space<semaphore_mem>>)
          "tpu.trace_stop"() : () -> ()
        } else {
        }
        %and3A_217 = arith.constant true
        %and3A_218 = arith.andi %or3A_213, %and3A_217 : i1
        %add3A_219 = arith.constant 1 : i32
        %add3A_220 = arith.addi %scan3A_124, %add3A_219 : i32
        %select_n3A_221 = arith.select %and3A_218, %add3A_220, %scan3A_124 : i32
        %ne3A_222 = arith.cmpi ne, %add3A_131, %add3A_140 : i32
        %or3A_223 = arith.constant false
        %or3A_224 = arith.ori %or3A_223, %ne3A_222 : i1
        %not3A_225 = arith.constant true
        %not3A_226 = arith.xori %eq3A_128, %not3A_225 : i1
        %and3A_227 = arith.andi %or3A_224, %not3A_226 : i1
        %convert_element_type3A_228 = arith.extui %and3A_227 : i1 to i32
        %cond3A_229 = arith.constant 0 : i32
        %cond3A_230 = arith.cmpi ne, %convert_element_type3A_228, %cond3A_229 : i32
        scf.if %cond3A_230 {
        } else {
        }
        %and3A_231 = arith.constant false
        %and3A_232 = arith.andi %and3A_227, %and3A_231 : i1
        %ne3A_233 = arith.cmpi ne, %add3A_131, %add3A_140 : i32
        %or3A_234 = arith.constant false
        %or3A_235 = arith.ori %or3A_234, %ne3A_233 : i1
        %or3A_236 = arith.constant false
        %or3A_237 = arith.ori %or3A_235, %or3A_236 : i1
        %not3A_238 = arith.constant true
        %not3A_239 = arith.xori %eq3A_128, %not3A_238 : i1
        %and3A_240 = arith.andi %or3A_237, %not3A_239 : i1
        %convert_element_type3A_241 = arith.extui %and3A_240 : i1 to i32
        %cond3A_242 = arith.constant 0 : i32
        %cond3A_243 = arith.cmpi ne, %convert_element_type3A_241, %cond3A_242 : i32
        scf.if %cond3A_243 {
          "tpu.trace_start"() <{level = 10 : i32, message = "ep_wait_out"}> : () -> ()
          %rem3A_264 = arith.constant 2 : i32
          %rem3A_265 = arith.remui %scan3A_125, %rem3A_264 : i32
          %mul3A_266 = arith.constant 128 : i32
          %mul3A_267 = arith.muli %mul3A_266, %add3A_140 : i32
          %dma_wait3A_268 = arith.constant 0 : i32
          %dma_wait3A_269 = arith.constant 0 : i32
          %dma_wait3A_270 = tpu.memref_slice %run_scoped3A_8[%rem3A_265, %dma_wait3A_268, %dma_wait3A_269] : memref<2x128x384xf32, #tpu.memory_space<vmem>> -> memref<1x128x384xf32, #tpu.memory_space<vmem>>
          %dma_wait3A_271 = tpu.memref_squeeze %dma_wait3A_270 : memref<1x128x384xf32, #tpu.memory_space<vmem>> -> memref<128x384xf32, #tpu.memory_space<vmem>>
          %dma_wait3A_272 = arith.constant 0 : i32
          %dma_wait3A_273 = tpu.memref_slice %arg4[%mul3A_267, %dma_wait3A_272] : memref<32768x384xf32, #tpu.memory_space<hbm>> -> memref<128x384xf32, #tpu.memory_space<hbm>>
          %dma_wait3A_274 = tpu.memref_slice %run_scoped3A_9[%rem3A_265] : memref<2x!tpu.dma_semaphore, #tpu.memory_space<semaphore_mem>> -> memref<1x!tpu.dma_semaphore, #tpu.memory_space<semaphore_mem>>
          %dma_wait3A_275 = tpu.memref_squeeze %dma_wait3A_274 : memref<1x!tpu.dma_semaphore, #tpu.memory_space<semaphore_mem>> -> memref<!tpu.dma_semaphore, #tpu.memory_space<semaphore_mem>>
          %dma_wait3A_276 = arith.constant 0 : i32
          %dma_wait3A_277 = tpu.memref_slice %arg4[%mul3A_267, %dma_wait3A_276] : memref<32768x384xf32, #tpu.memory_space<hbm>> -> memref<128x384xf32, #tpu.memory_space<hbm>>
          %dma_wait3A_278 = arith.constant 0 : i32
          %dma_wait3A_279 = arith.constant 0 : i32
          %dma_wait3A_280 = tpu.memref_slice %run_scoped3A_8[%rem3A_265, %dma_wait3A_278, %dma_wait3A_279] : memref<2x128x384xf32, #tpu.memory_space<vmem>> -> memref<1x128x384xf32, #tpu.memory_space<vmem>>
          %dma_wait3A_281 = tpu.memref_squeeze %dma_wait3A_280 : memref<1x128x384xf32, #tpu.memory_space<vmem>> -> memref<128x384xf32, #tpu.memory_space<vmem>>
          tpu.wait_dma2 semaphore(%dma_wait3A_275 : memref<!tpu.dma_semaphore, #tpu.memory_space<semaphore_mem>>) src(%dma_wait3A_281 : memref<128x384xf32, #tpu.memory_space<vmem>>) dst(%dma_wait3A_277 : memref<128x384xf32, #tpu.memory_space<hbm>>)
          "tpu.trace_stop"() : () -> ()
        } else {
        }
        %and3A_244 = arith.constant true
        %and3A_245 = arith.andi %and3A_240, %and3A_244 : i1
        %add3A_246 = arith.constant 1 : i32
        %add3A_247 = arith.addi %scan3A_125, %add3A_246 : i32
        %select_n3A_248 = arith.select %and3A_245, %add3A_247, %scan3A_125 : i32
        %ne3A_249 = arith.cmpi ne, %add3A_131, %add3A_149 : i32
        %or3A_250 = arith.constant false
        %or3A_251 = arith.ori %or3A_250, %ne3A_249 : i1
        %or3A_252 = arith.ori %or3A_251, %eq3A_130 : i1
        %add3A_253 = arith.constant 1 : i32
        %add3A_254 = arith.addi %scan3A_123, %add3A_253 : i32
        %select_n3A_255 = arith.select %or3A_252, %add3A_254, %scan3A_123 : i32
        %add3A_256 = arith.constant 1 : i32
        %add3A_257 = arith.addi %scan3A_126, %add3A_256 : i32
        %select_n3A_258 = arith.constant true
        %select_n3A_259 = arith.select %select_n3A_258, %add3A_257, %scan3A_126 : i32
        %eq3A_260 = arith.constant 8 : i32
        %eq3A_261 = arith.cmpi eq, %select_n3A_259, %eq3A_260 : i32
        %select_n3A_262 = arith.constant 0 : i32
        %select_n3A_263 = arith.select %eq3A_261, %select_n3A_262, %select_n3A_259 : i32
        scf.yield %select_n3A_167, %select_n3A_255, %select_n3A_221, %select_n3A_248, %select_n3A_263 : i32, i32, i32, i32, i32
      }
      %scan3A_68 = arith.constant 8 : i32
      %sub3A = arith.constant 1 : i32
      %sub3A_69 = arith.subi %scan3A_67#4, %sub3A : i32
      %select_n3A_70 = arith.constant true
      %select_n3A_71 = arith.select %select_n3A_70, %sub3A_69, %scan3A_67#4 : i32
      %eq3A_72 = arith.constant -1 : i32
      %eq3A_73 = arith.cmpi eq, %select_n3A_71, %eq3A_72 : i32
      %select_n3A_74 = arith.constant 7 : i32
      %select_n3A_75 = arith.select %eq3A_73, %select_n3A_74, %select_n3A_71 : i32
      %add3A_76 = arith.addi %select_n3A_75, %mul3A_6 : i32
      %sub3A_77 = arith.constant 1 : i32
      %sub3A_78 = arith.subi %select_n3A_75, %sub3A_77 : i32
      %select_n3A_79 = arith.constant true
      %select_n3A_80 = arith.select %select_n3A_79, %sub3A_78, %select_n3A_75 : i32
      %eq3A_81 = arith.constant -1 : i32
      %eq3A_82 = arith.cmpi eq, %select_n3A_80, %eq3A_81 : i32
      %select_n3A_83 = arith.constant 7 : i32
      %select_n3A_84 = arith.select %eq3A_82, %select_n3A_83, %select_n3A_80 : i32
      %add3A_85 = arith.addi %select_n3A_84, %mul3A_6 : i32
      %add3A_86 = arith.constant 1 : i32
      %add3A_87 = arith.addi %select_n3A_75, %add3A_86 : i32
      %select_n3A_88 = arith.constant true
      %select_n3A_89 = arith.select %select_n3A_88, %add3A_87, %select_n3A_75 : i32
      %eq3A_90 = arith.constant 8 : i32
      %eq3A_91 = arith.cmpi eq, %select_n3A_89, %eq3A_90 : i32
      %select_n3A_92 = arith.constant 0 : i32
      %select_n3A_93 = arith.select %eq3A_91, %select_n3A_92, %select_n3A_89 : i32
      %add3A_94 = arith.addi %select_n3A_93, %mul3A_6 : i32
      %add3A_95 = arith.constant 1 : i32
      %add3A_96 = arith.addi %select_n3A_93, %add3A_95 : i32
      %select_n3A_97 = arith.constant true
      %select_n3A_98 = arith.select %select_n3A_97, %add3A_96, %select_n3A_93 : i32
      %eq3A_99 = arith.constant 8 : i32
      %eq3A_100 = arith.cmpi eq, %select_n3A_98, %eq3A_99 : i32
      %select_n3A_101 = arith.constant 0 : i32
      %select_n3A_102 = arith.select %eq3A_100, %select_n3A_101, %select_n3A_98 : i32
      %add3A_103 = arith.addi %select_n3A_102, %mul3A_6 : i32
      "tpu.trace_start"() <{level = 10 : i32, message = "ep_finalize"}> : () -> ()
      %rem3A_104 = arith.constant 2 : i32
      %rem3A_105 = arith.remui %scan3A_67#3, %rem3A_104 : i32
      %mul3A_106 = arith.constant 128 : i32
      %mul3A_107 = arith.muli %mul3A_106, %add3A_76 : i32
      %dma_wait3A = arith.constant 0 : i32
      %dma_wait3A_108 = arith.constant 0 : i32
      %dma_wait3A_109 = tpu.memref_slice %run_scoped3A_8[%rem3A_105, %dma_wait3A, %dma_wait3A_108] : memref<2x128x384xf32, #tpu.memory_space<vmem>> -> memref<1x128x384xf32, #tpu.memory_space<vmem>>
      %dma_wait3A_110 = tpu.memref_squeeze %dma_wait3A_109 : memref<1x128x384xf32, #tpu.memory_space<vmem>> -> memref<128x384xf32, #tpu.memory_space<vmem>>
      %dma_wait3A_111 = arith.constant 0 : i32
      %dma_wait3A_112 = tpu.memref_slice %arg4[%mul3A_107, %dma_wait3A_111] : memref<32768x384xf32, #tpu.memory_space<hbm>> -> memref<128x384xf32, #tpu.memory_space<hbm>>
      %dma_wait3A_113 = tpu.memref_slice %run_scoped3A_9[%rem3A_105] : memref<2x!tpu.dma_semaphore, #tpu.memory_space<semaphore_mem>> -> memref<1x!tpu.dma_semaphore, #tpu.memory_space<semaphore_mem>>
      %dma_wait3A_114 = tpu.memref_squeeze %dma_wait3A_113 : memref<1x!tpu.dma_semaphore, #tpu.memory_space<semaphore_mem>> -> memref<!tpu.dma_semaphore, #tpu.memory_space<semaphore_mem>>
      %dma_wait3A_115 = arith.constant 0 : i32
      %dma_wait3A_116 = tpu.memref_slice %arg4[%mul3A_107, %dma_wait3A_115] : memref<32768x384xf32, #tpu.memory_space<hbm>> -> memref<128x384xf32, #tpu.memory_space<hbm>>
      %dma_wait3A_117 = arith.constant 0 : i32
      %dma_wait3A_118 = arith.constant 0 : i32
      %dma_wait3A_119 = tpu.memref_slice %run_scoped3A_8[%rem3A_105, %dma_wait3A_117, %dma_wait3A_118] : memref<2x128x384xf32, #tpu.memory_space<vmem>> -> memref<1x128x384xf32, #tpu.memory_space<vmem>>
      %dma_wait3A_120 = tpu.memref_squeeze %dma_wait3A_119 : memref<1x128x384xf32, #tpu.memory_space<vmem>> -> memref<128x384xf32, #tpu.memory_space<vmem>>
      tpu.wait_dma2 semaphore(%dma_wait3A_114 : memref<!tpu.dma_semaphore, #tpu.memory_space<semaphore_mem>>) src(%dma_wait3A_120 : memref<128x384xf32, #tpu.memory_space<vmem>>) dst(%dma_wait3A_116 : memref<128x384xf32, #tpu.memory_space<hbm>>)
      "tpu.trace_stop"() : () -> ()
      tpu.yield
    }) : () -> ()
    return
  }
}

module attributes {stable_mosaic.version = 14 : i64} {
  func.func @_topk_proj_body(%arg0: i32, %arg1: memref<256x16xf32, #tpu.memory_space<vmem>>, %arg2: memref<2048x16xf32, #tpu.memory_space<vmem>>, %arg3: memref<256x128xf32, #tpu.memory_space<vmem>>, %arg4: memref<128x128xf32, #tpu.memory_space<vmem>>, %arg5: memref<1x128xf32, #tpu.memory_space<vmem>>, %arg6: memref<128x128xf32, #tpu.memory_space<vmem>>, %arg7: memref<1x128xf32, #tpu.memory_space<vmem>>, %arg8: memref<16x128xf32, #tpu.memory_space<vmem>>, %arg9: memref<256x384xf32, #tpu.memory_space<vmem>>, %arg10: memref<256x16xi32, #tpu.memory_space<vmem>>) attributes {dimension_semantics = [#tpu.dimension_semantics<parallel>], iteration_bounds = array<i64: 8>, scalar_prefetch = 0 : i64, scratch_operands = 0 : i64, tpu.core_type = #tpu.core_type<tc>, window_params = [{transform_indices = @transform_0, window_bounds = array<i64: 256, 16>}, {pipeline_mode = #tpu.pipeline_mode<synchronous>, transform_indices = @transform_1, window_bounds = array<i64: 2048, 16>}, {transform_indices = @transform_2, window_bounds = array<i64: 256, 128>}, {pipeline_mode = #tpu.pipeline_mode<synchronous>, transform_indices = @transform_3, window_bounds = array<i64: 128, 128>}, {pipeline_mode = #tpu.pipeline_mode<synchronous>, transform_indices = @transform_4, window_bounds = array<i64: 1, 128>}, {pipeline_mode = #tpu.pipeline_mode<synchronous>, transform_indices = @transform_5, window_bounds = array<i64: 128, 128>}, {pipeline_mode = #tpu.pipeline_mode<synchronous>, transform_indices = @transform_6, window_bounds = array<i64: 1, 128>}, {pipeline_mode = #tpu.pipeline_mode<synchronous>, transform_indices = @transform_7, window_bounds = array<i64: 16, 128>}, {transform_indices = @transform_8, window_bounds = array<i64: 256, 384>}, {transform_indices = @transform_9, window_bounds = array<i64: 256, 16>}]} {
    %get3A = arith.constant 0 : index
    %get3A_0 = arith.constant 0 : index
    %get3A_1 = vector.load %arg1[%get3A, %get3A_0] : memref<256x16xf32, #tpu.memory_space<vmem>>, vector<256x16xf32>
    %get3A_2 = arith.constant 0 : index
    %get3A_3 = arith.constant 0 : index
    %get3A_4 = vector.load %arg2[%get3A_2, %get3A_3] : memref<2048x16xf32, #tpu.memory_space<vmem>>, vector<2048x16xf32>
    %mul3A = arith.mulf %get3A_1, %get3A_1 : vector<256x16xf32>
    %reduce_sum3A = arith.constant dense<0.000000e+00> : vector<256xf32>
    %reduce_sum3A_5 = vector.multi_reduction <add>, %mul3A, %reduce_sum3A [1] : vector<256x16xf32> to vector<256xf32>
    %broadcast_in_dim3A = vector.shape_cast %reduce_sum3A_5 : vector<256xf32> to vector<256x1xf32>
    %mul3A_6 = arith.mulf %get3A_4, %get3A_4 : vector<2048x16xf32>
    %reduce_sum3A_7 = arith.constant dense<0.000000e+00> : vector<2048xf32>
    %reduce_sum3A_8 = vector.multi_reduction <add>, %mul3A_6, %reduce_sum3A_7 [1] : vector<2048x16xf32> to vector<2048xf32>
    %broadcast_in_dim3A_9 = vector.shape_cast %reduce_sum3A_8 : vector<2048xf32> to vector<2048x1xf32>
    %mul3A_10 = arith.constant -2.000000e+00 : f32
    %mul3A_11 = vector.broadcast %mul3A_10 : f32 to vector<256x16xf32>
    %mul3A_12 = arith.mulf %mul3A_11, %get3A_1 : vector<256x16xf32>
    %broadcast_in_dim3A_13 = arith.constant 1.000000e+00 : f32
    %broadcast_in_dim3A_14 = vector.broadcast %broadcast_in_dim3A_13 : f32 to vector<256x1xf32>
    %concatenate3A = tpu.concatenate %mul3A_12, %broadcast_in_dim3A_14 in 1 : vector<256x16xf32>, vector<256x1xf32> -> vector<256x17xf32>
    %concatenate3A_15 = tpu.concatenate %get3A_4, %broadcast_in_dim3A_9 in 1 : vector<2048x16xf32>, vector<2048x1xf32> -> vector<2048x17xf32>
    %dot_general3A = arith.constant dense<0.000000e+00> : vector<256x2048xf32>
    %dot_general3A_16 = tpu.matmul %concatenate3A, %concatenate3A_15, %dot_general3A {dimension_numbers = #tpu.dot_dimension_numbers<[1], [1], [0], [0], [0, 0, 1, 0], [], []>, transpose_lhs_hint = false} : vector<256x17xf32>, vector<2048x17xf32>, vector<256x2048xf32> -> vector<256x2048xf32>
    %add3A = vector.broadcast %broadcast_in_dim3A : vector<256x1xf32> to vector<256x2048xf32>
    %add3A_17 = arith.addf %dot_general3A_16, %add3A : vector<256x2048xf32>
    %iota3A = tpu.iota {dimensions = array<i32: 1>} : vector<256x2048xi32>
    %convert_element_type3A = arith.sitofp %iota3A : vector<256x2048xi32> to vector<256x2048xf32>
    %reduce_min3A = arith.constant dense<0x7F800000> : vector<256xf32>
    %reduce_min3A_18 = vector.multi_reduction <minimumf>, %add3A_17, %reduce_min3A [1] : vector<256x2048xf32> to vector<256xf32>
    %broadcast_in_dim3A_19 = vector.shape_cast %reduce_min3A_18 : vector<256xf32> to vector<256x1xf32>
    %eq3A = vector.broadcast %broadcast_in_dim3A_19 : vector<256x1xf32> to vector<256x2048xf32>
    %eq3A_20 = arith.cmpf oeq, %add3A_17, %eq3A : vector<256x2048xf32>
    %jit3A = arith.constant 2.048000e+03 : f32
    %broadcast_in_dim3A_21 = vector.broadcast %jit3A : f32 to vector<256x2048xf32>
    %select_n3A = arith.select %eq3A_20, %convert_element_type3A, %broadcast_in_dim3A_21 : vector<256x2048xi1>, vector<256x2048xf32>
    %reduce_min3A_22 = arith.constant dense<0x7F800000> : vector<256xf32>
    %reduce_min3A_23 = vector.multi_reduction <minimumf>, %select_n3A, %reduce_min3A_22 [1] : vector<256x2048xf32> to vector<256xf32>
    %broadcast_in_dim3A_24 = vector.shape_cast %reduce_min3A_23 : vector<256xf32> to vector<256x1xf32>
    %eq3A_25 = vector.broadcast %broadcast_in_dim3A_24 : vector<256x1xf32> to vector<256x2048xf32>
    %eq3A_26 = arith.cmpf oeq, %convert_element_type3A, %eq3A_25 : vector<256x2048xf32>
    %jit3A_27 = arith.constant 0x7F800000 : f32
    %broadcast_in_dim3A_28 = vector.broadcast %jit3A_27 : f32 to vector<256x2048xf32>
    %select_n3A_29 = arith.select %eq3A_26, %broadcast_in_dim3A_28, %add3A_17 : vector<256x2048xi1>, vector<256x2048xf32>
    %reduce_min3A_30 = arith.constant dense<0x7F800000> : vector<256xf32>
    %reduce_min3A_31 = vector.multi_reduction <minimumf>, %select_n3A_29, %reduce_min3A_30 [1] : vector<256x2048xf32> to vector<256xf32>
    %broadcast_in_dim3A_32 = vector.shape_cast %reduce_min3A_31 : vector<256xf32> to vector<256x1xf32>
    %eq3A_33 = vector.broadcast %broadcast_in_dim3A_32 : vector<256x1xf32> to vector<256x2048xf32>
    %eq3A_34 = arith.cmpf oeq, %select_n3A_29, %eq3A_33 : vector<256x2048xf32>
    %jit3A_35 = arith.constant 2.048000e+03 : f32
    %broadcast_in_dim3A_36 = vector.broadcast %jit3A_35 : f32 to vector<256x2048xf32>
    %select_n3A_37 = arith.select %eq3A_34, %convert_element_type3A, %broadcast_in_dim3A_36 : vector<256x2048xi1>, vector<256x2048xf32>
    %reduce_min3A_38 = arith.constant dense<0x7F800000> : vector<256xf32>
    %reduce_min3A_39 = vector.multi_reduction <minimumf>, %select_n3A_37, %reduce_min3A_38 [1] : vector<256x2048xf32> to vector<256xf32>
    %broadcast_in_dim3A_40 = vector.shape_cast %reduce_min3A_39 : vector<256xf32> to vector<256x1xf32>
    %eq3A_41 = vector.broadcast %broadcast_in_dim3A_40 : vector<256x1xf32> to vector<256x2048xf32>
    %eq3A_42 = arith.cmpf oeq, %convert_element_type3A, %eq3A_41 : vector<256x2048xf32>
    %jit3A_43 = arith.constant 0x7F800000 : f32
    %broadcast_in_dim3A_44 = vector.broadcast %jit3A_43 : f32 to vector<256x2048xf32>
    %select_n3A_45 = arith.select %eq3A_42, %broadcast_in_dim3A_44, %select_n3A_29 : vector<256x2048xi1>, vector<256x2048xf32>
    %reduce_min3A_46 = arith.constant dense<0x7F800000> : vector<256xf32>
    %reduce_min3A_47 = vector.multi_reduction <minimumf>, %select_n3A_45, %reduce_min3A_46 [1] : vector<256x2048xf32> to vector<256xf32>
    %broadcast_in_dim3A_48 = vector.shape_cast %reduce_min3A_47 : vector<256xf32> to vector<256x1xf32>
    %eq3A_49 = vector.broadcast %broadcast_in_dim3A_48 : vector<256x1xf32> to vector<256x2048xf32>
    %eq3A_50 = arith.cmpf oeq, %select_n3A_45, %eq3A_49 : vector<256x2048xf32>
    %jit3A_51 = arith.constant 2.048000e+03 : f32
    %broadcast_in_dim3A_52 = vector.broadcast %jit3A_51 : f32 to vector<256x2048xf32>
    %select_n3A_53 = arith.select %eq3A_50, %convert_element_type3A, %broadcast_in_dim3A_52 : vector<256x2048xi1>, vector<256x2048xf32>
    %reduce_min3A_54 = arith.constant dense<0x7F800000> : vector<256xf32>
    %reduce_min3A_55 = vector.multi_reduction <minimumf>, %select_n3A_53, %reduce_min3A_54 [1] : vector<256x2048xf32> to vector<256xf32>
    %broadcast_in_dim3A_56 = vector.shape_cast %reduce_min3A_55 : vector<256xf32> to vector<256x1xf32>
    %eq3A_57 = vector.broadcast %broadcast_in_dim3A_56 : vector<256x1xf32> to vector<256x2048xf32>
    %eq3A_58 = arith.cmpf oeq, %convert_element_type3A, %eq3A_57 : vector<256x2048xf32>
    %jit3A_59 = arith.constant 0x7F800000 : f32
    %broadcast_in_dim3A_60 = vector.broadcast %jit3A_59 : f32 to vector<256x2048xf32>
    %select_n3A_61 = arith.select %eq3A_58, %broadcast_in_dim3A_60, %select_n3A_45 : vector<256x2048xi1>, vector<256x2048xf32>
    %reduce_min3A_62 = arith.constant dense<0x7F800000> : vector<256xf32>
    %reduce_min3A_63 = vector.multi_reduction <minimumf>, %select_n3A_61, %reduce_min3A_62 [1] : vector<256x2048xf32> to vector<256xf32>
    %broadcast_in_dim3A_64 = vector.shape_cast %reduce_min3A_63 : vector<256xf32> to vector<256x1xf32>
    %eq3A_65 = vector.broadcast %broadcast_in_dim3A_64 : vector<256x1xf32> to vector<256x2048xf32>
    %eq3A_66 = arith.cmpf oeq, %select_n3A_61, %eq3A_65 : vector<256x2048xf32>
    %jit3A_67 = arith.constant 2.048000e+03 : f32
    %broadcast_in_dim3A_68 = vector.broadcast %jit3A_67 : f32 to vector<256x2048xf32>
    %select_n3A_69 = arith.select %eq3A_66, %convert_element_type3A, %broadcast_in_dim3A_68 : vector<256x2048xi1>, vector<256x2048xf32>
    %reduce_min3A_70 = arith.constant dense<0x7F800000> : vector<256xf32>
    %reduce_min3A_71 = vector.multi_reduction <minimumf>, %select_n3A_69, %reduce_min3A_70 [1] : vector<256x2048xf32> to vector<256xf32>
    %broadcast_in_dim3A_72 = vector.shape_cast %reduce_min3A_71 : vector<256xf32> to vector<256x1xf32>
    %eq3A_73 = vector.broadcast %broadcast_in_dim3A_72 : vector<256x1xf32> to vector<256x2048xf32>
    %eq3A_74 = arith.cmpf oeq, %convert_element_type3A, %eq3A_73 : vector<256x2048xf32>
    %jit3A_75 = arith.constant 0x7F800000 : f32
    %broadcast_in_dim3A_76 = vector.broadcast %jit3A_75 : f32 to vector<256x2048xf32>
    %select_n3A_77 = arith.select %eq3A_74, %broadcast_in_dim3A_76, %select_n3A_61 : vector<256x2048xi1>, vector<256x2048xf32>
    %reduce_min3A_78 = arith.constant dense<0x7F800000> : vector<256xf32>
    %reduce_min3A_79 = vector.multi_reduction <minimumf>, %select_n3A_77, %reduce_min3A_78 [1] : vector<256x2048xf32> to vector<256xf32>
    %broadcast_in_dim3A_80 = vector.shape_cast %reduce_min3A_79 : vector<256xf32> to vector<256x1xf32>
    %eq3A_81 = vector.broadcast %broadcast_in_dim3A_80 : vector<256x1xf32> to vector<256x2048xf32>
    %eq3A_82 = arith.cmpf oeq, %select_n3A_77, %eq3A_81 : vector<256x2048xf32>
    %jit3A_83 = arith.constant 2.048000e+03 : f32
    %broadcast_in_dim3A_84 = vector.broadcast %jit3A_83 : f32 to vector<256x2048xf32>
    %select_n3A_85 = arith.select %eq3A_82, %convert_element_type3A, %broadcast_in_dim3A_84 : vector<256x2048xi1>, vector<256x2048xf32>
    %reduce_min3A_86 = arith.constant dense<0x7F800000> : vector<256xf32>
    %reduce_min3A_87 = vector.multi_reduction <minimumf>, %select_n3A_85, %reduce_min3A_86 [1] : vector<256x2048xf32> to vector<256xf32>
    %broadcast_in_dim3A_88 = vector.shape_cast %reduce_min3A_87 : vector<256xf32> to vector<256x1xf32>
    %eq3A_89 = vector.broadcast %broadcast_in_dim3A_88 : vector<256x1xf32> to vector<256x2048xf32>
    %eq3A_90 = arith.cmpf oeq, %convert_element_type3A, %eq3A_89 : vector<256x2048xf32>
    %jit3A_91 = arith.constant 0x7F800000 : f32
    %broadcast_in_dim3A_92 = vector.broadcast %jit3A_91 : f32 to vector<256x2048xf32>
    %select_n3A_93 = arith.select %eq3A_90, %broadcast_in_dim3A_92, %select_n3A_77 : vector<256x2048xi1>, vector<256x2048xf32>
    %reduce_min3A_94 = arith.constant dense<0x7F800000> : vector<256xf32>
    %reduce_min3A_95 = vector.multi_reduction <minimumf>, %select_n3A_93, %reduce_min3A_94 [1] : vector<256x2048xf32> to vector<256xf32>
    %broadcast_in_dim3A_96 = vector.shape_cast %reduce_min3A_95 : vector<256xf32> to vector<256x1xf32>
    %eq3A_97 = vector.broadcast %broadcast_in_dim3A_96 : vector<256x1xf32> to vector<256x2048xf32>
    %eq3A_98 = arith.cmpf oeq, %select_n3A_93, %eq3A_97 : vector<256x2048xf32>
    %jit3A_99 = arith.constant 2.048000e+03 : f32
    %broadcast_in_dim3A_100 = vector.broadcast %jit3A_99 : f32 to vector<256x2048xf32>
    %select_n3A_101 = arith.select %eq3A_98, %convert_element_type3A, %broadcast_in_dim3A_100 : vector<256x2048xi1>, vector<256x2048xf32>
    %reduce_min3A_102 = arith.constant dense<0x7F800000> : vector<256xf32>
    %reduce_min3A_103 = vector.multi_reduction <minimumf>, %select_n3A_101, %reduce_min3A_102 [1] : vector<256x2048xf32> to vector<256xf32>
    %broadcast_in_dim3A_104 = vector.shape_cast %reduce_min3A_103 : vector<256xf32> to vector<256x1xf32>
    %eq3A_105 = vector.broadcast %broadcast_in_dim3A_104 : vector<256x1xf32> to vector<256x2048xf32>
    %eq3A_106 = arith.cmpf oeq, %convert_element_type3A, %eq3A_105 : vector<256x2048xf32>
    %jit3A_107 = arith.constant 0x7F800000 : f32
    %broadcast_in_dim3A_108 = vector.broadcast %jit3A_107 : f32 to vector<256x2048xf32>
    %select_n3A_109 = arith.select %eq3A_106, %broadcast_in_dim3A_108, %select_n3A_93 : vector<256x2048xi1>, vector<256x2048xf32>
    %reduce_min3A_110 = arith.constant dense<0x7F800000> : vector<256xf32>
    %reduce_min3A_111 = vector.multi_reduction <minimumf>, %select_n3A_109, %reduce_min3A_110 [1] : vector<256x2048xf32> to vector<256xf32>
    %broadcast_in_dim3A_112 = vector.shape_cast %reduce_min3A_111 : vector<256xf32> to vector<256x1xf32>
    %eq3A_113 = vector.broadcast %broadcast_in_dim3A_112 : vector<256x1xf32> to vector<256x2048xf32>
    %eq3A_114 = arith.cmpf oeq, %select_n3A_109, %eq3A_113 : vector<256x2048xf32>
    %jit3A_115 = arith.constant 2.048000e+03 : f32
    %broadcast_in_dim3A_116 = vector.broadcast %jit3A_115 : f32 to vector<256x2048xf32>
    %select_n3A_117 = arith.select %eq3A_114, %convert_element_type3A, %broadcast_in_dim3A_116 : vector<256x2048xi1>, vector<256x2048xf32>
    %reduce_min3A_118 = arith.constant dense<0x7F800000> : vector<256xf32>
    %reduce_min3A_119 = vector.multi_reduction <minimumf>, %select_n3A_117, %reduce_min3A_118 [1] : vector<256x2048xf32> to vector<256xf32>
    %broadcast_in_dim3A_120 = vector.shape_cast %reduce_min3A_119 : vector<256xf32> to vector<256x1xf32>
    %eq3A_121 = vector.broadcast %broadcast_in_dim3A_120 : vector<256x1xf32> to vector<256x2048xf32>
    %eq3A_122 = arith.cmpf oeq, %convert_element_type3A, %eq3A_121 : vector<256x2048xf32>
    %jit3A_123 = arith.constant 0x7F800000 : f32
    %broadcast_in_dim3A_124 = vector.broadcast %jit3A_123 : f32 to vector<256x2048xf32>
    %select_n3A_125 = arith.select %eq3A_122, %broadcast_in_dim3A_124, %select_n3A_109 : vector<256x2048xi1>, vector<256x2048xf32>
    %reduce_min3A_126 = arith.constant dense<0x7F800000> : vector<256xf32>
    %reduce_min3A_127 = vector.multi_reduction <minimumf>, %select_n3A_125, %reduce_min3A_126 [1] : vector<256x2048xf32> to vector<256xf32>
    %broadcast_in_dim3A_128 = vector.shape_cast %reduce_min3A_127 : vector<256xf32> to vector<256x1xf32>
    %eq3A_129 = vector.broadcast %broadcast_in_dim3A_128 : vector<256x1xf32> to vector<256x2048xf32>
    %eq3A_130 = arith.cmpf oeq, %select_n3A_125, %eq3A_129 : vector<256x2048xf32>
    %jit3A_131 = arith.constant 2.048000e+03 : f32
    %broadcast_in_dim3A_132 = vector.broadcast %jit3A_131 : f32 to vector<256x2048xf32>
    %select_n3A_133 = arith.select %eq3A_130, %convert_element_type3A, %broadcast_in_dim3A_132 : vector<256x2048xi1>, vector<256x2048xf32>
    %reduce_min3A_134 = arith.constant dense<0x7F800000> : vector<256xf32>
    %reduce_min3A_135 = vector.multi_reduction <minimumf>, %select_n3A_133, %reduce_min3A_134 [1] : vector<256x2048xf32> to vector<256xf32>
    %broadcast_in_dim3A_136 = vector.shape_cast %reduce_min3A_135 : vector<256xf32> to vector<256x1xf32>
    %eq3A_137 = vector.broadcast %broadcast_in_dim3A_136 : vector<256x1xf32> to vector<256x2048xf32>
    %eq3A_138 = arith.cmpf oeq, %convert_element_type3A, %eq3A_137 : vector<256x2048xf32>
    %jit3A_139 = arith.constant 0x7F800000 : f32
    %broadcast_in_dim3A_140 = vector.broadcast %jit3A_139 : f32 to vector<256x2048xf32>
    %select_n3A_141 = arith.select %eq3A_138, %broadcast_in_dim3A_140, %select_n3A_125 : vector<256x2048xi1>, vector<256x2048xf32>
    %reduce_min3A_142 = arith.constant dense<0x7F800000> : vector<256xf32>
    %reduce_min3A_143 = vector.multi_reduction <minimumf>, %select_n3A_141, %reduce_min3A_142 [1] : vector<256x2048xf32> to vector<256xf32>
    %broadcast_in_dim3A_144 = vector.shape_cast %reduce_min3A_143 : vector<256xf32> to vector<256x1xf32>
    %eq3A_145 = vector.broadcast %broadcast_in_dim3A_144 : vector<256x1xf32> to vector<256x2048xf32>
    %eq3A_146 = arith.cmpf oeq, %select_n3A_141, %eq3A_145 : vector<256x2048xf32>
    %jit3A_147 = arith.constant 2.048000e+03 : f32
    %broadcast_in_dim3A_148 = vector.broadcast %jit3A_147 : f32 to vector<256x2048xf32>
    %select_n3A_149 = arith.select %eq3A_146, %convert_element_type3A, %broadcast_in_dim3A_148 : vector<256x2048xi1>, vector<256x2048xf32>
    %reduce_min3A_150 = arith.constant dense<0x7F800000> : vector<256xf32>
    %reduce_min3A_151 = vector.multi_reduction <minimumf>, %select_n3A_149, %reduce_min3A_150 [1] : vector<256x2048xf32> to vector<256xf32>
    %broadcast_in_dim3A_152 = vector.shape_cast %reduce_min3A_151 : vector<256xf32> to vector<256x1xf32>
    %eq3A_153 = vector.broadcast %broadcast_in_dim3A_152 : vector<256x1xf32> to vector<256x2048xf32>
    %eq3A_154 = arith.cmpf oeq, %convert_element_type3A, %eq3A_153 : vector<256x2048xf32>
    %jit3A_155 = arith.constant 0x7F800000 : f32
    %broadcast_in_dim3A_156 = vector.broadcast %jit3A_155 : f32 to vector<256x2048xf32>
    %select_n3A_157 = arith.select %eq3A_154, %broadcast_in_dim3A_156, %select_n3A_141 : vector<256x2048xi1>, vector<256x2048xf32>
    %reduce_min3A_158 = arith.constant dense<0x7F800000> : vector<256xf32>
    %reduce_min3A_159 = vector.multi_reduction <minimumf>, %select_n3A_157, %reduce_min3A_158 [1] : vector<256x2048xf32> to vector<256xf32>
    %broadcast_in_dim3A_160 = vector.shape_cast %reduce_min3A_159 : vector<256xf32> to vector<256x1xf32>
    %eq3A_161 = vector.broadcast %broadcast_in_dim3A_160 : vector<256x1xf32> to vector<256x2048xf32>
    %eq3A_162 = arith.cmpf oeq, %select_n3A_157, %eq3A_161 : vector<256x2048xf32>
    %jit3A_163 = arith.constant 2.048000e+03 : f32
    %broadcast_in_dim3A_164 = vector.broadcast %jit3A_163 : f32 to vector<256x2048xf32>
    %select_n3A_165 = arith.select %eq3A_162, %convert_element_type3A, %broadcast_in_dim3A_164 : vector<256x2048xi1>, vector<256x2048xf32>
    %reduce_min3A_166 = arith.constant dense<0x7F800000> : vector<256xf32>
    %reduce_min3A_167 = vector.multi_reduction <minimumf>, %select_n3A_165, %reduce_min3A_166 [1] : vector<256x2048xf32> to vector<256xf32>
    %broadcast_in_dim3A_168 = vector.shape_cast %reduce_min3A_167 : vector<256xf32> to vector<256x1xf32>
    %eq3A_169 = vector.broadcast %broadcast_in_dim3A_168 : vector<256x1xf32> to vector<256x2048xf32>
    %eq3A_170 = arith.cmpf oeq, %convert_element_type3A, %eq3A_169 : vector<256x2048xf32>
    %jit3A_171 = arith.constant 0x7F800000 : f32
    %broadcast_in_dim3A_172 = vector.broadcast %jit3A_171 : f32 to vector<256x2048xf32>
    %select_n3A_173 = arith.select %eq3A_170, %broadcast_in_dim3A_172, %select_n3A_157 : vector<256x2048xi1>, vector<256x2048xf32>
    %reduce_min3A_174 = arith.constant dense<0x7F800000> : vector<256xf32>
    %reduce_min3A_175 = vector.multi_reduction <minimumf>, %select_n3A_173, %reduce_min3A_174 [1] : vector<256x2048xf32> to vector<256xf32>
    %broadcast_in_dim3A_176 = vector.shape_cast %reduce_min3A_175 : vector<256xf32> to vector<256x1xf32>
    %eq3A_177 = vector.broadcast %broadcast_in_dim3A_176 : vector<256x1xf32> to vector<256x2048xf32>
    %eq3A_178 = arith.cmpf oeq, %select_n3A_173, %eq3A_177 : vector<256x2048xf32>
    %jit3A_179 = arith.constant 2.048000e+03 : f32
    %broadcast_in_dim3A_180 = vector.broadcast %jit3A_179 : f32 to vector<256x2048xf32>
    %select_n3A_181 = arith.select %eq3A_178, %convert_element_type3A, %broadcast_in_dim3A_180 : vector<256x2048xi1>, vector<256x2048xf32>
    %reduce_min3A_182 = arith.constant dense<0x7F800000> : vector<256xf32>
    %reduce_min3A_183 = vector.multi_reduction <minimumf>, %select_n3A_181, %reduce_min3A_182 [1] : vector<256x2048xf32> to vector<256xf32>
    %broadcast_in_dim3A_184 = vector.shape_cast %reduce_min3A_183 : vector<256xf32> to vector<256x1xf32>
    %eq3A_185 = vector.broadcast %broadcast_in_dim3A_184 : vector<256x1xf32> to vector<256x2048xf32>
    %eq3A_186 = arith.cmpf oeq, %convert_element_type3A, %eq3A_185 : vector<256x2048xf32>
    %jit3A_187 = arith.constant 0x7F800000 : f32
    %broadcast_in_dim3A_188 = vector.broadcast %jit3A_187 : f32 to vector<256x2048xf32>
    %select_n3A_189 = arith.select %eq3A_186, %broadcast_in_dim3A_188, %select_n3A_173 : vector<256x2048xi1>, vector<256x2048xf32>
    %reduce_min3A_190 = arith.constant dense<0x7F800000> : vector<256xf32>
    %reduce_min3A_191 = vector.multi_reduction <minimumf>, %select_n3A_189, %reduce_min3A_190 [1] : vector<256x2048xf32> to vector<256xf32>
    %broadcast_in_dim3A_192 = vector.shape_cast %reduce_min3A_191 : vector<256xf32> to vector<256x1xf32>
    %eq3A_193 = vector.broadcast %broadcast_in_dim3A_192 : vector<256x1xf32> to vector<256x2048xf32>
    %eq3A_194 = arith.cmpf oeq, %select_n3A_189, %eq3A_193 : vector<256x2048xf32>
    %jit3A_195 = arith.constant 2.048000e+03 : f32
    %broadcast_in_dim3A_196 = vector.broadcast %jit3A_195 : f32 to vector<256x2048xf32>
    %select_n3A_197 = arith.select %eq3A_194, %convert_element_type3A, %broadcast_in_dim3A_196 : vector<256x2048xi1>, vector<256x2048xf32>
    %reduce_min3A_198 = arith.constant dense<0x7F800000> : vector<256xf32>
    %reduce_min3A_199 = vector.multi_reduction <minimumf>, %select_n3A_197, %reduce_min3A_198 [1] : vector<256x2048xf32> to vector<256xf32>
    %broadcast_in_dim3A_200 = vector.shape_cast %reduce_min3A_199 : vector<256xf32> to vector<256x1xf32>
    %eq3A_201 = vector.broadcast %broadcast_in_dim3A_200 : vector<256x1xf32> to vector<256x2048xf32>
    %eq3A_202 = arith.cmpf oeq, %convert_element_type3A, %eq3A_201 : vector<256x2048xf32>
    %jit3A_203 = arith.constant 0x7F800000 : f32
    %broadcast_in_dim3A_204 = vector.broadcast %jit3A_203 : f32 to vector<256x2048xf32>
    %select_n3A_205 = arith.select %eq3A_202, %broadcast_in_dim3A_204, %select_n3A_189 : vector<256x2048xi1>, vector<256x2048xf32>
    %reduce_min3A_206 = arith.constant dense<0x7F800000> : vector<256xf32>
    %reduce_min3A_207 = vector.multi_reduction <minimumf>, %select_n3A_205, %reduce_min3A_206 [1] : vector<256x2048xf32> to vector<256xf32>
    %broadcast_in_dim3A_208 = vector.shape_cast %reduce_min3A_207 : vector<256xf32> to vector<256x1xf32>
    %eq3A_209 = vector.broadcast %broadcast_in_dim3A_208 : vector<256x1xf32> to vector<256x2048xf32>
    %eq3A_210 = arith.cmpf oeq, %select_n3A_205, %eq3A_209 : vector<256x2048xf32>
    %jit3A_211 = arith.constant 2.048000e+03 : f32
    %broadcast_in_dim3A_212 = vector.broadcast %jit3A_211 : f32 to vector<256x2048xf32>
    %select_n3A_213 = arith.select %eq3A_210, %convert_element_type3A, %broadcast_in_dim3A_212 : vector<256x2048xi1>, vector<256x2048xf32>
    %reduce_min3A_214 = arith.constant dense<0x7F800000> : vector<256xf32>
    %reduce_min3A_215 = vector.multi_reduction <minimumf>, %select_n3A_213, %reduce_min3A_214 [1] : vector<256x2048xf32> to vector<256xf32>
    %broadcast_in_dim3A_216 = vector.shape_cast %reduce_min3A_215 : vector<256xf32> to vector<256x1xf32>
    %eq3A_217 = vector.broadcast %broadcast_in_dim3A_216 : vector<256x1xf32> to vector<256x2048xf32>
    %eq3A_218 = arith.cmpf oeq, %convert_element_type3A, %eq3A_217 : vector<256x2048xf32>
    %jit3A_219 = arith.constant 0x7F800000 : f32
    %broadcast_in_dim3A_220 = vector.broadcast %jit3A_219 : f32 to vector<256x2048xf32>
    %select_n3A_221 = arith.select %eq3A_218, %broadcast_in_dim3A_220, %select_n3A_205 : vector<256x2048xi1>, vector<256x2048xf32>
    %reduce_min3A_222 = arith.constant dense<0x7F800000> : vector<256xf32>
    %reduce_min3A_223 = vector.multi_reduction <minimumf>, %select_n3A_221, %reduce_min3A_222 [1] : vector<256x2048xf32> to vector<256xf32>
    %broadcast_in_dim3A_224 = vector.shape_cast %reduce_min3A_223 : vector<256xf32> to vector<256x1xf32>
    %eq3A_225 = vector.broadcast %broadcast_in_dim3A_224 : vector<256x1xf32> to vector<256x2048xf32>
    %eq3A_226 = arith.cmpf oeq, %select_n3A_221, %eq3A_225 : vector<256x2048xf32>
    %jit3A_227 = arith.constant 2.048000e+03 : f32
    %broadcast_in_dim3A_228 = vector.broadcast %jit3A_227 : f32 to vector<256x2048xf32>
    %select_n3A_229 = arith.select %eq3A_226, %convert_element_type3A, %broadcast_in_dim3A_228 : vector<256x2048xi1>, vector<256x2048xf32>
    %reduce_min3A_230 = arith.constant dense<0x7F800000> : vector<256xf32>
    %reduce_min3A_231 = vector.multi_reduction <minimumf>, %select_n3A_229, %reduce_min3A_230 [1] : vector<256x2048xf32> to vector<256xf32>
    %broadcast_in_dim3A_232 = vector.shape_cast %reduce_min3A_231 : vector<256xf32> to vector<256x1xf32>
    %eq3A_233 = vector.broadcast %broadcast_in_dim3A_232 : vector<256x1xf32> to vector<256x2048xf32>
    %eq3A_234 = arith.cmpf oeq, %convert_element_type3A, %eq3A_233 : vector<256x2048xf32>
    %jit3A_235 = arith.constant 0x7F800000 : f32
    %broadcast_in_dim3A_236 = vector.broadcast %jit3A_235 : f32 to vector<256x2048xf32>
    %select_n3A_237 = arith.select %eq3A_234, %broadcast_in_dim3A_236, %select_n3A_221 : vector<256x2048xi1>, vector<256x2048xf32>
    %reduce_min3A_238 = arith.constant dense<0x7F800000> : vector<256xf32>
    %reduce_min3A_239 = vector.multi_reduction <minimumf>, %select_n3A_237, %reduce_min3A_238 [1] : vector<256x2048xf32> to vector<256xf32>
    %broadcast_in_dim3A_240 = vector.shape_cast %reduce_min3A_239 : vector<256xf32> to vector<256x1xf32>
    %eq3A_241 = vector.broadcast %broadcast_in_dim3A_240 : vector<256x1xf32> to vector<256x2048xf32>
    %eq3A_242 = arith.cmpf oeq, %select_n3A_237, %eq3A_241 : vector<256x2048xf32>
    %jit3A_243 = arith.constant 2.048000e+03 : f32
    %broadcast_in_dim3A_244 = vector.broadcast %jit3A_243 : f32 to vector<256x2048xf32>
    %select_n3A_245 = arith.select %eq3A_242, %convert_element_type3A, %broadcast_in_dim3A_244 : vector<256x2048xi1>, vector<256x2048xf32>
    %reduce_min3A_246 = arith.constant dense<0x7F800000> : vector<256xf32>
    %reduce_min3A_247 = vector.multi_reduction <minimumf>, %select_n3A_245, %reduce_min3A_246 [1] : vector<256x2048xf32> to vector<256xf32>
    %broadcast_in_dim3A_248 = vector.shape_cast %reduce_min3A_247 : vector<256xf32> to vector<256x1xf32>
    %eq3A_249 = vector.broadcast %broadcast_in_dim3A_248 : vector<256x1xf32> to vector<256x2048xf32>
    %eq3A_250 = arith.cmpf oeq, %convert_element_type3A, %eq3A_249 : vector<256x2048xf32>
    %jit3A_251 = arith.constant 0x7F800000 : f32
    %broadcast_in_dim3A_252 = vector.broadcast %jit3A_251 : f32 to vector<256x2048xf32>
    %select_n3A_253 = arith.select %eq3A_250, %broadcast_in_dim3A_252, %select_n3A_237 : vector<256x2048xi1>, vector<256x2048xf32>
    %reduce_min3A_254 = arith.constant dense<0x7F800000> : vector<256xf32>
    %reduce_min3A_255 = vector.multi_reduction <minimumf>, %select_n3A_253, %reduce_min3A_254 [1] : vector<256x2048xf32> to vector<256xf32>
    %broadcast_in_dim3A_256 = vector.shape_cast %reduce_min3A_255 : vector<256xf32> to vector<256x1xf32>
    %eq3A_257 = vector.broadcast %broadcast_in_dim3A_256 : vector<256x1xf32> to vector<256x2048xf32>
    %eq3A_258 = arith.cmpf oeq, %select_n3A_253, %eq3A_257 : vector<256x2048xf32>
    %jit3A_259 = arith.constant 2.048000e+03 : f32
    %broadcast_in_dim3A_260 = vector.broadcast %jit3A_259 : f32 to vector<256x2048xf32>
    %select_n3A_261 = arith.select %eq3A_258, %convert_element_type3A, %broadcast_in_dim3A_260 : vector<256x2048xi1>, vector<256x2048xf32>
    %reduce_min3A_262 = arith.constant dense<0x7F800000> : vector<256xf32>
    %reduce_min3A_263 = vector.multi_reduction <minimumf>, %select_n3A_261, %reduce_min3A_262 [1] : vector<256x2048xf32> to vector<256xf32>
    %broadcast_in_dim3A_264 = vector.shape_cast %reduce_min3A_263 : vector<256xf32> to vector<256x1xf32>
    %concatenate3A_265 = tpu.concatenate %broadcast_in_dim3A_24, %broadcast_in_dim3A_40, %broadcast_in_dim3A_56, %broadcast_in_dim3A_72, %broadcast_in_dim3A_88, %broadcast_in_dim3A_104, %broadcast_in_dim3A_120, %broadcast_in_dim3A_136, %broadcast_in_dim3A_152, %broadcast_in_dim3A_168, %broadcast_in_dim3A_184, %broadcast_in_dim3A_200, %broadcast_in_dim3A_216, %broadcast_in_dim3A_232, %broadcast_in_dim3A_248, %broadcast_in_dim3A_264 in 1 : vector<256x1xf32>, vector<256x1xf32>, vector<256x1xf32>, vector<256x1xf32>, vector<256x1xf32>, vector<256x1xf32>, vector<256x1xf32>, vector<256x1xf32>, vector<256x1xf32>, vector<256x1xf32>, vector<256x1xf32>, vector<256x1xf32>, vector<256x1xf32>, vector<256x1xf32>, vector<256x1xf32>, vector<256x1xf32> -> vector<256x16xf32>
    %convert_element_type3A_266 = arith.fptosi %concatenate3A_265 : vector<256x16xf32> to vector<256x16xi32>
    %swap3A = arith.constant 0 : index
    %swap3A_267 = arith.constant 0 : index
    %swap3A_268 = vector.load %arg10[%swap3A, %swap3A_267] : memref<256x16xi32, #tpu.memory_space<vmem>>, vector<256x16xi32>
    tpu.vector_store %arg10[%swap3A, %swap3A_267], %convert_element_type3A_266 {strides = array<i32>} : memref<256x16xi32, #tpu.memory_space<vmem>>, vector<256x16xi32>,
    %get3A_269 = arith.constant 0 : index
    %get3A_270 = arith.constant 0 : index
    %get3A_271 = vector.load %arg3[%get3A_269, %get3A_270] : memref<256x128xf32, #tpu.memory_space<vmem>>, vector<256x128xf32>
    %get3A_272 = arith.constant 0 : index
    %get3A_273 = arith.constant 0 : index
    %get3A_274 = vector.load %arg4[%get3A_272, %get3A_273] : memref<128x128xf32, #tpu.memory_space<vmem>>, vector<128x128xf32>
    %dot_general3A_275 = arith.constant dense<0.000000e+00> : vector<256x128xf32>
    %dot_general3A_276 = tpu.matmul %get3A_271, %get3A_274, %dot_general3A_275 {dimension_numbers = #tpu.dot_dimension_numbers<[1], [0], [0], [1], [0, 0, 1, 1], [], []>, transpose_lhs_hint = false} : vector<256x128xf32>, vector<128x128xf32>, vector<256x128xf32> -> vector<256x128xf32>
    %get3A_277 = arith.constant 0 : index
    %get3A_278 = arith.constant 0 : index
    %get3A_279 = vector.load %arg5[%get3A_277, %get3A_278] : memref<1x128xf32, #tpu.memory_space<vmem>>, vector<1x128xf32>
    %add3A_280 = vector.broadcast %get3A_279 : vector<1x128xf32> to vector<256x128xf32>
    %add3A_281 = arith.addf %dot_general3A_276, %add3A_280 : vector<256x128xf32>
    %get3A_282 = arith.constant 0 : index
    %get3A_283 = arith.constant 0 : index
    %get3A_284 = vector.load %arg6[%get3A_282, %get3A_283] : memref<128x128xf32, #tpu.memory_space<vmem>>, vector<128x128xf32>
    %dot_general3A_285 = arith.constant dense<0.000000e+00> : vector<256x128xf32>
    %dot_general3A_286 = tpu.matmul %get3A_271, %get3A_284, %dot_general3A_285 {dimension_numbers = #tpu.dot_dimension_numbers<[1], [0], [0], [1], [0, 0, 1, 1], [], []>, transpose_lhs_hint = false} : vector<256x128xf32>, vector<128x128xf32>, vector<256x128xf32> -> vector<256x128xf32>
    %get3A_287 = arith.constant 0 : index
    %get3A_288 = arith.constant 0 : index
    %get3A_289 = vector.load %arg7[%get3A_287, %get3A_288] : memref<1x128xf32, #tpu.memory_space<vmem>>, vector<1x128xf32>
    %add3A_290 = vector.broadcast %get3A_289 : vector<1x128xf32> to vector<256x128xf32>
    %add3A_291 = arith.addf %dot_general3A_286, %add3A_290 : vector<256x128xf32>
    %get3A_292 = arith.constant 0 : index
    %get3A_293 = arith.constant 0 : index
    %get3A_294 = vector.load %arg8[%get3A_292, %get3A_293] : memref<16x128xf32, #tpu.memory_space<vmem>>, vector<16x128xf32>
    %dot_general3A_295 = arith.constant dense<0.000000e+00> : vector<256x128xf32>
    %dot_general3A_296 = tpu.matmul %get3A_1, %get3A_294, %dot_general3A_295 {dimension_numbers = #tpu.dot_dimension_numbers<[1], [0], [0], [1], [0, 0, 1, 1], [], []>, transpose_lhs_hint = false} : vector<256x16xf32>, vector<16x128xf32>, vector<256x128xf32> -> vector<256x128xf32>
    %mul3A_297 = arith.mulf %add3A_281, %add3A_281 : vector<256x128xf32>
    %concatenate3A_298 = tpu.concatenate %mul3A_297, %add3A_291, %dot_general3A_296 in 1 : vector<256x128xf32>, vector<256x128xf32>, vector<256x128xf32> -> vector<256x384xf32>
    %swap3A_299 = arith.constant 0 : index
    %swap3A_300 = arith.constant 0 : index
    %swap3A_301 = vector.load %arg9[%swap3A_299, %swap3A_300] : memref<256x384xf32, #tpu.memory_space<vmem>>, vector<256x384xf32>
    tpu.vector_store %arg9[%swap3A_299, %swap3A_300], %concatenate3A_298 {strides = array<i32>} : memref<256x384xf32, #tpu.memory_space<vmem>>, vector<256x384xf32>,
    return
  }
  func.func @transform_0(%arg0: i32) -> (i32, i32) {
    %c0_i32 = arith.constant 0 : i32
    %c0_i32_0 = arith.constant 0 : i32
    return %arg0, %c0_i32 : i32, i32
  }
  func.func @transform_1(%arg0: i32) -> (i32, i32) {
    %c0_i32 = arith.constant 0 : i32
    %c0_i32_0 = arith.constant 0 : i32
    %c0_i32_1 = arith.constant 0 : i32
    return %c0_i32, %c0_i32_0 : i32, i32
  }
  func.func @transform_2(%arg0: i32) -> (i32, i32) {
    %c0_i32 = arith.constant 0 : i32
    %c0_i32_0 = arith.constant 0 : i32
    return %arg0, %c0_i32 : i32, i32
  }
  func.func @transform_3(%arg0: i32) -> (i32, i32) {
    %c0_i32 = arith.constant 0 : i32
    %c0_i32_0 = arith.constant 0 : i32
    %c0_i32_1 = arith.constant 0 : i32
    return %c0_i32, %c0_i32_0 : i32, i32
  }
  func.func @transform_4(%arg0: i32) -> (i32, i32) {
    %c0_i32 = arith.constant 0 : i32
    %c0_i32_0 = arith.constant 0 : i32
    %c0_i32_1 = arith.constant 0 : i32
    return %c0_i32, %c0_i32_0 : i32, i32
  }
  func.func @transform_5(%arg0: i32) -> (i32, i32) {
    %c0_i32 = arith.constant 0 : i32
    %c0_i32_0 = arith.constant 0 : i32
    %c0_i32_1 = arith.constant 0 : i32
    return %c0_i32, %c0_i32_0 : i32, i32
  }
  func.func @transform_6(%arg0: i32) -> (i32, i32) {
    %c0_i32 = arith.constant 0 : i32
    %c0_i32_0 = arith.constant 0 : i32
    %c0_i32_1 = arith.constant 0 : i32
    return %c0_i32, %c0_i32_0 : i32, i32
  }
  func.func @transform_7(%arg0: i32) -> (i32, i32) {
    %c0_i32 = arith.constant 0 : i32
    %c0_i32_0 = arith.constant 0 : i32
    %c0_i32_1 = arith.constant 0 : i32
    return %c0_i32, %c0_i32_0 : i32, i32
  }
  func.func @transform_8(%arg0: i32) -> (i32, i32) {
    %c0_i32 = arith.constant 0 : i32
    %c0_i32_0 = arith.constant 0 : i32
    return %arg0, %c0_i32 : i32, i32
  }
  func.func @transform_9(%arg0: i32) -> (i32, i32) {
    %c0_i32 = arith.constant 0 : i32
    %c0_i32_0 = arith.constant 0 : i32
    return %arg0, %c0_i32 : i32, i32
  }
}

module attributes {stable_mosaic.version = 14 : i64} {
  func.func @_attn_body(%arg0: i32, %arg1: memref<2048x384xf32, #tpu.memory_space<vmem>>, %arg2: memref<128x384xf32, #tpu.memory_space<vmem>>, %arg3: memref<1x128xf32, #tpu.memory_space<vmem>>, %arg4: memref<128x128xf32, #tpu.memory_space<vmem>>, %arg5: memref<1x128xf32, #tpu.memory_space<vmem>>, %arg6: memref<2048x128xf32, #tpu.memory_space<vmem>>, %arg7: memref<1x16x128xf32, #tpu.memory_space<vmem>>) attributes {dimension_semantics = [#tpu.dimension_semantics<parallel>], iteration_bounds = array<i64: 16>, scalar_prefetch = 0 : i64, scratch_operands = 0 : i64, tpu.core_type = #tpu.core_type<tc>, window_params = [{transform_indices = @transform_0, window_bounds = array<i64: 2048, 384>}, {transform_indices = @transform_1, window_bounds = array<i64: 128, 384>}, {pipeline_mode = #tpu.pipeline_mode<synchronous>, transform_indices = @transform_2, window_bounds = array<i64: 1, 128>}, {pipeline_mode = #tpu.pipeline_mode<synchronous>, transform_indices = @transform_3, window_bounds = array<i64: 128, 128>}, {pipeline_mode = #tpu.pipeline_mode<synchronous>, transform_indices = @transform_4, window_bounds = array<i64: 1, 128>}, {transform_indices = @transform_5, window_bounds = array<i64: 2048, 128>}, {transform_indices = @transform_6, window_bounds = array<i64: 1, 16, 128>}]} {
    %get3A = arith.constant 0 : index
    %get3A_0 = arith.constant 0 : index
    %get3A_1 = vector.load %arg1[%get3A, %get3A_0] : memref<2048x384xf32, #tpu.memory_space<vmem>>, vector<2048x384xf32>
    %slice3A = vector.extract_strided_slice %get3A_1 {offsets = [0, 0], sizes = [2048, 128], strides = [1, 1]} : vector<2048x384xf32> to vector<2048x128xf32>
    %slice3A_2 = vector.extract_strided_slice %get3A_1 {offsets = [0, 128], sizes = [2048, 128], strides = [1, 1]} : vector<2048x384xf32> to vector<2048x128xf32>
    %slice3A_3 = vector.extract_strided_slice %get3A_1 {offsets = [0, 256], sizes = [2048, 128], strides = [1, 1]} : vector<2048x384xf32> to vector<2048x128xf32>
    %get3A_4 = arith.constant 0 : index
    %get3A_5 = arith.constant 0 : index
    %get3A_6 = vector.load %arg2[%get3A_4, %get3A_5] : memref<128x384xf32, #tpu.memory_space<vmem>>, vector<128x384xf32>
    %slice3A_7 = vector.extract_strided_slice %get3A_6 {offsets = [0, 256], sizes = [128, 128], strides = [1, 1]} : vector<128x384xf32> to vector<128x128xf32>
    %broadcast_in_dim3A = vector.shape_cast %slice3A_7 : vector<128x128xf32> to vector<128x1x128xf32>
    %broadcast_in_dim3A_8 = vector.shape_cast %broadcast_in_dim3A : vector<128x1x128xf32> to vector<128x1x128xf32>
    %broadcast_in_dim3A_9 = vector.broadcast %broadcast_in_dim3A_8 : vector<128x1x128xf32> to vector<128x16x128xf32>
    %reshape3A = vector.shape_cast %broadcast_in_dim3A_9 : vector<128x16x128xf32> to vector<2048x128xf32>
    %sub3A = arith.subf %reshape3A, %slice3A_3 : vector<2048x128xf32>
    %get3A_10 = arith.constant 0 : index
    %get3A_11 = arith.constant 0 : index
    %get3A_12 = vector.load %arg3[%get3A_10, %get3A_11] : memref<1x128xf32, #tpu.memory_space<vmem>>, vector<1x128xf32>
    %add3A = vector.broadcast %get3A_12 : vector<1x128xf32> to vector<2048x128xf32>
    %add3A_13 = arith.addf %sub3A, %add3A : vector<2048x128xf32>
    %max3A = arith.constant 0.000000e+00 : f32
    %max3A_14 = vector.broadcast %max3A : f32 to vector<2048x128xf32>
    %max3A_15 = arith.maximumf %add3A_13, %max3A_14 : vector<2048x128xf32>
    %get3A_16 = arith.constant 0 : index
    %get3A_17 = arith.constant 0 : index
    %get3A_18 = vector.load %arg4[%get3A_16, %get3A_17] : memref<128x128xf32, #tpu.memory_space<vmem>>, vector<128x128xf32>
    %dot_general3A = arith.constant dense<0.000000e+00> : vector<2048x128xf32>
    %dot_general3A_19 = tpu.matmul %max3A_15, %get3A_18, %dot_general3A {dimension_numbers = #tpu.dot_dimension_numbers<[1], [0], [0], [1], [0, 0, 1, 1], [], []>, transpose_lhs_hint = false} : vector<2048x128xf32>, vector<128x128xf32>, vector<2048x128xf32> -> vector<2048x128xf32>
    %get3A_20 = arith.constant 0 : index
    %get3A_21 = arith.constant 0 : index
    %get3A_22 = vector.load %arg5[%get3A_20, %get3A_21] : memref<1x128xf32, #tpu.memory_space<vmem>>, vector<1x128xf32>
    %add3A_23 = vector.broadcast %get3A_22 : vector<1x128xf32> to vector<2048x128xf32>
    %add3A_24 = arith.addf %dot_general3A_19, %add3A_23 : vector<2048x128xf32>
    %add3A_25 = arith.addf %add3A_24, %slice3A : vector<2048x128xf32>
    %reduce_max3A = arith.constant dense<0xFF800000> : vector<2048xf32>
    %reduce_max3A_26 = vector.multi_reduction <maximumf>, %add3A_25, %reduce_max3A [1] : vector<2048x128xf32> to vector<2048xf32>
    %broadcast_in_dim3A_27 = vector.shape_cast %reduce_max3A_26 : vector<2048xf32> to vector<2048x1xf32>
    %sub3A_28 = vector.broadcast %broadcast_in_dim3A_27 : vector<2048x1xf32> to vector<2048x128xf32>
    %sub3A_29 = arith.subf %add3A_25, %sub3A_28 : vector<2048x128xf32>
    %exp3A = math.exp %sub3A_29 : vector<2048x128xf32>
    %reduce_sum3A = arith.constant dense<0.000000e+00> : vector<2048xf32>
    %reduce_sum3A_30 = vector.multi_reduction <add>, %exp3A, %reduce_sum3A [1] : vector<2048x128xf32> to vector<2048xf32>
    %broadcast_in_dim3A_31 = vector.shape_cast %reduce_sum3A_30 : vector<2048xf32> to vector<2048x1xf32>
    %div3A = vector.broadcast %broadcast_in_dim3A_31 : vector<2048x1xf32> to vector<2048x128xf32>
    %div3A_32 = arith.divf %exp3A, %div3A : vector<2048x128xf32>
    %mul3A = arith.mulf %div3A_32, %slice3A_2 : vector<2048x128xf32>
    %swap3A = arith.constant 0 : index
    %swap3A_33 = arith.constant 0 : index
    %swap3A_34 = vector.load %arg6[%swap3A, %swap3A_33] : memref<2048x128xf32, #tpu.memory_space<vmem>>, vector<2048x128xf32>
    tpu.vector_store %arg6[%swap3A, %swap3A_33], %mul3A {strides = array<i32>} : memref<2048x128xf32, #tpu.memory_space<vmem>>, vector<2048x128xf32>,
    %reshape3A_35 = vector.shape_cast %div3A_32 : vector<2048x128xf32> to vector<128x16x128xf32>
    %reduce_sum3A_36 = arith.constant dense<0.000000e+00> : vector<16x128xf32>
    %reduce_sum3A_37 = vector.multi_reduction <add>, %reshape3A_35, %reduce_sum3A_36 [0] : vector<128x16x128xf32> to vector<16x128xf32>
    %swap3A_38 = arith.constant 0 : index
    %swap3A_39 = arith.constant 0 : index
    %swap3A_40 = arith.constant 0 : index
    %swap3A_41 = vector.load %arg7[%swap3A_38, %swap3A_39, %swap3A_40] : memref<1x16x128xf32, #tpu.memory_space<vmem>>, vector<1x16x128xf32>
    %swap3A_42 = vector.shape_cast %swap3A_41 : vector<1x16x128xf32> to vector<16x128xf32>
    %swap3A_43 = vector.shape_cast %reduce_sum3A_37 : vector<16x128xf32> to vector<1x16x128xf32>
    tpu.vector_store %arg7[%swap3A_38, %swap3A_39, %swap3A_40], %swap3A_43 {strides = array<i32>} : memref<1x16x128xf32, #tpu.memory_space<vmem>>, vector<1x16x128xf32>,
    return
  }
  func.func @transform_0(%arg0: i32) -> (i32, i32) {
    %c0_i32 = arith.constant 0 : i32
    %c0_i32_0 = arith.constant 0 : i32
    return %arg0, %c0_i32 : i32, i32
  }
  func.func @transform_1(%arg0: i32) -> (i32, i32) {
    %c0_i32 = arith.constant 0 : i32
    %c0_i32_0 = arith.constant 0 : i32
    return %arg0, %c0_i32 : i32, i32
  }
  func.func @transform_2(%arg0: i32) -> (i32, i32) {
    %c0_i32 = arith.constant 0 : i32
    %c0_i32_0 = arith.constant 0 : i32
    %c0_i32_1 = arith.constant 0 : i32
    return %c0_i32, %c0_i32_0 : i32, i32
  }
  func.func @transform_3(%arg0: i32) -> (i32, i32) {
    %c0_i32 = arith.constant 0 : i32
    %c0_i32_0 = arith.constant 0 : i32
    %c0_i32_1 = arith.constant 0 : i32
    return %c0_i32, %c0_i32_0 : i32, i32
  }
  func.func @transform_4(%arg0: i32) -> (i32, i32) {
    %c0_i32 = arith.constant 0 : i32
    %c0_i32_0 = arith.constant 0 : i32
    %c0_i32_1 = arith.constant 0 : i32
    return %c0_i32, %c0_i32_0 : i32, i32
  }
  func.func @transform_5(%arg0: i32) -> (i32, i32) {
    %c0_i32 = arith.constant 0 : i32
    %c0_i32_0 = arith.constant 0 : i32
    return %arg0, %c0_i32 : i32, i32
  }
  func.func @transform_6(%arg0: i32) -> (i32, i32, i32) {
    %c0_i32 = arith.constant 0 : i32
    %c0_i32_0 = arith.constant 0 : i32
    %c0_i32_1 = arith.constant 0 : i32
    return %arg0, %c0_i32, %c0_i32_0 : i32, i32, i32
  }
}

module attributes {stable_mosaic.version = 14 : i64} {
  func.func @_norm_body(%arg0: i32, %arg1: memref<4096x128xf32, #tpu.memory_space<vmem>>, %arg2: memref<256x128xf32, #tpu.memory_space<vmem>>, %arg3: memref<256x128xf32, #tpu.memory_space<vmem>>, %arg4: memref<256x128xf32, #tpu.memory_space<vmem>>) attributes {dimension_semantics = [#tpu.dimension_semantics<parallel>], iteration_bounds = array<i64: 8>, scalar_prefetch = 0 : i64, scratch_operands = 0 : i64, tpu.core_type = #tpu.core_type<tc>, window_params = [{transform_indices = @transform_0, window_bounds = array<i64: 4096, 128>}, {pipeline_mode = #tpu.pipeline_mode<synchronous>, transform_indices = @transform_1, window_bounds = array<i64: 256, 128>}, {transform_indices = @transform_2, window_bounds = array<i64: 256, 128>}, {transform_indices = @transform_3, window_bounds = array<i64: 256, 128>}]} {
    %get3A = arith.constant 0 : index
    %get3A_0 = arith.constant 0 : index
    %get3A_1 = vector.load %arg2[%get3A, %get3A_0] : memref<256x128xf32, #tpu.memory_space<vmem>>, vector<256x128xf32>
    %reshape3A = vector.shape_cast %get3A_1 : vector<256x128xf32> to vector<16x16x128xf32>
    %reduce_sum3A = arith.constant dense<0.000000e+00> : vector<16x128xf32>
    %reduce_sum3A_2 = vector.multi_reduction <add>, %reshape3A, %reduce_sum3A [0] : vector<16x16x128xf32> to vector<16x128xf32>
    %add3A = arith.constant 9.99999971E-10 : f32
    %add3A_3 = vector.broadcast %add3A : f32 to vector<16x128xf32>
    %add3A_4 = arith.addf %add3A_3, %reduce_sum3A_2 : vector<16x128xf32>
    %div3A = arith.constant 1.000000e+00 : f32
    %div3A_5 = vector.broadcast %div3A : f32 to vector<16x128xf32>
    %div3A_6 = arith.divf %div3A_5, %add3A_4 : vector<16x128xf32>
    %get3A_7 = arith.constant 0 : index
    %get3A_8 = arith.constant 0 : index
    %get3A_9 = vector.load %arg1[%get3A_7, %get3A_8] : memref<4096x128xf32, #tpu.memory_space<vmem>>, vector<4096x128xf32>
    %reshape3A_10 = vector.shape_cast %get3A_9 : vector<4096x128xf32> to vector<256x16x128xf32>
    %get3A_11 = arith.constant 0 : index
    %get3A_12 = arith.constant 0 : index
    %get3A_13 = vector.load %arg3[%get3A_11, %get3A_12] : memref<256x128xf32, #tpu.memory_space<vmem>>, vector<256x128xf32>
    %broadcast_in_dim3A = vector.shape_cast %div3A_6 : vector<16x128xf32> to vector<1x16x128xf32>
    %mul3A = vector.broadcast %broadcast_in_dim3A : vector<1x16x128xf32> to vector<256x16x128xf32>
    %mul3A_14 = arith.mulf %reshape3A_10, %mul3A : vector<256x16x128xf32>
    %reduce_sum3A_15 = arith.constant dense<0.000000e+00> : vector<256x128xf32>
    %reduce_sum3A_16 = vector.multi_reduction <add>, %mul3A_14, %reduce_sum3A_15 [1] : vector<256x16x128xf32> to vector<256x128xf32>
    %add3A_17 = arith.addf %get3A_13, %reduce_sum3A_16 : vector<256x128xf32>
    %swap3A = arith.constant 0 : index
    %swap3A_18 = arith.constant 0 : index
    %swap3A_19 = vector.load %arg4[%swap3A, %swap3A_18] : memref<256x128xf32, #tpu.memory_space<vmem>>, vector<256x128xf32>
    tpu.vector_store %arg4[%swap3A, %swap3A_18], %add3A_17 {strides = array<i32>} : memref<256x128xf32, #tpu.memory_space<vmem>>, vector<256x128xf32>,
    return
  }
  func.func @transform_0(%arg0: i32) -> (i32, i32) {
    %c0_i32 = arith.constant 0 : i32
    %c0_i32_0 = arith.constant 0 : i32
    return %arg0, %c0_i32 : i32, i32
  }
  func.func @transform_1(%arg0: i32) -> (i32, i32) {
    %c0_i32 = arith.constant 0 : i32
    %c0_i32_0 = arith.constant 0 : i32
    %c0_i32_1 = arith.constant 0 : i32
    return %c0_i32, %c0_i32_0 : i32, i32
  }
  func.func @transform_2(%arg0: i32) -> (i32, i32) {
    %c0_i32 = arith.constant 0 : i32
    %c0_i32_0 = arith.constant 0 : i32
    return %arg0, %c0_i32 : i32, i32
  }
  func.func @transform_3(%arg0: i32) -> (i32, i32) {
    %c0_i32 = arith.constant 0 : i32
    %c0_i32_0 = arith.constant 0 : i32
    return %arg0, %c0_i32 : i32, i32
  }
}

</mosaic_0001>

<sc_bundles>
// kernel: kernel.18.cloned.1.call-start
scs
__scs_entry_jumppad:
0x0: {  	(pc) =	sbr.rel $0x88, $3  }
0x1: {  	(tag) =	ssettag $0x0;
	lr =	simm.s32 $0x1  }
0x2: {  	[smem:$0x3F97] =	sst lr;
	_ =	strace $0xD0000000  }
0x3: {  	_ = 	snop  }
0x4: {  	_ = 	snop  }
0x5: {  	_ = 	snop  }
0x6: {  	_ = 	snop  }
0x7: {  	_ = 	snop  }
__scs_overlays_trampoline_lowered:
0x8: {  	[smem:$0x3FA6] =	sst s0  }
0x9: {  	[smem:$0x3FA7] =	sst s1  }
0xa: {  	[smem:$0x3FA8] =	sst s2  }
0xb: {  	[smem:$0x3FA9] =	sst s3  }
0xc: {  	[smem:$0x3FAA] =	sst s4  }
0xd: {  	[smem:$0x3FAB] =	sst s5  }
0xe: {  	[smem:$0x3FAC] =	sst s6  }
0xf: {  	[smem:$0x3FAD] =	sst s7  }
0x10: {  	[smem:$0x3FAE] =	sst s8  }
0x11: {  	[smem:$0x3FAF] =	sst s9;
	s0 =	simm.s32 @!p0 $0x0  }
0x12: {  	s1 =	sld [smem:$0x3F95];
	s0 =	simm.s32 @p0 $0x1  }
0x13: {  	[smem:$0x3FB0] =	sst s0;
	s0 =	simm.s32 @!p1 $0x0  }
0x14: {  	s2 =	sld [smem:$0x3F94];
	s0 =	simm.s32 @p1 $0x1  }
0x15: {  	[smem:$0x3FB1] =	sst s0;
	s0 =	simm.s32 @!p2 $0x0  }
0x16: {  	s3 =	sld [smem:$0x3FDB];
	s0 =	simm.s32 @p2 $0x1  }
0x17: {  	s4 =	simm.s32 $0x1BF5;
	[smem:$0x3FB3] =	sst s0  }
0x18: {  	s0 =	sld [smem:$0x3F96];
	_ =	swait.ge [sflag:s4], $0x0  }
0x19: {  	s7 =	sld [smem:$0x3F97]  }
0x1a: {  	s8 =	sadd.s32 $0xFFFFE003, lr  }
0x1b: {  	s9 =	sadd.s32 $0xFFFFFEF7, lr;
	s5 =	simm.s32 $0xFFFFFFFF;
	p2 =	slt.u32 s8, $0xFFFFF086  }
0x1c: {  	p1 =	slt.u32 s9, $0xF7A;
	s5 =	simm.s32 @!p2 $0x0  }
0x1d: {  	s5 =	simm.s32 @p1 $0x1;
	p0 =	seq.s32 s7, s2  }
0x1e: {  	s7 =	smul.u32 @!p0 $0xF7A, s2;
	p2 =	seq.s32 @!p0 s5, $0x0  }
0x1f: {  	s9 =	smul.u32 $0xF7A, s1;
	s8 =	simm.s32 @!p0 $0x1BF5;
	p2 =	por !p2, p0  }
0x20: {  	[sflag:s8] =	ssyncset.s32 @!p0 $0xFFFFF086;
	s6 =	sadd.s32 @!p0 s3, s7;
	s7 =	simm.s32 @!p0 $0x108  }
0x21: {  	s3 =	sadd.s32 s3, s9;
	s6 =	sadd.s32 @!p0 $0x88, s6;
	s7 =	simm.s32 @p2 $0x1082  }
0x22: {  	[simem:s7], [sflag:s8] =	dma.local @!p0 [hbm:s6], $0xF7A  }
0x23: {  	s9 =	sor.u32 $0xD0000000, s2;
	s6 =	simm.s32 $0x108;
	_ =	swait.ge @!p0 [sflag:s8], $0x0  }
0x24: {  	s3 =	sadd.s32 $0x88, s3;
	s6 =	simm.s32 @!p1 $0x1082;
	[sflag:s4] =	ssyncset.s32 $0xFFFFF086  }
0x25: {  	[simem:s6], [sflag:s4] =	dma.local [hbm:s3], $0xF7A  }
0x26: {  	[smem:$0x3F97] =	sst s1;
	(tag) =	ssettag s2;
	_ =	strace s9  }
0x27: {  	s1 =	sld [smem:$0x3FA7]  }
0x28: {  	s2 =	sld [smem:$0x3FA8]  }
0x29: {  	s4 =	sld [smem:$0x3FAA]  }
0x2a: {  	p0 =	seq.s32 s5, $0x0;
	s5 =	sld [smem:$0x3FAB]  }
0x2b: {  	s6 =	sld [smem:$0x3FAC]  }
0x2c: {  	s7 =	sld [smem:$0x3FAD]  }
0x2d: {  	s3 =	simm.s32 $0x108;
	s8 =	sld [smem:$0x3FAE]  }
0x2e: {  	s3 =	simm.s32 @!p0 $0x1082;
	s9 =	sld [smem:$0x3FAF]  }
0x2f: {  	lr =	sadd.s32 s0, s3;
	s0 =	sld [smem:$0x3FA6]  }
0x30: {  	s3 =	sld [smem:$0x3FA9]  }
0x31: {  	[smem:$0x3FB2] =	sst s10  }
0x32: {  	s10 =	sld [smem:$0x3FB0];
	_ =	sdelay $0x3  }
0x33: {  	p0 =	seq.s32 s10, $0x1;
	s10 =	sld [smem:$0x3FB2];
	_ =	sdelay $0x3  }
0x34: {  	[smem:$0x3FB2] =	sst s10  }
0x35: {  	s10 =	sld [smem:$0x3FB1];
	_ =	sdelay $0x3  }
0x36: {  	p1 =	seq.s32 s10, $0x1;
	s10 =	sld [smem:$0x3FB2];
	_ =	sdelay $0x3  }
0x37: {  	[smem:$0x3FB2] =	sst s10  }
0x38: {  	s10 =	sld [smem:$0x3FB3]  }
0x39: {  	_ = 	snop;
	(pc) =	sbr.ind lr, $3  }
0x3a: {  	_ = 	snop  }
0x3b: {  	_ = 	snop  }
0x3c: {  	p2 =	seq.s32 s10, $0x1;
	s10 =	sld [smem:$0x3FB2]  }
0x3d: {  	_ =	shalt  }
0x3e: {  	_ =	shalt  }
0x3f: {  	_ =	shalt  }
0x40: {  	_ =	shalt  }
0x41: {  	_ =	shalt  }
0x42: {  	_ =	shalt  }
0x43: {  	_ =	shalt  }
0x44: {  	_ =	shalt  }
0x45: {  	_ =	shalt  }
0x46: {  	_ =	shalt  }
0x47: {  	_ =	shalt  }
0x48: {  	_ =	shalt  }
0x49: {  	_ =	shalt  }
0x4a: {  	_ =	shalt  }
0x4b: {  	_ =	shalt  }
0x4c: {  	_ =	shalt  }
0x4d: {  	_ =	shalt  }
0x4e: {  	_ =	shalt  }
0x4f: {  	_ =	shalt  }
0x50: {  	_ =	shalt  }
0x51: {  	_ =	shalt  }
0x52: {  	_ =	shalt  }
0x53: {  	_ =	shalt  }
0x54: {  	_ =	shalt  }
0x55: {  	_ =	shalt  }
0x56: {  	_ =	shalt  }
0x57: {  	_ =	shalt  }
0x58: {  	_ =	shalt  }
0x59: {  	_ =	shalt  }
0x5a: {  	_ =	shalt  }
0x5b: {  	_ =	shalt  }
0x5c: {  	_ =	shalt  }
0x5d: {  	_ =	shalt  }
0x5e: {  	_ =	shalt  }
0x5f: {  	_ =	shalt  }
0x60: {  	_ =	shalt  }
0x61: {  	_ =	shalt  }
0x62: {  	_ =	shalt  }
0x63: {  	_ =	shalt  }
0x64: {  	_ =	shalt  }
0x65: {  	_ =	shalt  }
0x66: {  	_ =	shalt  }
0x67: {  	_ =	shalt  }
0x68: {  	_ =	shalt  }
0x69: {  	_ =	shalt  }
0x6a: {  	_ =	shalt  }
0x6b: {  	_ =	shalt  }
0x6c: {  	_ =	shalt  }
0x6d: {  	_ =	shalt  }
0x6e: {  	_ =	shalt  }
0x6f: {  	_ =	shalt  }
0x70: {  	_ =	shalt  }
0x71: {  	_ =	shalt  }
0x72: {  	_ =	shalt  }
0x73: {  	_ =	shalt  }
0x74: {  	_ =	shalt  }
0x75: {  	_ =	shalt  }
0x76: {  	_ =	shalt  }
0x77: {  	_ =	shalt  }
0x78: {  	_ =	shalt  }
0x79: {  	_ =	shalt  }
0x7a: {  	_ =	shalt  }
0x7b: {  	_ =	shalt  }
0x7c: {  	_ =	shalt  }
0x7d: {  	_ =	shalt  }
0x7e: {  	_ =	shalt  }
0x7f: {  	_ =	shalt  }
0x80: {  	_ =	shalt  }
0x81: {  	_ =	shalt  }
0x82: {  	_ =	shalt  }
0x83: {  	_ =	shalt  }
0x84: {  	_ =	shalt  }
0x85: {  	_ =	shalt  }
0x86: {  	_ =	shalt  }
0x87: {  	_ =	shalt  }
.Lfunc_end0:
.L_simem_size_0:
called_computation_lowered:
.L_overlay_start_0:
0x88: {  	s2 =	sld [smem:$0x3FD9]  }
0x89: {  	s3 =	sld [smem:$0x3FFE];
	_ =	sdelay $0x1  }
0x8a: {  	s1 =	srdreg.scid  }
0x8b: {  	s0 =	sand.u32 $0x1, s1  }
0x8c: {  	s16 =	sshll.u32 s0, $0xA;
	s2 =	sadd.s32 s3, s2  }
0x8d: {  	s2 =	sadd.s32 s2, s16  }
0x8e: {  	[smem:$0x3FBE] =	sst s2  }
0x8f: {  	_ = 	snop  }
0x90: {  	(tm) =	ssettm $0x1  }
0x91: {  	s17 =	sld [smem:$0x3FFB];
	_ =	sdelay $0x3  }
0x92: {  	_ =	strace s17  }
0x93: {  	s2 =	sld [smem:$0x3FFC];
	_ =	sdelay $0x3  }
0x94: {  	_ =	strace s2  }
0x95: {  	s2 =	sld [smem:$0x3FFD];
	_ =	sdelay $0x3  }
0x96: {  	_ =	strace s2  }
0x97: {  	_ =	strace $0x8FFFFFFF  }
0x98: {  	s18 =	sld [smem:$0x3FDB];
	_ =	sdelay $0x1  }
0x99: {  	s19 =	simm.s32 $_scs_section_size  }
0x9a: {  	s4 =	simm.s32 $_size__tile_overlayer_lowered;
	s5 =	simm.s32 $_tile_overlayer_lowered  }
0x9b: {  	s22 =	simm.s32 $0x1BFF;
	s21 =	sshll.u32 s5, $0x1;
	s2 =	sadd.s32 s19, s18  }
0x9c: {  	s6 =	simm.s32 $0x0;
	s20 =	sshll.u32 s4, $0x1;
	s4 =	sadd.s32 s21, s2  }
0x9d: {  	[timem:s6], [sflag:s22] =	dma.local [hbm:s4], s20  }
0x9e: {  	_ =	swait.ge [sflag:s22], s20  }
0x9f: {  	s3 =	ssub.s32 $0x0, s20;
	[sflag:s22] =	ssyncset.done $0x0  }
0xa0: {  	[sflag:s22] =	ssyncadd.s32 s3;
	_ =	sdelay $0x1  }
0xa1: {  	s23 =	simm.s32 $0x1B8B  }
0xa2: {  	_ =	swait.ge [sflag:s23], $0x1  }
0xa3: {  	[sflag:s23] =	ssyncset.done $0x0  }
0xa4: {  	s25 =	simm.s32 $0x1B8E;
	s24 =	sld [smem:$0x3FFE];
	[sflag:s23] =	ssyncadd.s32 $0xFFFFFFFF  }
0xa5: {  	s26 =	simm.s32 $execute0_lowered;
	[smem:$0x3FD2] =	sst s25  }
0xa6: {  	s4 =	sshll.u32 s26, $0x1;
	_ =	strace $0x80000046;
	[dreg:$0x1] =	wrdreg $0xFFFFFFFF  }
0xa7: {  	s28 =	simm.s32 $_size_execute0_lowered;
	s2 =	sadd.s32 s2, s4;
	[dreg:$0x0] =	wrdreg $0x0  }
0xa8: {  	s4 =	sshll.u32 s28, $0x1;
	[dreg:$0x2] =	wrdreg s2  }
0xa9: {  	[dreg:$0x3] =	wrdreg s4  }
0xaa: {  	[dreg:$0x4] =	wrdreg $0xC0  }
0xab: {  	_ =	task [dreg:s6], $0x5FFFF  }
0xac: {  	[dreg:$0x1] =	wrdreg $0xFFFFFFFF  }
0xad: {  	[dreg:$0x0] =	wrdreg $0x60  }
0xae: {  	[dreg:$0x2] =	wrdreg s24  }
0xaf: {  	[dreg:$0x3] =	wrdreg $0x9  }
0xb0: {  	_ =	task.clear_ibuf [dreg:s6], $0x4FFFF;
	_ =	strace $0x90000046  }
0xb1: {  	s29 =	simm.s32 $0x9;
	_ =	strace $0x8000004F  }
0xb2: {  	_ =	swait.ge [sflag:s29], $0x1  }
0xb3: {  	[sflag:s29] =	ssyncadd.s32 $0xFFFFFFFF  }
0xb4: {  	_ =	strace $0x9000004F  }
0xb5: {  	_ =	sfence  }
0xb6: {  	s30 =	sld [smem:$0x0];
	_ =	sdelay $0x2  }
0xb7: {  	s31 =	sshll.u32 s1, $0xD;
	s1 =	sshrl.u32 s1, $0x2  }
0xb8: {  	s3 =	sand.u32 $0x4000, s31;
	s1 =	sadd.s32 s1, s30  }
0xb9: {  	s0 =	sor.u32 s3, s0;
	s1 =	sshll.u32 s1, $0x11  }
0xba: {  	s0 =	sor.u32 s1, s0  }
0xbb: {  	s0 =	sadd.s32 $0x8F2B, s0  }
0xbc: {  	[sflag:s0] =	ssyncadd.remote.s32 $0x1  }
0xbd: {  	_ =	sfence.sel $0xFFFF  }
0xbe: {  	[dreg:$0x0] =	wrdreg $0xFFFFFFFF;
	(pc) =	sbr.abs _section_cstart, $3  }
0xbf: {  	[dreg:$0x1] =	wrdreg $0xFFFFFFFF  }
0xc0: {  	_ =	task.clear_ibuf [dreg:s6], $0x2FFFF;
	_ =	strace $0x9FFFFFFF  }
0xc1: {  	(tm) =	ssettm $0x7FFFFFFF  }
tec
execute0_lowered:
.L_overlay_start_1:
0x0: {  	(tag) =	ssettag $0x1  }
0x1: {  	s7 =	rddreg [dreg:$0x0]  }
0x2: {  	s0 =	rddreg [dreg:$0x1];
	s1 =	simm.s32 $0x0;
	s3 =	srdreg.scid  }
0x3: {  	s9 =	simm.s32 $0x5;
	s10 =	simm.s32 $0x4;
	s11 =	simm.s32 $0x0  }
0x4: {  	[smem:$0x7FF] =	sst s1;
	s2 =	sadd.s32 $0x26600, s7;
	s4 =	sadd.s32 $0x3E600, s7  }
0x5: {  	s5 =	sadd.s32 $0x3F600, s7;
	s6 =	sand.u32 $0x1, s3;
	s3 =	stileid.u32  }
0x6: {  	_ =	strace $0x80000047;
	s8 =	ssub.s32 $0x2, s6;
	s6 =	sshll.u32 s6, $0x4  }
0x7: {  	v2 =	vlaneseq.u32;
	[dreg:$0x2] =	wrdreg s5;
	s31 =	sshrl.u32 s8, $0x1;
	s6 =	sor.u32 s3, s6  }
0x8: {  	vm0 =	vmmov $0xffff;
	vm1 =	vmmov $0xff;
	v1 =	vshrl.u32 v2, $0x3;
	s8 =	ssub.s32 s8, s31;
	s5 =	sshll.u32 s6, $0x3;
	s6 =	sshll.u32 s6, $0x7  }
0x9: {  	s7 =	sadd.s32 $0x26700, s7;
	v0 =	vand.u32 $0x7, v2;
	v2 =	vor.u32 $0x8, v2;
	v1 =	vmul.u32 $0x8, v1;
	s6 =	sadd.s32 s4, s6;
	s8 =	smax.u32 s8, $0x1  }
.LBB2_1:
0xa: {  	_ =	strace $0x80000048;
	s12 =	simm.s32 $0x8  }
0xb: {  	s13 =	simm.s32 $0x0;
	s14 =	simm.s32 $0x0;
	s15 =	simm.s32 $0x0  }
0xc: {  	[tilespmem:s1], [sflag:$0x1] =	stream.linear.gather [hbm4b:s6+s1], $0x80, $0x200038;
	[tilespmem:$0x18100] =	vst v63  }
0xd: {  	s16 =	simm.s32 $0x0;
	s17 =	simm.s32 $0x1;
	_ =	strace $0x90000048  }
.LBB2_2:
0xe: {  	s18 =	smov.u32 s13;
	s13 =	sadd.s32 $0x1, s13  }
0xf: {  	p0 =	seq.s32 s13, $0x8  }
0x10: {  	s13 =	simm.s32 @p0 $0x0  }
0x11: {  	p6 =	sne.s32 s12, $0x1;
	p1 =	sne.s32 s18, s13  }
0x12: {  	p0 =	por !p6, !p1  }
0x13: {  	p0 =	por !p0, !p0  }
0x14: {  	s19 =	sadd.s32 @p0 s5, s13  }
0x15: {  	s20 =	sand.u32 @p0 $0x1, s17;
	s19 =	sshll.u32 @p0 s19, $0x4  }
0x16: {  	_ =	strace @p0 $0x80000049;
	s22 =	simm.s32 @p0 $0x0;
	s19 =	sand.u32 @p0 $0x1FFFFFF0, s19  }
0x17: {  	s21 =	sshll.u32 @p0 s20, $0x7;
	s20 =	sadd.s32 @p0 $0x1, s20;
	s19 =	sadd.s32 @p0 s4, s19  }
0x18: {  	[tilespmem:s21], [sflag:s20] =	stream.linear.gather @p0 [hbm4b:s19+s22], $0x80, $0x200038;
	[tilespmem:$0x18100] =	vst v63  }
0x19: {  	s28 =	sand.u32 $0x1, s16;
	_ =	strace @p0 $0x90000049  }
0x1a: {  	s19 =	sadd.s32 $0x1, s28;
	_ =	strace $0x8000004A  }
0x1b: {  	_ =	swait.ge [sflag:s19], $0x80  }
0x1c: {  	[sflag:s19] =	ssyncset.done $0x0  }
0x1d: {  	[sflag:s19] =	ssyncadd.s32 $0xFFFFFF80  }
0x1e: {  	s29 =	sshll.u32 s16, $0x7;
	_ =	strace $0x9000004A  }
0x1f: {  	s22 =	sand.u32 $0x80, s29;
	_ =	strace $0x8000004B  }
0x20: {  	v3 =	vld [tilespmem:s22+$0x0];
	_ =	sdelay $0x4  }
0x21: {  	v4 =	vshrl.u32 v3, $0x3  }
0x22: {  	v4 =	vmul.u32 $0x18, v4  }
0x23: {  	v3 =	vand.u32 $0x7, v3  }
0x24: {  	v3 =	vor.u32 v3, v4  }
0x25: {  	v4 =	vperm.xlane v3, v0;
	_ =	sdelay $0x1  }
0x26: {  	s19 =	sand.u32 $0x1, s15;
	v4 =	vadd.s32 v1, v4  }
0x27: {  	s30 =	smul.u32 $0x30000, s19  }
0x28: {  	v3 =	vperm.xlane v3, v2  }
0x29: {  	s21 =	sshrl.u32 s30, $0x2  }
0x2a: {  	s20 =	sor.u32 $0x100, s21;
	v3 =	vadd.s32 v1, v3  }
0x2b: {  	[tilespmem:s20], [sflag:$0x5] =	stream.indirect_vreg.gather [hbm4b:s2+s1], $0x80, v4, vm0, $0x2000b8;
	[tilespmem:$0x18100] =	vst v63  }
0x2c: {  	s23 =	sor.u32 $0x900, s21  }
0x2d: {  	[tilespmem:s23], [sflag:$0x5] =	stream.indirect_vreg.gather [hbm4b:s7+s1], $0x80, v4, vm1, $0x2000b8;
	[tilespmem:$0x18100] =	vst v63  }
0x2e: {  	s31 =	sor.u32 $0xD00, s21  }
0x2f: {  	[tilespmem:s31], [sflag:$0x5] =	stream.indirect_vreg.gather [hbm4b:s2+s1], $0x80, v3, vm0, $0x2000b8;
	[tilespmem:$0x18100] =	vst v63  }
0x30: {  	s24 =	sor.u32 $0x1500, s21  }
0x31: {  	[tilespmem:s24], [sflag:$0x5] =	stream.indirect_vreg.gather [hbm4b:s7+s1], $0x80, v3, vm1, $0x2000b8;
	[tilespmem:$0x18100] =	vst v63  }
0x32: {  	v3 =	vld [tilespmem:s22+$0x10];
	_ =	sdelay $0x4  }
0x33: {  	v57 =	vshrl.u32 v3, $0x3  }
0x34: {  	v4 =	vmul.u32 $0x18, v57  }
0x35: {  	v3 =	vand.u32 $0x7, v3  }
0x36: {  	v3 =	vor.u32 v3, v4  }
0x37: {  	v4 =	vperm.xlane v3, v0;
	_ =	sdelay $0x1  }
0x38: {  	v4 =	vadd.s32 v1, v4;
	_ =	sdelay $0x1  }
0x39: {  	v3 =	vperm.xlane v3, v2;
	_ =	sdelay $0x1  }
0x3a: {  	s25 =	sor.u32 $0x1900, s21;
	v3 =	vadd.s32 v1, v3  }
0x3b: {  	[tilespmem:s25], [sflag:$0x5] =	stream.indirect_vreg.gather [hbm4b:s2+s1], $0x80, v4, vm0, $0x2000b8;
	[tilespmem:$0x18100] =	vst v63  }
0x3c: {  	s26 =	sor.u32 $0x2100, s21  }
0x3d: {  	[tilespmem:s26], [sflag:$0x5] =	stream.indirect_vreg.gather [hbm4b:s7+s1], $0x80, v4, vm1, $0x2000b8;
	[tilespmem:$0x18100] =	vst v63  }
0x3e: {  	s28 =	sor.u32 $0x2500, s21  }
0x3f: {  	[tilespmem:s28], [sflag:$0x5] =	stream.indirect_vreg.gather [hbm4b:s2+s1], $0x80, v3, vm0, $0x2000b8;
	[tilespmem:$0x18100] =	vst v63  }
0x40: {  	s29 =	sor.u32 $0x2D00, s21  }
0x41: {  	[tilespmem:s29], [sflag:$0x5] =	stream.indirect_vreg.gather [hbm4b:s7+s1], $0x80, v3, vm1, $0x2000b8;
	[tilespmem:$0x18100] =	vst v63  }
0x42: {  	v3 =	vld [tilespmem:s22+$0x20];
	_ =	sdelay $0x4  }
0x43: {  	v58 =	vshrl.u32 v3, $0x3  }
0x44: {  	v4 =	vmul.u32 $0x18, v58  }
0x45: {  	v3 =	vand.u32 $0x7, v3  }
0x46: {  	v3 =	vor.u32 v3, v4  }
0x47: {  	v4 =	vperm.xlane v3, v0;
	_ =	sdelay $0x1  }
0x48: {  	v4 =	vadd.s32 v1, v4;
	_ =	sdelay $0x1  }
0x49: {  	v3 =	vperm.xlane v3, v2;
	_ =	sdelay $0x1  }
0x4a: {  	s30 =	sor.u32 $0x3100, s21;
	v3 =	vadd.s32 v1, v3  }
0x4b: {  	[tilespmem:s30], [sflag:$0x5] =	stream.indirect_vreg.gather [hbm4b:s2+s1], $0x80, v4, vm0, $0x2000b8;
	[tilespmem:$0x18100] =	vst v63  }
0x4c: {  	s31 =	sor.u32 $0x3900, s21  }
0x4d: {  	[tilespmem:s31], [sflag:$0x5] =	stream.indirect_vreg.gather [hbm4b:s7+s1], $0x80, v4, vm1, $0x2000b8;
	[tilespmem:$0x18100] =	vst v63  }
0x4e: {  	s24 =	sor.u32 $0x3D00, s21  }
0x4f: {  	[tilespmem:s24], [sflag:$0x5] =	stream.indirect_vreg.gather [hbm4b:s2+s1], $0x80, v3, vm0, $0x2000b8;
	[tilespmem:$0x18100] =	vst v63  }
0x50: {  	s25 =	sadd.s32 $0x4500, s21  }
0x51: {  	[tilespmem:s25], [sflag:$0x5] =	stream.indirect_vreg.gather [hbm4b:s7+s1], $0x80, v3, vm1, $0x2000b8;
	[tilespmem:$0x18100] =	vst v63  }
0x52: {  	v3 =	vld [tilespmem:s22+$0x30];
	_ =	sdelay $0x4  }
0x53: {  	v59 =	vshrl.u32 v3, $0x3  }
0x54: {  	v4 =	vmul.u32 $0x18, v59  }
0x55: {  	v3 =	vand.u32 $0x7, v3  }
0x56: {  	v3 =	vor.u32 v3, v4  }
0x57: {  	v4 =	vperm.xlane v3, v0;
	_ =	sdelay $0x1  }
0x58: {  	v4 =	vadd.s32 v1, v4;
	_ =	sdelay $0x1  }
0x59: {  	v3 =	vperm.xlane v3, v2;
	_ =	sdelay $0x1  }
0x5a: {  	s26 =	sadd.s32 $0x4900, s21;
	v3 =	vadd.s32 v1, v3  }
0x5b: {  	[tilespmem:s26], [sflag:$0x5] =	stream.indirect_vreg.gather [hbm4b:s2+s1], $0x80, v4, vm0, $0x2000b8;
	[tilespmem:$0x18100] =	vst v63  }
0x5c: {  	s28 =	sadd.s32 $0x5100, s21  }
0x5d: {  	[tilespmem:s28], [sflag:$0x5] =	stream.indirect_vreg.gather [hbm4b:s7+s1], $0x80, v4, vm1, $0x2000b8;
	[tilespmem:$0x18100] =	vst v63  }
0x5e: {  	s29 =	sadd.s32 $0x5500, s21  }
0x5f: {  	[tilespmem:s29], [sflag:$0x5] =	stream.indirect_vreg.gather [hbm4b:s2+s1], $0x80, v3, vm0, $0x2000b8;
	[tilespmem:$0x18100] =	vst v63  }
0x60: {  	s30 =	sadd.s32 $0x5D00, s21  }
0x61: {  	[tilespmem:s30], [sflag:$0x5] =	stream.indirect_vreg.gather [hbm4b:s7+s1], $0x80, v3, vm1, $0x2000b8;
	[tilespmem:$0x18100] =	vst v63  }
0x62: {  	v3 =	vld [tilespmem:s22+$0x40];
	_ =	sdelay $0x4  }
0x63: {  	v60 =	vshrl.u32 v3, $0x3  }
0x64: {  	v4 =	vmul.u32 $0x18, v60  }
0x65: {  	v3 =	vand.u32 $0x7, v3  }
0x66: {  	v3 =	vor.u32 v3, v4  }
0x67: {  	v4 =	vperm.xlane v3, v0;
	_ =	sdelay $0x1  }
0x68: {  	v4 =	vadd.s32 v1, v4;
	_ =	sdelay $0x1  }
0x69: {  	v3 =	vperm.xlane v3, v2;
	_ =	sdelay $0x1  }
0x6a: {  	s31 =	sadd.s32 $0x6100, s21;
	v3 =	vadd.s32 v1, v3  }
0x6b: {  	[tilespmem:s31], [sflag:$0x5] =	stream.indirect_vreg.gather [hbm4b:s2+s1], $0x80, v4, vm0, $0x2000b8;
	[tilespmem:$0x18100] =	vst v63  }
0x6c: {  	s24 =	sadd.s32 $0x6900, s21  }
0x6d: {  	[tilespmem:s24], [sflag:$0x5] =	stream.indirect_vreg.gather [hbm4b:s7+s1], $0x80, v4, vm1, $0x2000b8;
	[tilespmem:$0x18100] =	vst v63  }
0x6e: {  	s25 =	sadd.s32 $0x6D00, s21  }
0x6f: {  	[tilespmem:s25], [sflag:$0x5] =	stream.indirect_vreg.gather [hbm4b:s2+s1], $0x80, v3, vm0, $0x2000b8;
	[tilespmem:$0x18100] =	vst v63  }
0x70: {  	s26 =	sadd.s32 $0x7500, s21  }
0x71: {  	[tilespmem:s26], [sflag:$0x5] =	stream.indirect_vreg.gather [hbm4b:s7+s1], $0x80, v3, vm1, $0x2000b8;
	[tilespmem:$0x18100] =	vst v63  }
0x72: {  	v3 =	vld [tilespmem:s22+$0x50];
	_ =	sdelay $0x4  }
0x73: {  	v61 =	vshrl.u32 v3, $0x3  }
0x74: {  	v4 =	vmul.u32 $0x18, v61  }
0x75: {  	v3 =	vand.u32 $0x7, v3  }
0x76: {  	v3 =	vor.u32 v3, v4  }
0x77: {  	v4 =	vperm.xlane v3, v0;
	_ =	sdelay $0x1  }
0x78: {  	v4 =	vadd.s32 v1, v4;
	_ =	sdelay $0x1  }
0x79: {  	v3 =	vperm.xlane v3, v2;
	_ =	sdelay $0x1  }
0x7a: {  	s28 =	sadd.s32 $0x7900, s21;
	v3 =	vadd.s32 v1, v3  }
0x7b: {  	[tilespmem:s28], [sflag:$0x5] =	stream.indirect_vreg.gather [hbm4b:s2+s1], $0x80, v4, vm0, $0x2000b8;
	[tilespmem:$0x18100] =	vst v63  }
0x7c: {  	s29 =	sadd.s32 $0x8100, s21  }
0x7d: {  	[tilespmem:s29], [sflag:$0x5] =	stream.indirect_vreg.gather [hbm4b:s7+s1], $0x80, v4, vm1, $0x2000b8;
	[tilespmem:$0x18100] =	vst v63  }
0x7e: {  	s30 =	sadd.s32 $0x8500, s21  }
0x7f: {  	[tilespmem:s30], [sflag:$0x5] =	stream.indirect_vreg.gather [hbm4b:s2+s1], $0x80, v3, vm0, $0x2000b8;
	[tilespmem:$0x18100] =	vst v63  }
0x80: {  	s31 =	sadd.s32 $0x8D00, s21  }
0x81: {  	[tilespmem:s31], [sflag:$0x5] =	stream.indirect_vreg.gather [hbm4b:s7+s1], $0x80, v3, vm1, $0x2000b8;
	[tilespmem:$0x18100] =	vst v63  }
0x82: {  	v3 =	vld [tilespmem:s22+$0x60];
	_ =	sdelay $0x4  }
0x83: {  	v62 =	vshrl.u32 v3, $0x3  }
0x84: {  	v4 =	vmul.u32 $0x18, v62  }
0x85: {  	v3 =	vand.u32 $0x7, v3  }
0x86: {  	v3 =	vor.u32 v3, v4  }
0x87: {  	v4 =	vperm.xlane v3, v0;
	_ =	sdelay $0x1  }
0x88: {  	v4 =	vadd.s32 v1, v4;
	_ =	sdelay $0x1  }
0x89: {  	v3 =	vperm.xlane v3, v2;
	_ =	sdelay $0x1  }
0x8a: {  	s24 =	sadd.s32 $0x9100, s21;
	v3 =	vadd.s32 v1, v3  }
0x8b: {  	[tilespmem:s24], [sflag:$0x5] =	stream.indirect_vreg.gather [hbm4b:s2+s1], $0x80, v4, vm0, $0x2000b8;
	[tilespmem:$0x18100] =	vst v63  }
0x8c: {  	s25 =	sadd.s32 $0x9900, s21  }
0x8d: {  	[tilespmem:s25], [sflag:$0x5] =	stream.indirect_vreg.gather [hbm4b:s7+s1], $0x80, v4, vm1, $0x2000b8;
	[tilespmem:$0x18100] =	vst v63  }
0x8e: {  	s26 =	sadd.s32 $0x9D00, s21  }
0x8f: {  	[tilespmem:s26], [sflag:$0x5] =	stream.indirect_vreg.gather [hbm4b:s2+s1], $0x80, v3, vm0, $0x2000b8;
	[tilespmem:$0x18100] =	vst v63  }
0x90: {  	s28 =	sadd.s32 $0xA500, s21  }
0x91: {  	[tilespmem:s28], [sflag:$0x5] =	stream.indirect_vreg.gather [hbm4b:s7+s1], $0x80, v3, vm1, $0x2000b8;
	[tilespmem:$0x18100] =	vst v63  }
0x92: {  	v3 =	vld [tilespmem:s22+$0x70];
	_ =	sdelay $0x4  }
0x93: {  	v63 =	vshrl.u32 v3, $0x3  }
0x94: {  	v4 =	vmul.u32 $0x18, v63  }
0x95: {  	v3 =	vand.u32 $0x7, v3  }
0x96: {  	v3 =	vor.u32 v3, v4  }
0x97: {  	v4 =	vperm.xlane v3, v0;
	_ =	sdelay $0x1  }
0x98: {  	v4 =	vadd.s32 v1, v4;
	_ =	sdelay $0x1  }
0x99: {  	v3 =	vperm.xlane v3, v2;
	_ =	sdelay $0x1  }
0x9a: {  	s29 =	sadd.s32 $0xA900, s21;
	v3 =	vadd.s32 v1, v3  }
0x9b: {  	[tilespmem:s29], [sflag:$0x5] =	stream.indirect_vreg.gather [hbm4b:s2+s1], $0x80, v4, vm0, $0x2000b8;
	[tilespmem:$0x18100] =	vst v63  }
0x9c: {  	s30 =	sadd.s32 $0xB100, s21  }
0x9d: {  	[tilespmem:s30], [sflag:$0x5] =	stream.indirect_vreg.gather [hbm4b:s7+s1], $0x80, v4, vm1, $0x2000b8;
	[tilespmem:$0x18100] =	vst v63  }
0x9e: {  	s31 =	sadd.s32 $0xB500, s21  }
0x9f: {  	[tilespmem:s31], [sflag:$0x5] =	stream.indirect_vreg.gather [hbm4b:s2+s1], $0x80, v3, vm0, $0x2000b8;
	[tilespmem:$0x18100] =	vst v63  }
0xa0: {  	s21 =	sadd.s32 $0xBD00, s21  }
0xa1: {  	[tilespmem:s21], [sflag:$0x5] =	stream.indirect_vreg.gather [hbm4b:s7+s1], $0x80, v3, vm1, $0x2000b8;
	[tilespmem:$0x18100] =	vst v63  }
0xa2: {  	_ =	swait.ge [sflag:s9], $0xC000  }
0xa3: {  	[sflag:s9] =	ssyncset.done $0x0  }
0xa4: {  	p2 =	seq.s32 s12, $0x1;
	[sflag:s9] =	ssyncadd.s32 $0xFFFF4000  }
0xa5: {  	s18 =	sadd.s32 s5, s18;
	p1 =	por p2, p1;
	_ =	strace $0x9000004B  }
0xa6: {  	s18 =	smul.u32 @p1 $0x1800, s18;
	s22 =	simm.s32 $0x1;
	_ =	strace @p1 $0x8000004C  }
0xa7: {  	s19 =	sadd.s32 @p1 $0x3, s19;
	s22 =	simm.s32 @!p0 $0x0;
	s21 =	rddreg [dreg:$0x2]  }
0xa8: {  	p0 =	seq.s32 s12, $0x8;
	s18 =	sadd.s32 @p1 s21, s18;
	s21 =	simm.s32 @p1 $0x0  }
0xa9: {  	[hbm4b:s18+s21] =	stream.linear.scatter @p1 [tilespmem:s20], [sflag:s19], $0xC000, $0x200038;
	[tilespmem:$0x18100] =	vst v63  }
0xaa: {  	s18 =	simm.s32 $0x1;
	s20 =	simm.s32 $0x1;
	_ =	strace @p1 $0x9000004C  }
0xab: {  	s18 =	simm.s32 @!p1 $0x0;
	p1 =	sne.s32 s12, $0x8;
	s12 =	sadd.s32 $0xFFFFFFFF, s12  }
0xac: {  	s19 =	sand.u32 @!p0 $0x1, s14;
	s20 =	simm.s32 @!p1 $0x0;
	p1 =	sne.s32 s12, $0x0  }
.Ltmp0:
0xad: {  	s19 =	sadd.s32 @!p0 $0x3, s19;
	_ =	strace @!p0 $0x8000004D;
	(pc) =	sbr.rel @p1 .LBB2_2-.Ltmp0, $4  }
0xae: {  	_ =	swait.ge @!p0 [sflag:s19], $0xC000  }
0xaf: {  	[sflag:s19] =	ssyncset.done @!p0 $0x0  }
0xb0: {  	s17 =	sadd.s32 s22, s17;
	s15 =	sadd.s32 s18, s15;
	[sflag:s19] =	ssyncadd.s32 @!p0 $0xFFFF4000  }
0xb1: {  	s16 =	sadd.s32 s18, s16;
	s14 =	sadd.s32 s20, s14;
	_ =	strace @!p0 $0x9000004D  }
0xb2: {  	s11 =	sadd.s32 $0x1, s11  }
0xb3: {  	p0 =	sne.s32 s11, s8  }
.Ltmp1:
0xb4: {  	_ =	strace $0x8000004E;
	(pc) =	sbr.rel @p0 .LBB2_1-.Ltmp1, $4  }
0xb5: {  	_ =	swait.ge [sflag:s10], $0xC000  }
0xb6: {  	[sflag:s10] =	ssyncset.done $0x0  }
0xb7: {  	[sflag:s10] =	ssyncadd.s32 $0xFFFF4000  }
0xb8: {  	_ =	strace $0x9000004E  }
0xb9: {  	_ =	sfence.sel $0x180000  }
0xba: {  	[bflag:$0x0] =	sbarrier.arrive $0xFFFF  }
0xbb: {  	p0 =	sne.s32 s3, $0x0;
	_ =	strace $0x90000047  }
0xbc: {  	s0 =	sadd.s32 @!p0 $0x100000, s0;
	[bflag:$0x2] =	sbarrier.arrive $0xFFFF  }
0xbd: {  	[sflag:s0] =	ssyncadd.tile.s32 @!p0 $0x1;
	_ =	shalt  }
.Lfunc_end2:
_tile_overlayer_lowered:
.L_overlay_start_2:
0xbe: {  	(tag) =	ssettag $0x2  }
0xbf: {  	s0 =	rddreg [dreg:$0x0];
	s2 =	stileid.u32  }
0xc0: {  	s1 =	rddreg [dreg:$0x1];
	p0 =	sne.s32 s2, $0x0  }
0xc1: {  	s3 =	rddreg [dreg:$0x2];
	[bflag:$0x3] =	sbarrier.arrive $0xFFFF;
	s2 =	simm.s32 @!p0 $0x1C01  }
0xc2: {  	[timem:s3], [sflag:s2] =	dma.local @!p0 [hbm:s0], s1  }
0xc3: {  	s0 =	simm.s32 @!p0 $0x1  }
0xc4: {  	_ =	swait.ge @!p0 [sflag:s0], s1  }
0xc5: {  	s1 =	ssub.s32 @!p0 $0x0, s1;
	[sflag:s0] =	ssyncset.done @!p0 $0x0  }
0xc6: {  	[sflag:s0] =	ssyncadd.s32 @!p0 s1  }
0xc7: {  	[bflag:$0x3] =	sbarrier.arrive $0xFFFF  }
0xc8: {  	_ =	shalt  }

// kernel: kernel.21.cloned.1.call-start
scs
__scs_entry_jumppad:
0x0: {  	(pc) =	sbr.rel $0x88, $3  }
0x1: {  	(tag) =	ssettag $0x0;
	lr =	simm.s32 $0x1  }
0x2: {  	[smem:$0x3F97] =	sst lr;
	_ =	strace $0xD0000000  }
0x3: {  	_ = 	snop  }
0x4: {  	_ = 	snop  }
0x5: {  	_ = 	snop  }
0x6: {  	_ = 	snop  }
0x7: {  	_ = 	snop  }
__scs_overlays_trampoline_lowered:
0x8: {  	[smem:$0x3FA6] =	sst s0  }
0x9: {  	[smem:$0x3FA7] =	sst s1  }
0xa: {  	[smem:$0x3FA8] =	sst s2  }
0xb: {  	[smem:$0x3FA9] =	sst s3  }
0xc: {  	[smem:$0x3FAA] =	sst s4  }
0xd: {  	[smem:$0x3FAB] =	sst s5  }
0xe: {  	[smem:$0x3FAC] =	sst s6  }
0xf: {  	[smem:$0x3FAD] =	sst s7  }
0x10: {  	[smem:$0x3FAE] =	sst s8  }
0x11: {  	[smem:$0x3FAF] =	sst s9;
	s0 =	simm.s32 @!p0 $0x0  }
0x12: {  	s1 =	sld [smem:$0x3F95];
	s0 =	simm.s32 @p0 $0x1  }
0x13: {  	[smem:$0x3FB0] =	sst s0;
	s0 =	simm.s32 @!p1 $0x0  }
0x14: {  	s2 =	sld [smem:$0x3F94];
	s0 =	simm.s32 @p1 $0x1  }
0x15: {  	[smem:$0x3FB1] =	sst s0;
	s0 =	simm.s32 @!p2 $0x0  }
0x16: {  	s3 =	sld [smem:$0x3FDB];
	s0 =	simm.s32 @p2 $0x1  }
0x17: {  	s4 =	simm.s32 $0x1BF5;
	[smem:$0x3FB3] =	sst s0  }
0x18: {  	s0 =	sld [smem:$0x3F96];
	_ =	swait.ge [sflag:s4], $0x0  }
0x19: {  	s7 =	sld [smem:$0x3F97]  }
0x1a: {  	s8 =	sadd.s32 $0xFFFFE003, lr  }
0x1b: {  	s9 =	sadd.s32 $0xFFFFFEF7, lr;
	s5 =	simm.s32 $0xFFFFFFFF;
	p2 =	slt.u32 s8, $0xFFFFF086  }
0x1c: {  	p1 =	slt.u32 s9, $0xF7A;
	s5 =	simm.s32 @!p2 $0x0  }
0x1d: {  	s5 =	simm.s32 @p1 $0x1;
	p0 =	seq.s32 s7, s2  }
0x1e: {  	s7 =	smul.u32 @!p0 $0xF7A, s2;
	p2 =	seq.s32 @!p0 s5, $0x0  }
0x1f: {  	s9 =	smul.u32 $0xF7A, s1;
	s8 =	simm.s32 @!p0 $0x1BF5;
	p2 =	por !p2, p0  }
0x20: {  	[sflag:s8] =	ssyncset.s32 @!p0 $0xFFFFF086;
	s6 =	sadd.s32 @!p0 s3, s7;
	s7 =	simm.s32 @!p0 $0x108  }
0x21: {  	s3 =	sadd.s32 s3, s9;
	s6 =	sadd.s32 @!p0 $0x88, s6;
	s7 =	simm.s32 @p2 $0x1082  }
0x22: {  	[simem:s7], [sflag:s8] =	dma.local @!p0 [hbm:s6], $0xF7A  }
0x23: {  	s9 =	sor.u32 $0xD0000000, s2;
	s6 =	simm.s32 $0x108;
	_ =	swait.ge @!p0 [sflag:s8], $0x0  }
0x24: {  	s3 =	sadd.s32 $0x88, s3;
	s6 =	simm.s32 @!p1 $0x1082;
	[sflag:s4] =	ssyncset.s32 $0xFFFFF086  }
0x25: {  	[simem:s6], [sflag:s4] =	dma.local [hbm:s3], $0xF7A  }
0x26: {  	[smem:$0x3F97] =	sst s1;
	(tag) =	ssettag s2;
	_ =	strace s9  }
0x27: {  	s1 =	sld [smem:$0x3FA7]  }
0x28: {  	s2 =	sld [smem:$0x3FA8]  }
0x29: {  	s4 =	sld [smem:$0x3FAA]  }
0x2a: {  	p0 =	seq.s32 s5, $0x0;
	s5 =	sld [smem:$0x3FAB]  }
0x2b: {  	s6 =	sld [smem:$0x3FAC]  }
0x2c: {  	s7 =	sld [smem:$0x3FAD]  }
0x2d: {  	s3 =	simm.s32 $0x108;
	s8 =	sld [smem:$0x3FAE]  }
0x2e: {  	s3 =	simm.s32 @!p0 $0x1082;
	s9 =	sld [smem:$0x3FAF]  }
0x2f: {  	lr =	sadd.s32 s0, s3;
	s0 =	sld [smem:$0x3FA6]  }
0x30: {  	s3 =	sld [smem:$0x3FA9]  }
0x31: {  	[smem:$0x3FB2] =	sst s10  }
0x32: {  	s10 =	sld [smem:$0x3FB0];
	_ =	sdelay $0x3  }
0x33: {  	p0 =	seq.s32 s10, $0x1;
	s10 =	sld [smem:$0x3FB2];
	_ =	sdelay $0x3  }
0x34: {  	[smem:$0x3FB2] =	sst s10  }
0x35: {  	s10 =	sld [smem:$0x3FB1];
	_ =	sdelay $0x3  }
0x36: {  	p1 =	seq.s32 s10, $0x1;
	s10 =	sld [smem:$0x3FB2];
	_ =	sdelay $0x3  }
0x37: {  	[smem:$0x3FB2] =	sst s10  }
0x38: {  	s10 =	sld [smem:$0x3FB3]  }
0x39: {  	_ = 	snop;
	(pc) =	sbr.ind lr, $3  }
0x3a: {  	_ = 	snop  }
0x3b: {  	_ = 	snop  }
0x3c: {  	p2 =	seq.s32 s10, $0x1;
	s10 =	sld [smem:$0x3FB2]  }
0x3d: {  	_ =	shalt  }
0x3e: {  	_ =	shalt  }
0x3f: {  	_ =	shalt  }
0x40: {  	_ =	shalt  }
0x41: {  	_ =	shalt  }
0x42: {  	_ =	shalt  }
0x43: {  	_ =	shalt  }
0x44: {  	_ =	shalt  }
0x45: {  	_ =	shalt  }
0x46: {  	_ =	shalt  }
0x47: {  	_ =	shalt  }
0x48: {  	_ =	shalt  }
0x49: {  	_ =	shalt  }
0x4a: {  	_ =	shalt  }
0x4b: {  	_ =	shalt  }
0x4c: {  	_ =	shalt  }
0x4d: {  	_ =	shalt  }
0x4e: {  	_ =	shalt  }
0x4f: {  	_ =	shalt  }
0x50: {  	_ =	shalt  }
0x51: {  	_ =	shalt  }
0x52: {  	_ =	shalt  }
0x53: {  	_ =	shalt  }
0x54: {  	_ =	shalt  }
0x55: {  	_ =	shalt  }
0x56: {  	_ =	shalt  }
0x57: {  	_ =	shalt  }
0x58: {  	_ =	shalt  }
0x59: {  	_ =	shalt  }
0x5a: {  	_ =	shalt  }
0x5b: {  	_ =	shalt  }
0x5c: {  	_ =	shalt  }
0x5d: {  	_ =	shalt  }
0x5e: {  	_ =	shalt  }
0x5f: {  	_ =	shalt  }
0x60: {  	_ =	shalt  }
0x61: {  	_ =	shalt  }
0x62: {  	_ =	shalt  }
0x63: {  	_ =	shalt  }
0x64: {  	_ =	shalt  }
0x65: {  	_ =	shalt  }
0x66: {  	_ =	shalt  }
0x67: {  	_ =	shalt  }
0x68: {  	_ =	shalt  }
0x69: {  	_ =	shalt  }
0x6a: {  	_ =	shalt  }
0x6b: {  	_ =	shalt  }
0x6c: {  	_ =	shalt  }
0x6d: {  	_ =	shalt  }
0x6e: {  	_ =	shalt  }
0x6f: {  	_ =	shalt  }
0x70: {  	_ =	shalt  }
0x71: {  	_ =	shalt  }
0x72: {  	_ =	shalt  }
0x73: {  	_ =	shalt  }
0x74: {  	_ =	shalt  }
0x75: {  	_ =	shalt  }
0x76: {  	_ =	shalt  }
0x77: {  	_ =	shalt  }
0x78: {  	_ =	shalt  }
0x79: {  	_ =	shalt  }
0x7a: {  	_ =	shalt  }
0x7b: {  	_ =	shalt  }
0x7c: {  	_ =	shalt  }
0x7d: {  	_ =	shalt  }
0x7e: {  	_ =	shalt  }
0x7f: {  	_ =	shalt  }
0x80: {  	_ =	shalt  }
0x81: {  	_ =	shalt  }
0x82: {  	_ =	shalt  }
0x83: {  	_ =	shalt  }
0x84: {  	_ =	shalt  }
0x85: {  	_ =	shalt  }
0x86: {  	_ =	shalt  }
0x87: {  	_ =	shalt  }
.Lfunc_end0:
.L_simem_size_0:
called_computation.1_lowered:
.L_overlay_start_0:
0x88: {  	s2 =	sld [smem:$0x3FD9]  }
0x89: {  	s3 =	sld [smem:$0x3FFE];
	_ =	sdelay $0x1  }
0x8a: {  	s1 =	srdreg.scid  }
0x8b: {  	s0 =	sand.u32 $0x1, s1  }
0x8c: {  	s17 =	sshll.u32 s0, $0xA;
	s2 =	sadd.s32 s3, s2  }
0x8d: {  	s2 =	sadd.s32 s2, s17  }
0x8e: {  	[smem:$0x3FBE] =	sst s2  }
0x8f: {  	_ = 	snop  }
0x90: {  	(tm) =	ssettm $0x1  }
0x91: {  	s18 =	sld [smem:$0x3FFB];
	_ =	sdelay $0x3  }
0x92: {  	_ =	strace s18  }
0x93: {  	s2 =	sld [smem:$0x3FFC];
	_ =	sdelay $0x3  }
0x94: {  	_ =	strace s2  }
0x95: {  	s2 =	sld [smem:$0x3FFD];
	_ =	sdelay $0x3  }
0x96: {  	_ =	strace s2  }
0x97: {  	_ =	strace $0x8FFFFFFF  }
0x98: {  	s19 =	sld [smem:$0x3FDB];
	_ =	sdelay $0x1  }
0x99: {  	s20 =	simm.s32 $_scs_section_size  }
0x9a: {  	s4 =	simm.s32 $_size__tile_overlayer_lowered;
	s5 =	simm.s32 $_tile_overlayer_lowered  }
0x9b: {  	s6 =	simm.s32 $0x1BFF;
	s21 =	sshll.u32 s5, $0x1;
	s3 =	sadd.s32 s20, s19  }
0x9c: {  	s22 =	simm.s32 $0x0;
	s4 =	sshll.u32 s4, $0x1;
	s5 =	sadd.s32 s21, s3  }
0x9d: {  	[timem:s22], [sflag:s6] =	dma.local [hbm:s5], s4  }
0x9e: {  	_ =	swait.ge [sflag:s6], s4  }
0x9f: {  	s4 =	ssub.s32 $0x0, s4;
	[sflag:s6] =	ssyncset.done $0x0  }
0xa0: {  	[sflag:s6] =	ssyncadd.s32 s4;
	_ =	sdelay $0x1  }
0xa1: {  	s23 =	simm.s32 $0x1B8B  }
0xa2: {  	_ =	swait.ge [sflag:s23], $0x1  }
0xa3: {  	[sflag:s23] =	ssyncset.done $0x0  }
0xa4: {  	[sflag:s23] =	ssyncadd.s32 $0xFFFFFFFF  }
0xa5: {  	s4 =	sld [smem:$0x0]  }
0xa6: {  	s5 =	sand.u32 $0xFFFFFFFE, s1  }
0xa7: {  	p0 =	sne.s32 s1, s5  }
0xa8: {  	s5 =	sshll.u32 @p0 s5, $0xE  }
0xa9: {  	s5 =	sadd.s32 @p0 $0x11B8D, s5;
	s6 =	sshll.u32 @p0 s4, $0x11  }
0xaa: {  	s5 =	sor.u32 @p0 s6, s5  }
0xab: {  	[sflag:s5] =	ssyncadd.remote.s32 @p0 $0x1;
	_ =	sdelay $0x1  }
0xac: {  	s5 =	simm.s32 @p0 $0x1B8D  }
0xad: {  	_ =	swait.eq @p0 [sflag:s5], $0x1  }
0xae: {  	[sflag:s5] =	ssyncadd.s32 @p0 $0xFFFFFFFF  }
0xaf: {  	s6 =	sshll.u32 @!p0 s1, $0xE  }
0xb0: {  	s6 =	sor.u32 @!p0 $0x4000, s6;
	s5 =	simm.s32 @!p0 $0x1B8D  }
0xb1: {  	s4 =	sshll.u32 @!p0 s4, $0x11;
	s6 =	sadd.s32 @!p0 $0x11B8D, s6;
	_ =	swait.eq @!p0 [sflag:s5], $0x1  }
0xb2: {  	s4 =	sor.u32 @!p0 s4, s6;
	[sflag:s5] =	ssyncadd.s32 @!p0 $0xFFFFFFFF  }
0xb3: {  	s25 =	simm.s32 $0x1B8E;
	s24 =	sld [smem:$0x3FFE];
	[sflag:s4] =	ssyncadd.remote.s32 @!p0 $0x1  }
0xb4: {  	s26 =	simm.s32 $execute0_lowered;
	[smem:$0x3FD2] =	sst s25  }
0xb5: {  	s5 =	sshll.u32 s26, $0x1;
	_ =	strace $0x80000050;
	[dreg:$0x1] =	wrdreg $0xFFFFFFFF  }
0xb6: {  	s28 =	simm.s32 $_size_execute0_lowered;
	s3 =	sadd.s32 s3, s5;
	[dreg:$0x0] =	wrdreg $0x0  }
0xb7: {  	s5 =	sshll.u32 s28, $0x1;
	[dreg:$0x2] =	wrdreg s3  }
0xb8: {  	[dreg:$0x3] =	wrdreg s5  }
0xb9: {  	[dreg:$0x4] =	wrdreg $0xC0  }
0xba: {  	_ =	task [dreg:s22], $0x5FFFF  }
0xbb: {  	[dreg:$0x1] =	wrdreg $0xFFFFFFFF  }
0xbc: {  	[dreg:$0x0] =	wrdreg $0x60  }
0xbd: {  	[dreg:$0x2] =	wrdreg s24  }
0xbe: {  	[dreg:$0x3] =	wrdreg $0xA  }
0xbf: {  	_ =	task.clear_ibuf [dreg:s22], $0x4FFFF;
	_ =	strace $0x90000050  }
0xc0: {  	s29 =	simm.s32 $0xA;
	_ =	strace $0x80000059  }
0xc1: {  	_ =	swait.ge [sflag:s29], $0x1  }
0xc2: {  	[sflag:s29] =	ssyncadd.s32 $0xFFFFFFFF  }
0xc3: {  	_ =	strace $0x90000059  }
0xc4: {  	_ =	sfence  }
0xc5: {  	s30 =	sld [smem:$0x0];
	_ =	sdelay $0x2  }
0xc6: {  	s31 =	sshll.u32 s1, $0xD;
	s1 =	sshrl.u32 s1, $0x2  }
0xc7: {  	s4 =	sand.u32 $0x4000, s31;
	s1 =	sadd.s32 s1, s30  }
0xc8: {  	s0 =	sor.u32 s4, s0;
	s1 =	sshll.u32 s1, $0x11  }
0xc9: {  	s0 =	sor.u32 s1, s0  }
0xca: {  	s0 =	sadd.s32 $0x8F2B, s0  }
0xcb: {  	[sflag:s0] =	ssyncadd.remote.s32 $0x1  }
0xcc: {  	_ =	sfence.sel $0xFFFF  }
0xcd: {  	[dreg:$0x0] =	wrdreg $0xFFFFFFFF;
	(pc) =	sbr.abs _section_cstart, $3  }
0xce: {  	[dreg:$0x1] =	wrdreg $0xFFFFFFFF  }
0xcf: {  	_ =	task.clear_ibuf [dreg:s22], $0x2FFFF;
	_ =	strace $0x9FFFFFFF  }
0xd0: {  	(tm) =	ssettm $0x7FFFFFFF  }
0xd1: {  	_ =	shalt  }
tec
execute0_lowered:
.L_overlay_start_1:
0x0: {  	(tag) =	ssettag $0x1  }
0x1: {  	s7 =	rddreg [dreg:$0x0]  }
0x2: {  	s0 =	rddreg [dreg:$0x1];
	s1 =	simm.s32 $0x0;
	s3 =	srdreg.scid  }
0x3: {  	s9 =	simm.s32 $0x5;
	s10 =	simm.s32 $0x4;
	[smem:$0x7FF] =	sst s1  }
0x4: {  	s11 =	simm.s32 $0x0;
	s2 =	sadd.s32 $0x1BF600, s7;
	s4 =	sadd.s32 $0x1D7600, s7  }
0x5: {  	s5 =	sadd.s32 $0x1D8600, s7;
	s6 =	sand.u32 $0x1, s3;
	s3 =	stileid.u32  }
0x6: {  	_ =	strace $0x80000051;
	s8 =	ssub.s32 $0x2, s6;
	s6 =	sshll.u32 s6, $0x4  }
0x7: {  	v2 =	vlaneseq.u32;
	[dreg:$0x2] =	wrdreg s5;
	s31 =	sshrl.u32 s8, $0x1;
	s6 =	sor.u32 s3, s6  }
0x8: {  	vm0 =	vmmov $0xffff;
	vm1 =	vmmov $0xff;
	v1 =	vshrl.u32 v2, $0x3;
	s8 =	ssub.s32 s8, s31;
	s5 =	sshll.u32 s6, $0x3;
	s6 =	sshll.u32 s6, $0x7  }
0x9: {  	s7 =	sadd.s32 $0x1BF700, s7;
	v0 =	vand.u32 $0x7, v2;
	v2 =	vor.u32 $0x8, v2;
	v1 =	vmul.u32 $0x8, v1;
	s6 =	sadd.s32 s4, s6;
	s8 =	smax.u32 s8, $0x1  }
.LBB2_1:
0xa: {  	_ =	strace $0x80000052;
	s12 =	simm.s32 $0x8  }
0xb: {  	s13 =	simm.s32 $0x0;
	s14 =	simm.s32 $0x0;
	s15 =	simm.s32 $0x0  }
0xc: {  	[tilespmem:s1], [sflag:$0x1] =	stream.linear.gather [hbm4b:s6+s1], $0x80, $0x200038;
	[tilespmem:$0x18100] =	vst v63  }
0xd: {  	s16 =	simm.s32 $0x0;
	s17 =	simm.s32 $0x1;
	_ =	strace $0x90000052  }
.LBB2_2:
0xe: {  	s18 =	smov.u32 s13;
	s13 =	sadd.s32 $0x1, s13  }
0xf: {  	p0 =	seq.s32 s13, $0x8  }
0x10: {  	s13 =	simm.s32 @p0 $0x0  }
0x11: {  	p6 =	sne.s32 s12, $0x1;
	p1 =	sne.s32 s18, s13  }
0x12: {  	p0 =	por !p6, !p1  }
0x13: {  	p0 =	por !p0, !p0  }
0x14: {  	s19 =	sadd.s32 @p0 s5, s13  }
0x15: {  	s20 =	sand.u32 @p0 $0x1, s17;
	s19 =	sshll.u32 @p0 s19, $0x4  }
0x16: {  	_ =	strace @p0 $0x80000053;
	s22 =	simm.s32 @p0 $0x0;
	s19 =	sand.u32 @p0 $0x1FFFFFF0, s19  }
0x17: {  	s21 =	sshll.u32 @p0 s20, $0x7;
	s20 =	sadd.s32 @p0 $0x1, s20;
	s19 =	sadd.s32 @p0 s4, s19  }
0x18: {  	[tilespmem:s21], [sflag:s20] =	stream.linear.gather @p0 [hbm4b:s19+s22], $0x80, $0x200038;
	[tilespmem:$0x18100] =	vst v63  }
0x19: {  	s28 =	sand.u32 $0x1, s16;
	_ =	strace @p0 $0x90000053  }
0x1a: {  	s19 =	sadd.s32 $0x1, s28;
	_ =	strace $0x80000054  }
0x1b: {  	_ =	swait.ge [sflag:s19], $0x80  }
0x1c: {  	[sflag:s19] =	ssyncset.done $0x0  }
0x1d: {  	[sflag:s19] =	ssyncadd.s32 $0xFFFFFF80  }
0x1e: {  	s29 =	sshll.u32 s16, $0x7;
	_ =	strace $0x90000054  }
0x1f: {  	s22 =	sand.u32 $0x80, s29;
	_ =	strace $0x80000055  }
0x20: {  	v3 =	vld [tilespmem:s22+$0x0];
	_ =	sdelay $0x4  }
0x21: {  	v4 =	vshrl.u32 v3, $0x3  }
0x22: {  	v4 =	vmul.u32 $0x18, v4  }
0x23: {  	v3 =	vand.u32 $0x7, v3  }
0x24: {  	v3 =	vor.u32 v3, v4  }
0x25: {  	v4 =	vperm.xlane v3, v0;
	_ =	sdelay $0x1  }
0x26: {  	s19 =	sand.u32 $0x1, s15;
	v4 =	vadd.s32 v1, v4  }
0x27: {  	s30 =	smul.u32 $0x30000, s19  }
0x28: {  	v3 =	vperm.xlane v3, v2  }
0x29: {  	s21 =	sshrl.u32 s30, $0x2  }
0x2a: {  	s20 =	sor.u32 $0x100, s21;
	v3 =	vadd.s32 v1, v3  }
0x2b: {  	[tilespmem:s20], [sflag:$0x5] =	stream.indirect_vreg.gather [hbm4b:s2+s1], $0x80, v4, vm0, $0x2000b8;
	[tilespmem:$0x18100] =	vst v63  }
0x2c: {  	s23 =	sor.u32 $0x900, s21  }
0x2d: {  	[tilespmem:s23], [sflag:$0x5] =	stream.indirect_vreg.gather [hbm4b:s7+s1], $0x80, v4, vm1, $0x2000b8;
	[tilespmem:$0x18100] =	vst v63  }
0x2e: {  	s31 =	sor.u32 $0xD00, s21  }
0x2f: {  	[tilespmem:s31], [sflag:$0x5] =	stream.indirect_vreg.gather [hbm4b:s2+s1], $0x80, v3, vm0, $0x2000b8;
	[tilespmem:$0x18100] =	vst v63  }
0x30: {  	s24 =	sor.u32 $0x1500, s21  }
0x31: {  	[tilespmem:s24], [sflag:$0x5] =	stream.indirect_vreg.gather [hbm4b:s7+s1], $0x80, v3, vm1, $0x2000b8;
	[tilespmem:$0x18100] =	vst v63  }
0x32: {  	v3 =	vld [tilespmem:s22+$0x10];
	_ =	sdelay $0x4  }
0x33: {  	v57 =	vshrl.u32 v3, $0x3  }
0x34: {  	v4 =	vmul.u32 $0x18, v57  }
0x35: {  	v3 =	vand.u32 $0x7, v3  }
0x36: {  	v3 =	vor.u32 v3, v4  }
0x37: {  	v4 =	vperm.xlane v3, v0;
	_ =	sdelay $0x1  }
0x38: {  	v4 =	vadd.s32 v1, v4;
	_ =	sdelay $0x1  }
0x39: {  	v3 =	vperm.xlane v3, v2;
	_ =	sdelay $0x1  }
0x3a: {  	s25 =	sor.u32 $0x1900, s21;
	v3 =	vadd.s32 v1, v3  }
0x3b: {  	[tilespmem:s25], [sflag:$0x5] =	stream.indirect_vreg.gather [hbm4b:s2+s1], $0x80, v4, vm0, $0x2000b8;
	[tilespmem:$0x18100] =	vst v63  }
0x3c: {  	s26 =	sor.u32 $0x2100, s21  }
0x3d: {  	[tilespmem:s26], [sflag:$0x5] =	stream.indirect_vreg.gather [hbm4b:s7+s1], $0x80, v4, vm1, $0x2000b8;
	[tilespmem:$0x18100] =	vst v63  }
0x3e: {  	s28 =	sor.u32 $0x2500, s21  }
0x3f: {  	[tilespmem:s28], [sflag:$0x5] =	stream.indirect_vreg.gather [hbm4b:s2+s1], $0x80, v3, vm0, $0x2000b8;
	[tilespmem:$0x18100] =	vst v63  }
0x40: {  	s29 =	sor.u32 $0x2D00, s21  }
0x41: {  	[tilespmem:s29], [sflag:$0x5] =	stream.indirect_vreg.gather [hbm4b:s7+s1], $0x80, v3, vm1, $0x2000b8;
	[tilespmem:$0x18100] =	vst v63  }
0x42: {  	v3 =	vld [tilespmem:s22+$0x20];
	_ =	sdelay $0x4  }
0x43: {  	v58 =	vshrl.u32 v3, $0x3  }
0x44: {  	v4 =	vmul.u32 $0x18, v58  }
0x45: {  	v3 =	vand.u32 $0x7, v3  }
0x46: {  	v3 =	vor.u32 v3, v4  }
0x47: {  	v4 =	vperm.xlane v3, v0;
	_ =	sdelay $0x1  }
0x48: {  	v4 =	vadd.s32 v1, v4;
	_ =	sdelay $0x1  }
0x49: {  	v3 =	vperm.xlane v3, v2;
	_ =	sdelay $0x1  }
0x4a: {  	s30 =	sor.u32 $0x3100, s21;
	v3 =	vadd.s32 v1, v3  }
0x4b: {  	[tilespmem:s30], [sflag:$0x5] =	stream.indirect_vreg.gather [hbm4b:s2+s1], $0x80, v4, vm0, $0x2000b8;
	[tilespmem:$0x18100] =	vst v63  }
0x4c: {  	s31 =	sor.u32 $0x3900, s21  }
0x4d: {  	[tilespmem:s31], [sflag:$0x5] =	stream.indirect_vreg.gather [hbm4b:s7+s1], $0x80, v4, vm1, $0x2000b8;
	[tilespmem:$0x18100] =	vst v63  }
0x4e: {  	s24 =	sor.u32 $0x3D00, s21  }
0x4f: {  	[tilespmem:s24], [sflag:$0x5] =	stream.indirect_vreg.gather [hbm4b:s2+s1], $0x80, v3, vm0, $0x2000b8;
	[tilespmem:$0x18100] =	vst v63  }
0x50: {  	s25 =	sadd.s32 $0x4500, s21  }
0x51: {  	[tilespmem:s25], [sflag:$0x5] =	stream.indirect_vreg.gather [hbm4b:s7+s1], $0x80, v3, vm1, $0x2000b8;
	[tilespmem:$0x18100] =	vst v63  }
0x52: {  	v3 =	vld [tilespmem:s22+$0x30];
	_ =	sdelay $0x4  }
0x53: {  	v59 =	vshrl.u32 v3, $0x3  }
0x54: {  	v4 =	vmul.u32 $0x18, v59  }
0x55: {  	v3 =	vand.u32 $0x7, v3  }
0x56: {  	v3 =	vor.u32 v3, v4  }
0x57: {  	v4 =	vperm.xlane v3, v0;
	_ =	sdelay $0x1  }
0x58: {  	v4 =	vadd.s32 v1, v4;
	_ =	sdelay $0x1  }
0x59: {  	v3 =	vperm.xlane v3, v2;
	_ =	sdelay $0x1  }
0x5a: {  	s26 =	sadd.s32 $0x4900, s21;
	v3 =	vadd.s32 v1, v3  }
0x5b: {  	[tilespmem:s26], [sflag:$0x5] =	stream.indirect_vreg.gather [hbm4b:s2+s1], $0x80, v4, vm0, $0x2000b8;
	[tilespmem:$0x18100] =	vst v63  }
0x5c: {  	s28 =	sadd.s32 $0x5100, s21  }
0x5d: {  	[tilespmem:s28], [sflag:$0x5] =	stream.indirect_vreg.gather [hbm4b:s7+s1], $0x80, v4, vm1, $0x2000b8;
	[tilespmem:$0x18100] =	vst v63  }
0x5e: {  	s29 =	sadd.s32 $0x5500, s21  }
0x5f: {  	[tilespmem:s29], [sflag:$0x5] =	stream.indirect_vreg.gather [hbm4b:s2+s1], $0x80, v3, vm0, $0x2000b8;
	[tilespmem:$0x18100] =	vst v63  }
0x60: {  	s30 =	sadd.s32 $0x5D00, s21  }
0x61: {  	[tilespmem:s30], [sflag:$0x5] =	stream.indirect_vreg.gather [hbm4b:s7+s1], $0x80, v3, vm1, $0x2000b8;
	[tilespmem:$0x18100] =	vst v63  }
0x62: {  	v3 =	vld [tilespmem:s22+$0x40];
	_ =	sdelay $0x4  }
0x63: {  	v60 =	vshrl.u32 v3, $0x3  }
0x64: {  	v4 =	vmul.u32 $0x18, v60  }
0x65: {  	v3 =	vand.u32 $0x7, v3  }
0x66: {  	v3 =	vor.u32 v3, v4  }
0x67: {  	v4 =	vperm.xlane v3, v0;
	_ =	sdelay $0x1  }
0x68: {  	v4 =	vadd.s32 v1, v4;
	_ =	sdelay $0x1  }
0x69: {  	v3 =	vperm.xlane v3, v2;
	_ =	sdelay $0x1  }
0x6a: {  	s31 =	sadd.s32 $0x6100, s21;
	v3 =	vadd.s32 v1, v3  }
0x6b: {  	[tilespmem:s31], [sflag:$0x5] =	stream.indirect_vreg.gather [hbm4b:s2+s1], $0x80, v4, vm0, $0x2000b8;
	[tilespmem:$0x18100] =	vst v63  }
0x6c: {  	s24 =	sadd.s32 $0x6900, s21  }
0x6d: {  	[tilespmem:s24], [sflag:$0x5] =	stream.indirect_vreg.gather [hbm4b:s7+s1], $0x80, v4, vm1, $0x2000b8;
	[tilespmem:$0x18100] =	vst v63  }
0x6e: {  	s25 =	sadd.s32 $0x6D00, s21  }
0x6f: {  	[tilespmem:s25], [sflag:$0x5] =	stream.indirect_vreg.gather [hbm4b:s2+s1], $0x80, v3, vm0, $0x2000b8;
	[tilespmem:$0x18100] =	vst v63  }
0x70: {  	s26 =	sadd.s32 $0x7500, s21  }
0x71: {  	[tilespmem:s26], [sflag:$0x5] =	stream.indirect_vreg.gather [hbm4b:s7+s1], $0x80, v3, vm1, $0x2000b8;
	[tilespmem:$0x18100] =	vst v63  }
0x72: {  	v3 =	vld [tilespmem:s22+$0x50];
	_ =	sdelay $0x4  }
0x73: {  	v61 =	vshrl.u32 v3, $0x3  }
0x74: {  	v4 =	vmul.u32 $0x18, v61  }
0x75: {  	v3 =	vand.u32 $0x7, v3  }
0x76: {  	v3 =	vor.u32 v3, v4  }
0x77: {  	v4 =	vperm.xlane v3, v0;
	_ =	sdelay $0x1  }
0x78: {  	v4 =	vadd.s32 v1, v4;
	_ =	sdelay $0x1  }
0x79: {  	v3 =	vperm.xlane v3, v2;
	_ =	sdelay $0x1  }
0x7a: {  	s28 =	sadd.s32 $0x7900, s21;
	v3 =	vadd.s32 v1, v3  }
0x7b: {  	[tilespmem:s28], [sflag:$0x5] =	stream.indirect_vreg.gather [hbm4b:s2+s1], $0x80, v4, vm0, $0x2000b8;
	[tilespmem:$0x18100] =	vst v63  }
0x7c: {  	s29 =	sadd.s32 $0x8100, s21  }
0x7d: {  	[tilespmem:s29], [sflag:$0x5] =	stream.indirect_vreg.gather [hbm4b:s7+s1], $0x80, v4, vm1, $0x2000b8;
	[tilespmem:$0x18100] =	vst v63  }
0x7e: {  	s30 =	sadd.s32 $0x8500, s21  }
0x7f: {  	[tilespmem:s30], [sflag:$0x5] =	stream.indirect_vreg.gather [hbm4b:s2+s1], $0x80, v3, vm0, $0x2000b8;
	[tilespmem:$0x18100] =	vst v63  }
0x80: {  	s31 =	sadd.s32 $0x8D00, s21  }
0x81: {  	[tilespmem:s31], [sflag:$0x5] =	stream.indirect_vreg.gather [hbm4b:s7+s1], $0x80, v3, vm1, $0x2000b8;
	[tilespmem:$0x18100] =	vst v63  }
0x82: {  	v3 =	vld [tilespmem:s22+$0x60];
	_ =	sdelay $0x4  }
0x83: {  	v62 =	vshrl.u32 v3, $0x3  }
0x84: {  	v4 =	vmul.u32 $0x18, v62  }
0x85: {  	v3 =	vand.u32 $0x7, v3  }
0x86: {  	v3 =	vor.u32 v3, v4  }
0x87: {  	v4 =	vperm.xlane v3, v0;
	_ =	sdelay $0x1  }
0x88: {  	v4 =	vadd.s32 v1, v4;
	_ =	sdelay $0x1  }
0x89: {  	v3 =	vperm.xlane v3, v2;
	_ =	sdelay $0x1  }
0x8a: {  	s24 =	sadd.s32 $0x9100, s21;
	v3 =	vadd.s32 v1, v3  }
0x8b: {  	[tilespmem:s24], [sflag:$0x5] =	stream.indirect_vreg.gather [hbm4b:s2+s1], $0x80, v4, vm0, $0x2000b8;
	[tilespmem:$0x18100] =	vst v63  }
0x8c: {  	s25 =	sadd.s32 $0x9900, s21  }
0x8d: {  	[tilespmem:s25], [sflag:$0x5] =	stream.indirect_vreg.gather [hbm4b:s7+s1], $0x80, v4, vm1, $0x2000b8;
	[tilespmem:$0x18100] =	vst v63  }
0x8e: {  	s26 =	sadd.s32 $0x9D00, s21  }
0x8f: {  	[tilespmem:s26], [sflag:$0x5] =	stream.indirect_vreg.gather [hbm4b:s2+s1], $0x80, v3, vm0, $0x2000b8;
	[tilespmem:$0x18100] =	vst v63  }
0x90: {  	s28 =	sadd.s32 $0xA500, s21  }
0x91: {  	[tilespmem:s28], [sflag:$0x5] =	stream.indirect_vreg.gather [hbm4b:s7+s1], $0x80, v3, vm1, $0x2000b8;
	[tilespmem:$0x18100] =	vst v63  }
0x92: {  	v3 =	vld [tilespmem:s22+$0x70];
	_ =	sdelay $0x4  }
0x93: {  	v63 =	vshrl.u32 v3, $0x3  }
0x94: {  	v4 =	vmul.u32 $0x18, v63  }
0x95: {  	v3 =	vand.u32 $0x7, v3  }
0x96: {  	v3 =	vor.u32 v3, v4  }
0x97: {  	v4 =	vperm.xlane v3, v0;
	_ =	sdelay $0x1  }
0x98: {  	v4 =	vadd.s32 v1, v4;
	_ =	sdelay $0x1  }
0x99: {  	v3 =	vperm.xlane v3, v2;
	_ =	sdelay $0x1  }
0x9a: {  	s29 =	sadd.s32 $0xA900, s21;
	v3 =	vadd.s32 v1, v3  }
0x9b: {  	[tilespmem:s29], [sflag:$0x5] =	stream.indirect_vreg.gather [hbm4b:s2+s1], $0x80, v4, vm0, $0x2000b8;
	[tilespmem:$0x18100] =	vst v63  }
0x9c: {  	s30 =	sadd.s32 $0xB100, s21  }
0x9d: {  	[tilespmem:s30], [sflag:$0x5] =	stream.indirect_vreg.gather [hbm4b:s7+s1], $0x80, v4, vm1, $0x2000b8;
	[tilespmem:$0x18100] =	vst v63  }
0x9e: {  	s31 =	sadd.s32 $0xB500, s21  }
0x9f: {  	[tilespmem:s31], [sflag:$0x5] =	stream.indirect_vreg.gather [hbm4b:s2+s1], $0x80, v3, vm0, $0x2000b8;
	[tilespmem:$0x18100] =	vst v63  }
0xa0: {  	s21 =	sadd.s32 $0xBD00, s21  }
0xa1: {  	[tilespmem:s21], [sflag:$0x5] =	stream.indirect_vreg.gather [hbm4b:s7+s1], $0x80, v3, vm1, $0x2000b8;
	[tilespmem:$0x18100] =	vst v63  }
0xa2: {  	_ =	swait.ge [sflag:s9], $0xC000  }
0xa3: {  	[sflag:s9] =	ssyncset.done $0x0  }
0xa4: {  	p2 =	seq.s32 s12, $0x1;
	[sflag:s9] =	ssyncadd.s32 $0xFFFF4000  }
0xa5: {  	s18 =	sadd.s32 s5, s18;
	p1 =	por p2, p1;
	_ =	strace $0x90000055  }
0xa6: {  	s18 =	smul.u32 @p1 $0x1800, s18;
	s22 =	simm.s32 $0x1;
	_ =	strace @p1 $0x80000056  }
0xa7: {  	s19 =	sadd.s32 @p1 $0x3, s19;
	s22 =	simm.s32 @!p0 $0x0;
	s21 =	rddreg [dreg:$0x2]  }
0xa8: {  	p0 =	seq.s32 s12, $0x8;
	s18 =	sadd.s32 @p1 s21, s18;
	s21 =	simm.s32 @p1 $0x0  }
0xa9: {  	[hbm4b:s18+s21] =	stream.linear.scatter @p1 [tilespmem:s20], [sflag:s19], $0xC000, $0x200038;
	[tilespmem:$0x18100] =	vst v63  }
0xaa: {  	s18 =	simm.s32 $0x1;
	s20 =	simm.s32 $0x1;
	_ =	strace @p1 $0x90000056  }
0xab: {  	s18 =	simm.s32 @!p1 $0x0;
	p1 =	sne.s32 s12, $0x8;
	s12 =	sadd.s32 $0xFFFFFFFF, s12  }
0xac: {  	s19 =	sand.u32 @!p0 $0x1, s14;
	s20 =	simm.s32 @!p1 $0x0;
	p1 =	sne.s32 s12, $0x0  }
.Ltmp0:
0xad: {  	s19 =	sadd.s32 @!p0 $0x3, s19;
	_ =	strace @!p0 $0x80000057;
	(pc) =	sbr.rel @p1 .LBB2_2-.Ltmp0, $4  }
0xae: {  	_ =	swait.ge @!p0 [sflag:s19], $0xC000  }
0xaf: {  	[sflag:s19] =	ssyncset.done @!p0 $0x0  }
0xb0: {  	s17 =	sadd.s32 s22, s17;
	s15 =	sadd.s32 s18, s15;
	[sflag:s19] =	ssyncadd.s32 @!p0 $0xFFFF4000  }
0xb1: {  	s16 =	sadd.s32 s18, s16;
	s14 =	sadd.s32 s20, s14;
	_ =	strace @!p0 $0x90000057  }
0xb2: {  	s11 =	sadd.s32 $0x1, s11  }
0xb3: {  	p0 =	sne.s32 s11, s8  }
.Ltmp1:
0xb4: {  	_ =	strace $0x80000058;
	(pc) =	sbr.rel @p0 .LBB2_1-.Ltmp1, $4  }
0xb5: {  	_ =	swait.ge [sflag:s10], $0xC000  }
0xb6: {  	[sflag:s10] =	ssyncset.done $0x0  }
0xb7: {  	[sflag:s10] =	ssyncadd.s32 $0xFFFF4000  }
0xb8: {  	_ =	strace $0x90000058  }
0xb9: {  	_ =	sfence.sel $0x180000  }
0xba: {  	[bflag:$0x0] =	sbarrier.arrive $0xFFFF  }
0xbb: {  	p0 =	sne.s32 s3, $0x0;
	_ =	strace $0x90000051  }
0xbc: {  	s0 =	sadd.s32 @!p0 $0x100000, s0;
	[bflag:$0x2] =	sbarrier.arrive $0xFFFF  }
0xbd: {  	[sflag:s0] =	ssyncadd.tile.s32 @!p0 $0x1;
	_ =	shalt  }
.Lfunc_end2:
_tile_overlayer_lowered:
.L_overlay_start_2:
0xbe: {  	(tag) =	ssettag $0x2  }
0xbf: {  	s0 =	rddreg [dreg:$0x0];
	s2 =	stileid.u32  }
0xc0: {  	s1 =	rddreg [dreg:$0x1];
	p0 =	sne.s32 s2, $0x0  }
0xc1: {  	s3 =	rddreg [dreg:$0x2];
	[bflag:$0x3] =	sbarrier.arrive $0xFFFF;
	s2 =	simm.s32 @!p0 $0x1C01  }
0xc2: {  	[timem:s3], [sflag:s2] =	dma.local @!p0 [hbm:s0], s1  }
0xc3: {  	s0 =	simm.s32 @!p0 $0x1  }
0xc4: {  	_ =	swait.ge @!p0 [sflag:s0], s1  }
0xc5: {  	s1 =	ssub.s32 @!p0 $0x0, s1;
	[sflag:s0] =	ssyncset.done @!p0 $0x0  }
0xc6: {  	[sflag:s0] =	ssyncadd.s32 @!p0 s1  }
0xc7: {  	[bflag:$0x3] =	sbarrier.arrive $0xFFFF  }
0xc8: {  	_ =	shalt  }

// kernel: kernel.24.cloned.1.call-start
scs
__scs_entry_jumppad:
0x0: {  	(pc) =	sbr.rel $0x88, $3  }
0x1: {  	(tag) =	ssettag $0x0;
	lr =	simm.s32 $0x1  }
0x2: {  	[smem:$0x3F97] =	sst lr;
	_ =	strace $0xD0000000  }
0x3: {  	_ = 	snop  }
0x4: {  	_ = 	snop  }
0x5: {  	_ = 	snop  }
0x6: {  	_ = 	snop  }
0x7: {  	_ = 	snop  }
__scs_overlays_trampoline_lowered:
0x8: {  	[smem:$0x3FA6] =	sst s0  }
0x9: {  	[smem:$0x3FA7] =	sst s1  }
0xa: {  	[smem:$0x3FA8] =	sst s2  }
0xb: {  	[smem:$0x3FA9] =	sst s3  }
0xc: {  	[smem:$0x3FAA] =	sst s4  }
0xd: {  	[smem:$0x3FAB] =	sst s5  }
0xe: {  	[smem:$0x3FAC] =	sst s6  }
0xf: {  	[smem:$0x3FAD] =	sst s7  }
0x10: {  	[smem:$0x3FAE] =	sst s8  }
0x11: {  	[smem:$0x3FAF] =	sst s9;
	s0 =	simm.s32 @!p0 $0x0  }
0x12: {  	s1 =	sld [smem:$0x3F95];
	s0 =	simm.s32 @p0 $0x1  }
0x13: {  	[smem:$0x3FB0] =	sst s0;
	s0 =	simm.s32 @!p1 $0x0  }
0x14: {  	s2 =	sld [smem:$0x3F94];
	s0 =	simm.s32 @p1 $0x1  }
0x15: {  	[smem:$0x3FB1] =	sst s0;
	s0 =	simm.s32 @!p2 $0x0  }
0x16: {  	s3 =	sld [smem:$0x3FDB];
	s0 =	simm.s32 @p2 $0x1  }
0x17: {  	s4 =	simm.s32 $0x1BF5;
	[smem:$0x3FB3] =	sst s0  }
0x18: {  	s0 =	sld [smem:$0x3F96];
	_ =	swait.ge [sflag:s4], $0x0  }
0x19: {  	s7 =	sld [smem:$0x3F97]  }
0x1a: {  	s8 =	sadd.s32 $0xFFFFE003, lr  }
0x1b: {  	s9 =	sadd.s32 $0xFFFFFEF7, lr;
	s5 =	simm.s32 $0xFFFFFFFF;
	p2 =	slt.u32 s8, $0xFFFFF086  }
0x1c: {  	p1 =	slt.u32 s9, $0xF7A;
	s5 =	simm.s32 @!p2 $0x0  }
0x1d: {  	s5 =	simm.s32 @p1 $0x1;
	p0 =	seq.s32 s7, s2  }
0x1e: {  	s7 =	smul.u32 @!p0 $0xF7A, s2;
	p2 =	seq.s32 @!p0 s5, $0x0  }
0x1f: {  	s9 =	smul.u32 $0xF7A, s1;
	s8 =	simm.s32 @!p0 $0x1BF5;
	p2 =	por !p2, p0  }
0x20: {  	[sflag:s8] =	ssyncset.s32 @!p0 $0xFFFFF086;
	s6 =	sadd.s32 @!p0 s3, s7;
	s7 =	simm.s32 @!p0 $0x108  }
0x21: {  	s3 =	sadd.s32 s3, s9;
	s6 =	sadd.s32 @!p0 $0x88, s6;
	s7 =	simm.s32 @p2 $0x1082  }
0x22: {  	[simem:s7], [sflag:s8] =	dma.local @!p0 [hbm:s6], $0xF7A  }
0x23: {  	s9 =	sor.u32 $0xD0000000, s2;
	s6 =	simm.s32 $0x108;
	_ =	swait.ge @!p0 [sflag:s8], $0x0  }
0x24: {  	s3 =	sadd.s32 $0x88, s3;
	s6 =	simm.s32 @!p1 $0x1082;
	[sflag:s4] =	ssyncset.s32 $0xFFFFF086  }
0x25: {  	[simem:s6], [sflag:s4] =	dma.local [hbm:s3], $0xF7A  }
0x26: {  	[smem:$0x3F97] =	sst s1;
	(tag) =	ssettag s2;
	_ =	strace s9  }
0x27: {  	s1 =	sld [smem:$0x3FA7]  }
0x28: {  	s2 =	sld [smem:$0x3FA8]  }
0x29: {  	s4 =	sld [smem:$0x3FAA]  }
0x2a: {  	p0 =	seq.s32 s5, $0x0;
	s5 =	sld [smem:$0x3FAB]  }
0x2b: {  	s6 =	sld [smem:$0x3FAC]  }
0x2c: {  	s7 =	sld [smem:$0x3FAD]  }
0x2d: {  	s3 =	simm.s32 $0x108;
	s8 =	sld [smem:$0x3FAE]  }
0x2e: {  	s3 =	simm.s32 @!p0 $0x1082;
	s9 =	sld [smem:$0x3FAF]  }
0x2f: {  	lr =	sadd.s32 s0, s3;
	s0 =	sld [smem:$0x3FA6]  }
0x30: {  	s3 =	sld [smem:$0x3FA9]  }
0x31: {  	[smem:$0x3FB2] =	sst s10  }
0x32: {  	s10 =	sld [smem:$0x3FB0];
	_ =	sdelay $0x3  }
0x33: {  	p0 =	seq.s32 s10, $0x1;
	s10 =	sld [smem:$0x3FB2];
	_ =	sdelay $0x3  }
0x34: {  	[smem:$0x3FB2] =	sst s10  }
0x35: {  	s10 =	sld [smem:$0x3FB1];
	_ =	sdelay $0x3  }
0x36: {  	p1 =	seq.s32 s10, $0x1;
	s10 =	sld [smem:$0x3FB2];
	_ =	sdelay $0x3  }
0x37: {  	[smem:$0x3FB2] =	sst s10  }
0x38: {  	s10 =	sld [smem:$0x3FB3]  }
0x39: {  	_ = 	snop;
	(pc) =	sbr.ind lr, $3  }
0x3a: {  	_ = 	snop  }
0x3b: {  	_ = 	snop  }
0x3c: {  	p2 =	seq.s32 s10, $0x1;
	s10 =	sld [smem:$0x3FB2]  }
0x3d: {  	_ =	shalt  }
0x3e: {  	_ =	shalt  }
0x3f: {  	_ =	shalt  }
0x40: {  	_ =	shalt  }
0x41: {  	_ =	shalt  }
0x42: {  	_ =	shalt  }
0x43: {  	_ =	shalt  }
0x44: {  	_ =	shalt  }
0x45: {  	_ =	shalt  }
0x46: {  	_ =	shalt  }
0x47: {  	_ =	shalt  }
0x48: {  	_ =	shalt  }
0x49: {  	_ =	shalt  }
0x4a: {  	_ =	shalt  }
0x4b: {  	_ =	shalt  }
0x4c: {  	_ =	shalt  }
0x4d: {  	_ =	shalt  }
0x4e: {  	_ =	shalt  }
0x4f: {  	_ =	shalt  }
0x50: {  	_ =	shalt  }
0x51: {  	_ =	shalt  }
0x52: {  	_ =	shalt  }
0x53: {  	_ =	shalt  }
0x54: {  	_ =	shalt  }
0x55: {  	_ =	shalt  }
0x56: {  	_ =	shalt  }
0x57: {  	_ =	shalt  }
0x58: {  	_ =	shalt  }
0x59: {  	_ =	shalt  }
0x5a: {  	_ =	shalt  }
0x5b: {  	_ =	shalt  }
0x5c: {  	_ =	shalt  }
0x5d: {  	_ =	shalt  }
0x5e: {  	_ =	shalt  }
0x5f: {  	_ =	shalt  }
0x60: {  	_ =	shalt  }
0x61: {  	_ =	shalt  }
0x62: {  	_ =	shalt  }
0x63: {  	_ =	shalt  }
0x64: {  	_ =	shalt  }
0x65: {  	_ =	shalt  }
0x66: {  	_ =	shalt  }
0x67: {  	_ =	shalt  }
0x68: {  	_ =	shalt  }
0x69: {  	_ =	shalt  }
0x6a: {  	_ =	shalt  }
0x6b: {  	_ =	shalt  }
0x6c: {  	_ =	shalt  }
0x6d: {  	_ =	shalt  }
0x6e: {  	_ =	shalt  }
0x6f: {  	_ =	shalt  }
0x70: {  	_ =	shalt  }
0x71: {  	_ =	shalt  }
0x72: {  	_ =	shalt  }
0x73: {  	_ =	shalt  }
0x74: {  	_ =	shalt  }
0x75: {  	_ =	shalt  }
0x76: {  	_ =	shalt  }
0x77: {  	_ =	shalt  }
0x78: {  	_ =	shalt  }
0x79: {  	_ =	shalt  }
0x7a: {  	_ =	shalt  }
0x7b: {  	_ =	shalt  }
0x7c: {  	_ =	shalt  }
0x7d: {  	_ =	shalt  }
0x7e: {  	_ =	shalt  }
0x7f: {  	_ =	shalt  }
0x80: {  	_ =	shalt  }
0x81: {  	_ =	shalt  }
0x82: {  	_ =	shalt  }
0x83: {  	_ =	shalt  }
0x84: {  	_ =	shalt  }
0x85: {  	_ =	shalt  }
0x86: {  	_ =	shalt  }
0x87: {  	_ =	shalt  }
.Lfunc_end0:
.L_simem_size_0:
called_computation.2_lowered:
.L_overlay_start_0:
0x88: {  	s2 =	sld [smem:$0x3FD9]  }
0x89: {  	s3 =	sld [smem:$0x3FFE];
	_ =	sdelay $0x1  }
0x8a: {  	s1 =	srdreg.scid  }
0x8b: {  	s0 =	sand.u32 $0x1, s1  }
0x8c: {  	s17 =	sshll.u32 s0, $0xA;
	s2 =	sadd.s32 s3, s2  }
0x8d: {  	s2 =	sadd.s32 s2, s17  }
0x8e: {  	[smem:$0x3FBE] =	sst s2  }
0x8f: {  	_ = 	snop  }
0x90: {  	(tm) =	ssettm $0x1  }
0x91: {  	s18 =	sld [smem:$0x3FFB];
	_ =	sdelay $0x3  }
0x92: {  	_ =	strace s18  }
0x93: {  	s2 =	sld [smem:$0x3FFC];
	_ =	sdelay $0x3  }
0x94: {  	_ =	strace s2  }
0x95: {  	s2 =	sld [smem:$0x3FFD];
	_ =	sdelay $0x3  }
0x96: {  	_ =	strace s2  }
0x97: {  	_ =	strace $0x8FFFFFFF  }
0x98: {  	s19 =	sld [smem:$0x3FDB];
	_ =	sdelay $0x1  }
0x99: {  	s20 =	simm.s32 $_scs_section_size  }
0x9a: {  	s4 =	simm.s32 $_size__tile_overlayer_lowered;
	s5 =	simm.s32 $_tile_overlayer_lowered  }
0x9b: {  	s6 =	simm.s32 $0x1BFF;
	s21 =	sshll.u32 s5, $0x1;
	s3 =	sadd.s32 s20, s19  }
0x9c: {  	s22 =	simm.s32 $0x0;
	s4 =	sshll.u32 s4, $0x1;
	s5 =	sadd.s32 s21, s3  }
0x9d: {  	[timem:s22], [sflag:s6] =	dma.local [hbm:s5], s4  }
0x9e: {  	_ =	swait.ge [sflag:s6], s4  }
0x9f: {  	s4 =	ssub.s32 $0x0, s4;
	[sflag:s6] =	ssyncset.done $0x0  }
0xa0: {  	[sflag:s6] =	ssyncadd.s32 s4;
	_ =	sdelay $0x1  }
0xa1: {  	s23 =	simm.s32 $0x1B8B  }
0xa2: {  	_ =	swait.ge [sflag:s23], $0x1  }
0xa3: {  	[sflag:s23] =	ssyncset.done $0x0  }
0xa4: {  	[sflag:s23] =	ssyncadd.s32 $0xFFFFFFFF  }
0xa5: {  	s4 =	sld [smem:$0x0]  }
0xa6: {  	s5 =	sand.u32 $0xFFFFFFFE, s1  }
0xa7: {  	p0 =	sne.s32 s1, s5  }
0xa8: {  	s5 =	sshll.u32 @p0 s5, $0xE  }
0xa9: {  	s5 =	sadd.s32 @p0 $0x11B8D, s5;
	s6 =	sshll.u32 @p0 s4, $0x11  }
0xaa: {  	s5 =	sor.u32 @p0 s6, s5  }
0xab: {  	[sflag:s5] =	ssyncadd.remote.s32 @p0 $0x1;
	_ =	sdelay $0x1  }
0xac: {  	s5 =	simm.s32 @p0 $0x1B8D  }
0xad: {  	_ =	swait.eq @p0 [sflag:s5], $0x1  }
0xae: {  	[sflag:s5] =	ssyncadd.s32 @p0 $0xFFFFFFFF  }
0xaf: {  	s6 =	sshll.u32 @!p0 s1, $0xE  }
0xb0: {  	s6 =	sor.u32 @!p0 $0x4000, s6;
	s5 =	simm.s32 @!p0 $0x1B8D  }
0xb1: {  	s4 =	sshll.u32 @!p0 s4, $0x11;
	s6 =	sadd.s32 @!p0 $0x11B8D, s6;
	_ =	swait.eq @!p0 [sflag:s5], $0x1  }
0xb2: {  	s4 =	sor.u32 @!p0 s4, s6;
	[sflag:s5] =	ssyncadd.s32 @!p0 $0xFFFFFFFF  }
0xb3: {  	s25 =	simm.s32 $0x1B8E;
	s24 =	sld [smem:$0x3FFE];
	[sflag:s4] =	ssyncadd.remote.s32 @!p0 $0x1  }
0xb4: {  	s26 =	simm.s32 $execute0_lowered;
	[smem:$0x3FD2] =	sst s25  }
0xb5: {  	s5 =	sshll.u32 s26, $0x1;
	_ =	strace $0x8000005A;
	[dreg:$0x1] =	wrdreg $0xFFFFFFFF  }
0xb6: {  	s28 =	simm.s32 $_size_execute0_lowered;
	s3 =	sadd.s32 s3, s5;
	[dreg:$0x0] =	wrdreg $0x0  }
0xb7: {  	s5 =	sshll.u32 s28, $0x1;
	[dreg:$0x2] =	wrdreg s3  }
0xb8: {  	[dreg:$0x3] =	wrdreg s5  }
0xb9: {  	[dreg:$0x4] =	wrdreg $0xC0  }
0xba: {  	_ =	task [dreg:s22], $0x5FFFF  }
0xbb: {  	[dreg:$0x1] =	wrdreg $0xFFFFFFFF  }
0xbc: {  	[dreg:$0x0] =	wrdreg $0x60  }
0xbd: {  	[dreg:$0x2] =	wrdreg s24  }
0xbe: {  	[dreg:$0x3] =	wrdreg $0xB  }
0xbf: {  	_ =	task.clear_ibuf [dreg:s22], $0x4FFFF;
	_ =	strace $0x9000005A  }
0xc0: {  	s29 =	simm.s32 $0xB;
	_ =	strace $0x80000063  }
0xc1: {  	_ =	swait.ge [sflag:s29], $0x1  }
0xc2: {  	[sflag:s29] =	ssyncadd.s32 $0xFFFFFFFF  }
0xc3: {  	_ =	strace $0x90000063  }
0xc4: {  	_ =	sfence  }
0xc5: {  	s30 =	sld [smem:$0x0];
	_ =	sdelay $0x2  }
0xc6: {  	s31 =	sshll.u32 s1, $0xD;
	s1 =	sshrl.u32 s1, $0x2  }
0xc7: {  	s4 =	sand.u32 $0x4000, s31;
	s1 =	sadd.s32 s1, s30  }
0xc8: {  	s0 =	sor.u32 s4, s0;
	s1 =	sshll.u32 s1, $0x11  }
0xc9: {  	s0 =	sor.u32 s1, s0  }
0xca: {  	s0 =	sadd.s32 $0x8F2B, s0  }
0xcb: {  	[sflag:s0] =	ssyncadd.remote.s32 $0x1  }
0xcc: {  	_ =	sfence.sel $0xFFFF  }
0xcd: {  	[dreg:$0x0] =	wrdreg $0xFFFFFFFF;
	(pc) =	sbr.abs _section_cstart, $3  }
0xce: {  	[dreg:$0x1] =	wrdreg $0xFFFFFFFF  }
0xcf: {  	_ =	task.clear_ibuf [dreg:s22], $0x2FFFF;
	_ =	strace $0x9FFFFFFF  }
0xd0: {  	(tm) =	ssettm $0x7FFFFFFF  }
0xd1: {  	_ =	shalt  }
tec
execute0_lowered:
.L_overlay_start_1:
0x0: {  	(tag) =	ssettag $0x1  }
0x1: {  	s7 =	rddreg [dreg:$0x0]  }
0x2: {  	s0 =	rddreg [dreg:$0x1];
	s1 =	simm.s32 $0x0;
	s3 =	srdreg.scid  }
0x3: {  	s9 =	simm.s32 $0x5;
	s10 =	simm.s32 $0x4;
	[smem:$0x7FF] =	sst s1  }
0x4: {  	s11 =	simm.s32 $0x0;
	s2 =	sadd.s32 $0x358600, s7;
	s4 =	sadd.s32 $0x370600, s7  }
0x5: {  	s5 =	sadd.s32 $0x371600, s7;
	s6 =	sand.u32 $0x1, s3;
	s3 =	stileid.u32  }
0x6: {  	_ =	strace $0x8000005B;
	s8 =	ssub.s32 $0x2, s6;
	s6 =	sshll.u32 s6, $0x4  }
0x7: {  	v2 =	vlaneseq.u32;
	[dreg:$0x2] =	wrdreg s5;
	s31 =	sshrl.u32 s8, $0x1;
	s6 =	sor.u32 s3, s6  }
0x8: {  	vm0 =	vmmov $0xffff;
	vm1 =	vmmov $0xff;
	v1 =	vshrl.u32 v2, $0x3;
	s8 =	ssub.s32 s8, s31;
	s5 =	sshll.u32 s6, $0x3;
	s6 =	sshll.u32 s6, $0x7  }
0x9: {  	s7 =	sadd.s32 $0x358700, s7;
	v0 =	vand.u32 $0x7, v2;
	v2 =	vor.u32 $0x8, v2;
	v1 =	vmul.u32 $0x8, v1;
	s6 =	sadd.s32 s4, s6;
	s8 =	smax.u32 s8, $0x1  }
.LBB2_1:
0xa: {  	_ =	strace $0x8000005C;
	s12 =	simm.s32 $0x8  }
0xb: {  	s13 =	simm.s32 $0x0;
	s14 =	simm.s32 $0x0;
	s15 =	simm.s32 $0x0  }
0xc: {  	[tilespmem:s1], [sflag:$0x1] =	stream.linear.gather [hbm4b:s6+s1], $0x80, $0x200038;
	[tilespmem:$0x18100] =	vst v63  }
0xd: {  	s16 =	simm.s32 $0x0;
	s17 =	simm.s32 $0x1;
	_ =	strace $0x9000005C  }
.LBB2_2:
0xe: {  	s18 =	smov.u32 s13;
	s13 =	sadd.s32 $0x1, s13  }
0xf: {  	p0 =	seq.s32 s13, $0x8  }
0x10: {  	s13 =	simm.s32 @p0 $0x0  }
0x11: {  	p6 =	sne.s32 s12, $0x1;
	p1 =	sne.s32 s18, s13  }
0x12: {  	p0 =	por !p6, !p1  }
0x13: {  	p0 =	por !p0, !p0  }
0x14: {  	s19 =	sadd.s32 @p0 s5, s13  }
0x15: {  	s20 =	sand.u32 @p0 $0x1, s17;
	s19 =	sshll.u32 @p0 s19, $0x4  }
0x16: {  	_ =	strace @p0 $0x8000005D;
	s22 =	simm.s32 @p0 $0x0;
	s19 =	sand.u32 @p0 $0x1FFFFFF0, s19  }
0x17: {  	s21 =	sshll.u32 @p0 s20, $0x7;
	s20 =	sadd.s32 @p0 $0x1, s20;
	s19 =	sadd.s32 @p0 s4, s19  }
0x18: {  	[tilespmem:s21], [sflag:s20] =	stream.linear.gather @p0 [hbm4b:s19+s22], $0x80, $0x200038;
	[tilespmem:$0x18100] =	vst v63  }
0x19: {  	s28 =	sand.u32 $0x1, s16;
	_ =	strace @p0 $0x9000005D  }
0x1a: {  	s19 =	sadd.s32 $0x1, s28;
	_ =	strace $0x8000005E  }
0x1b: {  	_ =	swait.ge [sflag:s19], $0x80  }
0x1c: {  	[sflag:s19] =	ssyncset.done $0x0  }
0x1d: {  	[sflag:s19] =	ssyncadd.s32 $0xFFFFFF80  }
0x1e: {  	s29 =	sshll.u32 s16, $0x7;
	_ =	strace $0x9000005E  }
0x1f: {  	s22 =	sand.u32 $0x80, s29;
	_ =	strace $0x8000005F  }
0x20: {  	v3 =	vld [tilespmem:s22+$0x0];
	_ =	sdelay $0x4  }
0x21: {  	v4 =	vshrl.u32 v3, $0x3  }
0x22: {  	v4 =	vmul.u32 $0x18, v4  }
0x23: {  	v3 =	vand.u32 $0x7, v3  }
0x24: {  	v3 =	vor.u32 v3, v4  }
0x25: {  	v4 =	vperm.xlane v3, v0;
	_ =	sdelay $0x1  }
0x26: {  	s19 =	sand.u32 $0x1, s15;
	v4 =	vadd.s32 v1, v4  }
0x27: {  	s30 =	smul.u32 $0x30000, s19  }
0x28: {  	v3 =	vperm.xlane v3, v2  }
0x29: {  	s21 =	sshrl.u32 s30, $0x2  }
0x2a: {  	s20 =	sor.u32 $0x100, s21;
	v3 =	vadd.s32 v1, v3  }
0x2b: {  	[tilespmem:s20], [sflag:$0x5] =	stream.indirect_vreg.gather [hbm4b:s2+s1], $0x80, v4, vm0, $0x2000b8;
	[tilespmem:$0x18100] =	vst v63  }
0x2c: {  	s23 =	sor.u32 $0x900, s21  }
0x2d: {  	[tilespmem:s23], [sflag:$0x5] =	stream.indirect_vreg.gather [hbm4b:s7+s1], $0x80, v4, vm1, $0x2000b8;
	[tilespmem:$0x18100] =	vst v63  }
0x2e: {  	s31 =	sor.u32 $0xD00, s21  }
0x2f: {  	[tilespmem:s31], [sflag:$0x5] =	stream.indirect_vreg.gather [hbm4b:s2+s1], $0x80, v3, vm0, $0x2000b8;
	[tilespmem:$0x18100] =	vst v63  }
0x30: {  	s24 =	sor.u32 $0x1500, s21  }
0x31: {  	[tilespmem:s24], [sflag:$0x5] =	stream.indirect_vreg.gather [hbm4b:s7+s1], $0x80, v3, vm1, $0x2000b8;
	[tilespmem:$0x18100] =	vst v63  }
0x32: {  	v3 =	vld [tilespmem:s22+$0x10];
	_ =	sdelay $0x4  }
0x33: {  	v57 =	vshrl.u32 v3, $0x3  }
0x34: {  	v4 =	vmul.u32 $0x18, v57  }
0x35: {  	v3 =	vand.u32 $0x7, v3  }
0x36: {  	v3 =	vor.u32 v3, v4  }
0x37: {  	v4 =	vperm.xlane v3, v0;
	_ =	sdelay $0x1  }
0x38: {  	v4 =	vadd.s32 v1, v4;
	_ =	sdelay $0x1  }
0x39: {  	v3 =	vperm.xlane v3, v2;
	_ =	sdelay $0x1  }
0x3a: {  	s25 =	sor.u32 $0x1900, s21;
	v3 =	vadd.s32 v1, v3  }
0x3b: {  	[tilespmem:s25], [sflag:$0x5] =	stream.indirect_vreg.gather [hbm4b:s2+s1], $0x80, v4, vm0, $0x2000b8;
	[tilespmem:$0x18100] =	vst v63  }
0x3c: {  	s26 =	sor.u32 $0x2100, s21  }
0x3d: {  	[tilespmem:s26], [sflag:$0x5] =	stream.indirect_vreg.gather [hbm4b:s7+s1], $0x80, v4, vm1, $0x2000b8;
	[tilespmem:$0x18100] =	vst v63  }
0x3e: {  	s28 =	sor.u32 $0x2500, s21  }
0x3f: {  	[tilespmem:s28], [sflag:$0x5] =	stream.indirect_vreg.gather [hbm4b:s2+s1], $0x80, v3, vm0, $0x2000b8;
	[tilespmem:$0x18100] =	vst v63  }
0x40: {  	s29 =	sor.u32 $0x2D00, s21  }
0x41: {  	[tilespmem:s29], [sflag:$0x5] =	stream.indirect_vreg.gather [hbm4b:s7+s1], $0x80, v3, vm1, $0x2000b8;
	[tilespmem:$0x18100] =	vst v63  }
0x42: {  	v3 =	vld [tilespmem:s22+$0x20];
	_ =	sdelay $0x4  }
0x43: {  	v58 =	vshrl.u32 v3, $0x3  }
0x44: {  	v4 =	vmul.u32 $0x18, v58  }
0x45: {  	v3 =	vand.u32 $0x7, v3  }
0x46: {  	v3 =	vor.u32 v3, v4  }
0x47: {  	v4 =	vperm.xlane v3, v0;
	_ =	sdelay $0x1  }
0x48: {  	v4 =	vadd.s32 v1, v4;
	_ =	sdelay $0x1  }
0x49: {  	v3 =	vperm.xlane v3, v2;
	_ =	sdelay $0x1  }
0x4a: {  	s30 =	sor.u32 $0x3100, s21;
	v3 =	vadd.s32 v1, v3  }
0x4b: {  	[tilespmem:s30], [sflag:$0x5] =	stream.indirect_vreg.gather [hbm4b:s2+s1], $0x80, v4, vm0, $0x2000b8;
	[tilespmem:$0x18100] =	vst v63  }
0x4c: {  	s31 =	sor.u32 $0x3900, s21  }
0x4d: {  	[tilespmem:s31], [sflag:$0x5] =	stream.indirect_vreg.gather [hbm4b:s7+s1], $0x80, v4, vm1, $0x2000b8;
	[tilespmem:$0x18100] =	vst v63  }
0x4e: {  	s24 =	sor.u32 $0x3D00, s21  }
0x4f: {  	[tilespmem:s24], [sflag:$0x5] =	stream.indirect_vreg.gather [hbm4b:s2+s1], $0x80, v3, vm0, $0x2000b8;
	[tilespmem:$0x18100] =	vst v63  }
0x50: {  	s25 =	sadd.s32 $0x4500, s21  }
0x51: {  	[tilespmem:s25], [sflag:$0x5] =	stream.indirect_vreg.gather [hbm4b:s7+s1], $0x80, v3, vm1, $0x2000b8;
	[tilespmem:$0x18100] =	vst v63  }
0x52: {  	v3 =	vld [tilespmem:s22+$0x30];
	_ =	sdelay $0x4  }
0x53: {  	v59 =	vshrl.u32 v3, $0x3  }
0x54: {  	v4 =	vmul.u32 $0x18, v59  }
0x55: {  	v3 =	vand.u32 $0x7, v3  }
0x56: {  	v3 =	vor.u32 v3, v4  }
0x57: {  	v4 =	vperm.xlane v3, v0;
	_ =	sdelay $0x1  }
0x58: {  	v4 =	vadd.s32 v1, v4;
	_ =	sdelay $0x1  }
0x59: {  	v3 =	vperm.xlane v3, v2;
	_ =	sdelay $0x1  }
0x5a: {  	s26 =	sadd.s32 $0x4900, s21;
	v3 =	vadd.s32 v1, v3  }
0x5b: {  	[tilespmem:s26], [sflag:$0x5] =	stream.indirect_vreg.gather [hbm4b:s2+s1], $0x80, v4, vm0, $0x2000b8;
	[tilespmem:$0x18100] =	vst v63  }
0x5c: {  	s28 =	sadd.s32 $0x5100, s21  }
0x5d: {  	[tilespmem:s28], [sflag:$0x5] =	stream.indirect_vreg.gather [hbm4b:s7+s1], $0x80, v4, vm1, $0x2000b8;
	[tilespmem:$0x18100] =	vst v63  }
0x5e: {  	s29 =	sadd.s32 $0x5500, s21  }
0x5f: {  	[tilespmem:s29], [sflag:$0x5] =	stream.indirect_vreg.gather [hbm4b:s2+s1], $0x80, v3, vm0, $0x2000b8;
	[tilespmem:$0x18100] =	vst v63  }
0x60: {  	s30 =	sadd.s32 $0x5D00, s21  }
0x61: {  	[tilespmem:s30], [sflag:$0x5] =	stream.indirect_vreg.gather [hbm4b:s7+s1], $0x80, v3, vm1, $0x2000b8;
	[tilespmem:$0x18100] =	vst v63  }
0x62: {  	v3 =	vld [tilespmem:s22+$0x40];
	_ =	sdelay $0x4  }
0x63: {  	v60 =	vshrl.u32 v3, $0x3  }
0x64: {  	v4 =	vmul.u32 $0x18, v60  }
0x65: {  	v3 =	vand.u32 $0x7, v3  }
0x66: {  	v3 =	vor.u32 v3, v4  }
0x67: {  	v4 =	vperm.xlane v3, v0;
	_ =	sdelay $0x1  }
0x68: {  	v4 =	vadd.s32 v1, v4;
	_ =	sdelay $0x1  }
0x69: {  	v3 =	vperm.xlane v3, v2;
	_ =	sdelay $0x1  }
0x6a: {  	s31 =	sadd.s32 $0x6100, s21;
	v3 =	vadd.s32 v1, v3  }
0x6b: {  	[tilespmem:s31], [sflag:$0x5] =	stream.indirect_vreg.gather [hbm4b:s2+s1], $0x80, v4, vm0, $0x2000b8;
	[tilespmem:$0x18100] =	vst v63  }
0x6c: {  	s24 =	sadd.s32 $0x6900, s21  }
0x6d: {  	[tilespmem:s24], [sflag:$0x5] =	stream.indirect_vreg.gather [hbm4b:s7+s1], $0x80, v4, vm1, $0x2000b8;
	[tilespmem:$0x18100] =	vst v63  }
0x6e: {  	s25 =	sadd.s32 $0x6D00, s21  }
0x6f: {  	[tilespmem:s25], [sflag:$0x5] =	stream.indirect_vreg.gather [hbm4b:s2+s1], $0x80, v3, vm0, $0x2000b8;
	[tilespmem:$0x18100] =	vst v63  }
0x70: {  	s26 =	sadd.s32 $0x7500, s21  }
0x71: {  	[tilespmem:s26], [sflag:$0x5] =	stream.indirect_vreg.gather [hbm4b:s7+s1], $0x80, v3, vm1, $0x2000b8;
	[tilespmem:$0x18100] =	vst v63  }
0x72: {  	v3 =	vld [tilespmem:s22+$0x50];
	_ =	sdelay $0x4  }
0x73: {  	v61 =	vshrl.u32 v3, $0x3  }
0x74: {  	v4 =	vmul.u32 $0x18, v61  }
0x75: {  	v3 =	vand.u32 $0x7, v3  }
0x76: {  	v3 =	vor.u32 v3, v4  }
0x77: {  	v4 =	vperm.xlane v3, v0;
	_ =	sdelay $0x1  }
0x78: {  	v4 =	vadd.s32 v1, v4;
	_ =	sdelay $0x1  }
0x79: {  	v3 =	vperm.xlane v3, v2;
	_ =	sdelay $0x1  }
0x7a: {  	s28 =	sadd.s32 $0x7900, s21;
	v3 =	vadd.s32 v1, v3  }
0x7b: {  	[tilespmem:s28], [sflag:$0x5] =	stream.indirect_vreg.gather [hbm4b:s2+s1], $0x80, v4, vm0, $0x2000b8;
	[tilespmem:$0x18100] =	vst v63  }
0x7c: {  	s29 =	sadd.s32 $0x8100, s21  }
0x7d: {  	[tilespmem:s29], [sflag:$0x5] =	stream.indirect_vreg.gather [hbm4b:s7+s1], $0x80, v4, vm1, $0x2000b8;
	[tilespmem:$0x18100] =	vst v63  }
0x7e: {  	s30 =	sadd.s32 $0x8500, s21  }
0x7f: {  	[tilespmem:s30], [sflag:$0x5] =	stream.indirect_vreg.gather [hbm4b:s2+s1], $0x80, v3, vm0, $0x2000b8;
	[tilespmem:$0x18100] =	vst v63  }
0x80: {  	s31 =	sadd.s32 $0x8D00, s21  }
0x81: {  	[tilespmem:s31], [sflag:$0x5] =	stream.indirect_vreg.gather [hbm4b:s7+s1], $0x80, v3, vm1, $0x2000b8;
	[tilespmem:$0x18100] =	vst v63  }
0x82: {  	v3 =	vld [tilespmem:s22+$0x60];
	_ =	sdelay $0x4  }
0x83: {  	v62 =	vshrl.u32 v3, $0x3  }
0x84: {  	v4 =	vmul.u32 $0x18, v62  }
0x85: {  	v3 =	vand.u32 $0x7, v3  }
0x86: {  	v3 =	vor.u32 v3, v4  }
0x87: {  	v4 =	vperm.xlane v3, v0;
	_ =	sdelay $0x1  }
0x88: {  	v4 =	vadd.s32 v1, v4;
	_ =	sdelay $0x1  }
0x89: {  	v3 =	vperm.xlane v3, v2;
	_ =	sdelay $0x1  }
0x8a: {  	s24 =	sadd.s32 $0x9100, s21;
	v3 =	vadd.s32 v1, v3  }
0x8b: {  	[tilespmem:s24], [sflag:$0x5] =	stream.indirect_vreg.gather [hbm4b:s2+s1], $0x80, v4, vm0, $0x2000b8;
	[tilespmem:$0x18100] =	vst v63  }
0x8c: {  	s25 =	sadd.s32 $0x9900, s21  }
0x8d: {  	[tilespmem:s25], [sflag:$0x5] =	stream.indirect_vreg.gather [hbm4b:s7+s1], $0x80, v4, vm1, $0x2000b8;
	[tilespmem:$0x18100] =	vst v63  }
0x8e: {  	s26 =	sadd.s32 $0x9D00, s21  }
0x8f: {  	[tilespmem:s26], [sflag:$0x5] =	stream.indirect_vreg.gather [hbm4b:s2+s1], $0x80, v3, vm0, $0x2000b8;
	[tilespmem:$0x18100] =	vst v63  }
0x90: {  	s28 =	sadd.s32 $0xA500, s21  }
0x91: {  	[tilespmem:s28], [sflag:$0x5] =	stream.indirect_vreg.gather [hbm4b:s7+s1], $0x80, v3, vm1, $0x2000b8;
	[tilespmem:$0x18100] =	vst v63  }
0x92: {  	v3 =	vld [tilespmem:s22+$0x70];
	_ =	sdelay $0x4  }
0x93: {  	v63 =	vshrl.u32 v3, $0x3  }
0x94: {  	v4 =	vmul.u32 $0x18, v63  }
0x95: {  	v3 =	vand.u32 $0x7, v3  }
0x96: {  	v3 =	vor.u32 v3, v4  }
0x97: {  	v4 =	vperm.xlane v3, v0;
	_ =	sdelay $0x1  }
0x98: {  	v4 =	vadd.s32 v1, v4;
	_ =	sdelay $0x1  }
0x99: {  	v3 =	vperm.xlane v3, v2;
	_ =	sdelay $0x1  }
0x9a: {  	s29 =	sadd.s32 $0xA900, s21;
	v3 =	vadd.s32 v1, v3  }
0x9b: {  	[tilespmem:s29], [sflag:$0x5] =	stream.indirect_vreg.gather [hbm4b:s2+s1], $0x80, v4, vm0, $0x2000b8;
	[tilespmem:$0x18100] =	vst v63  }
0x9c: {  	s30 =	sadd.s32 $0xB100, s21  }
0x9d: {  	[tilespmem:s30], [sflag:$0x5] =	stream.indirect_vreg.gather [hbm4b:s7+s1], $0x80, v4, vm1, $0x2000b8;
	[tilespmem:$0x18100] =	vst v63  }
0x9e: {  	s31 =	sadd.s32 $0xB500, s21  }
0x9f: {  	[tilespmem:s31], [sflag:$0x5] =	stream.indirect_vreg.gather [hbm4b:s2+s1], $0x80, v3, vm0, $0x2000b8;
	[tilespmem:$0x18100] =	vst v63  }
0xa0: {  	s21 =	sadd.s32 $0xBD00, s21  }
0xa1: {  	[tilespmem:s21], [sflag:$0x5] =	stream.indirect_vreg.gather [hbm4b:s7+s1], $0x80, v3, vm1, $0x2000b8;
	[tilespmem:$0x18100] =	vst v63  }
0xa2: {  	_ =	swait.ge [sflag:s9], $0xC000  }
0xa3: {  	[sflag:s9] =	ssyncset.done $0x0  }
0xa4: {  	p2 =	seq.s32 s12, $0x1;
	[sflag:s9] =	ssyncadd.s32 $0xFFFF4000  }
0xa5: {  	s18 =	sadd.s32 s5, s18;
	p1 =	por p2, p1;
	_ =	strace $0x9000005F  }
0xa6: {  	s18 =	smul.u32 @p1 $0x1800, s18;
	s22 =	simm.s32 $0x1;
	_ =	strace @p1 $0x80000060  }
0xa7: {  	s19 =	sadd.s32 @p1 $0x3, s19;
	s22 =	simm.s32 @!p0 $0x0;
	s21 =	rddreg [dreg:$0x2]  }
0xa8: {  	p0 =	seq.s32 s12, $0x8;
	s18 =	sadd.s32 @p1 s21, s18;
	s21 =	simm.s32 @p1 $0x0  }
0xa9: {  	[hbm4b:s18+s21] =	stream.linear.scatter @p1 [tilespmem:s20], [sflag:s19], $0xC000, $0x200038;
	[tilespmem:$0x18100] =	vst v63  }
0xaa: {  	s18 =	simm.s32 $0x1;
	s20 =	simm.s32 $0x1;
	_ =	strace @p1 $0x90000060  }
0xab: {  	s18 =	simm.s32 @!p1 $0x0;
	p1 =	sne.s32 s12, $0x8;
	s12 =	sadd.s32 $0xFFFFFFFF, s12  }
0xac: {  	s19 =	sand.u32 @!p0 $0x1, s14;
	s20 =	simm.s32 @!p1 $0x0;
	p1 =	sne.s32 s12, $0x0  }
.Ltmp0:
0xad: {  	s19 =	sadd.s32 @!p0 $0x3, s19;
	_ =	strace @!p0 $0x80000061;
	(pc) =	sbr.rel @p1 .LBB2_2-.Ltmp0, $4  }
0xae: {  	_ =	swait.ge @!p0 [sflag:s19], $0xC000  }
0xaf: {  	[sflag:s19] =	ssyncset.done @!p0 $0x0  }
0xb0: {  	s17 =	sadd.s32 s22, s17;
	s15 =	sadd.s32 s18, s15;
	[sflag:s19] =	ssyncadd.s32 @!p0 $0xFFFF4000  }
0xb1: {  	s16 =	sadd.s32 s18, s16;
	s14 =	sadd.s32 s20, s14;
	_ =	strace @!p0 $0x90000061  }
0xb2: {  	s11 =	sadd.s32 $0x1, s11  }
0xb3: {  	p0 =	sne.s32 s11, s8  }
.Ltmp1:
0xb4: {  	_ =	strace $0x80000062;
	(pc) =	sbr.rel @p0 .LBB2_1-.Ltmp1, $4  }
0xb5: {  	_ =	swait.ge [sflag:s10], $0xC000  }
0xb6: {  	[sflag:s10] =	ssyncset.done $0x0  }
0xb7: {  	[sflag:s10] =	ssyncadd.s32 $0xFFFF4000  }
0xb8: {  	_ =	strace $0x90000062  }
0xb9: {  	_ =	sfence.sel $0x180000  }
0xba: {  	[bflag:$0x0] =	sbarrier.arrive $0xFFFF  }
0xbb: {  	p0 =	sne.s32 s3, $0x0;
	_ =	strace $0x9000005B  }
0xbc: {  	s0 =	sadd.s32 @!p0 $0x100000, s0;
	[bflag:$0x2] =	sbarrier.arrive $0xFFFF  }
0xbd: {  	[sflag:s0] =	ssyncadd.tile.s32 @!p0 $0x1;
	_ =	shalt  }
.Lfunc_end2:
_tile_overlayer_lowered:
.L_overlay_start_2:
0xbe: {  	(tag) =	ssettag $0x2  }
0xbf: {  	s0 =	rddreg [dreg:$0x0];
	s2 =	stileid.u32  }
0xc0: {  	s1 =	rddreg [dreg:$0x1];
	p0 =	sne.s32 s2, $0x0  }
0xc1: {  	s3 =	rddreg [dreg:$0x2];
	[bflag:$0x3] =	sbarrier.arrive $0xFFFF;
	s2 =	simm.s32 @!p0 $0x1C01  }
0xc2: {  	[timem:s3], [sflag:s2] =	dma.local @!p0 [hbm:s0], s1  }
0xc3: {  	s0 =	simm.s32 @!p0 $0x1  }
0xc4: {  	_ =	swait.ge @!p0 [sflag:s0], s1  }
0xc5: {  	s1 =	ssub.s32 @!p0 $0x0, s1;
	[sflag:s0] =	ssyncset.done @!p0 $0x0  }
0xc6: {  	[sflag:s0] =	ssyncadd.s32 @!p0 s1  }
0xc7: {  	[bflag:$0x3] =	sbarrier.arrive $0xFFFF  }
0xc8: {  	_ =	shalt  }

// kernel: kernel.27.cloned.1.call-start
scs
__scs_entry_jumppad:
0x0: {  	(pc) =	sbr.rel $0x88, $3  }
0x1: {  	(tag) =	ssettag $0x0;
	lr =	simm.s32 $0x1  }
0x2: {  	[smem:$0x3F97] =	sst lr;
	_ =	strace $0xD0000000  }
0x3: {  	_ = 	snop  }
0x4: {  	_ = 	snop  }
0x5: {  	_ = 	snop  }
0x6: {  	_ = 	snop  }
0x7: {  	_ = 	snop  }
__scs_overlays_trampoline_lowered:
0x8: {  	[smem:$0x3FA6] =	sst s0  }
0x9: {  	[smem:$0x3FA7] =	sst s1  }
0xa: {  	[smem:$0x3FA8] =	sst s2  }
0xb: {  	[smem:$0x3FA9] =	sst s3  }
0xc: {  	[smem:$0x3FAA] =	sst s4  }
0xd: {  	[smem:$0x3FAB] =	sst s5  }
0xe: {  	[smem:$0x3FAC] =	sst s6  }
0xf: {  	[smem:$0x3FAD] =	sst s7  }
0x10: {  	[smem:$0x3FAE] =	sst s8  }
0x11: {  	[smem:$0x3FAF] =	sst s9;
	s0 =	simm.s32 @!p0 $0x0  }
0x12: {  	s1 =	sld [smem:$0x3F95];
	s0 =	simm.s32 @p0 $0x1  }
0x13: {  	[smem:$0x3FB0] =	sst s0;
	s0 =	simm.s32 @!p1 $0x0  }
0x14: {  	s2 =	sld [smem:$0x3F94];
	s0 =	simm.s32 @p1 $0x1  }
0x15: {  	[smem:$0x3FB1] =	sst s0;
	s0 =	simm.s32 @!p2 $0x0  }
0x16: {  	s3 =	sld [smem:$0x3FDB];
	s0 =	simm.s32 @p2 $0x1  }
0x17: {  	s4 =	simm.s32 $0x1BF5;
	[smem:$0x3FB3] =	sst s0  }
0x18: {  	s0 =	sld [smem:$0x3F96];
	_ =	swait.ge [sflag:s4], $0x0  }
0x19: {  	s7 =	sld [smem:$0x3F97]  }
0x1a: {  	s8 =	sadd.s32 $0xFFFFE003, lr  }
0x1b: {  	s9 =	sadd.s32 $0xFFFFFEF7, lr;
	s5 =	simm.s32 $0xFFFFFFFF;
	p2 =	slt.u32 s8, $0xFFFFF086  }
0x1c: {  	p1 =	slt.u32 s9, $0xF7A;
	s5 =	simm.s32 @!p2 $0x0  }
0x1d: {  	s5 =	simm.s32 @p1 $0x1;
	p0 =	seq.s32 s7, s2  }
0x1e: {  	s7 =	smul.u32 @!p0 $0xF7A, s2;
	p2 =	seq.s32 @!p0 s5, $0x0  }
0x1f: {  	s9 =	smul.u32 $0xF7A, s1;
	s8 =	simm.s32 @!p0 $0x1BF5;
	p2 =	por !p2, p0  }
0x20: {  	[sflag:s8] =	ssyncset.s32 @!p0 $0xFFFFF086;
	s6 =	sadd.s32 @!p0 s3, s7;
	s7 =	simm.s32 @!p0 $0x108  }
0x21: {  	s3 =	sadd.s32 s3, s9;
	s6 =	sadd.s32 @!p0 $0x88, s6;
	s7 =	simm.s32 @p2 $0x1082  }
0x22: {  	[simem:s7], [sflag:s8] =	dma.local @!p0 [hbm:s6], $0xF7A  }
0x23: {  	s9 =	sor.u32 $0xD0000000, s2;
	s6 =	simm.s32 $0x108;
	_ =	swait.ge @!p0 [sflag:s8], $0x0  }
0x24: {  	s3 =	sadd.s32 $0x88, s3;
	s6 =	simm.s32 @!p1 $0x1082;
	[sflag:s4] =	ssyncset.s32 $0xFFFFF086  }
0x25: {  	[simem:s6], [sflag:s4] =	dma.local [hbm:s3], $0xF7A  }
0x26: {  	[smem:$0x3F97] =	sst s1;
	(tag) =	ssettag s2;
	_ =	strace s9  }
0x27: {  	s1 =	sld [smem:$0x3FA7]  }
0x28: {  	s2 =	sld [smem:$0x3FA8]  }
0x29: {  	s4 =	sld [smem:$0x3FAA]  }
0x2a: {  	p0 =	seq.s32 s5, $0x0;
	s5 =	sld [smem:$0x3FAB]  }
0x2b: {  	s6 =	sld [smem:$0x3FAC]  }
0x2c: {  	s7 =	sld [smem:$0x3FAD]  }
0x2d: {  	s3 =	simm.s32 $0x108;
	s8 =	sld [smem:$0x3FAE]  }
0x2e: {  	s3 =	simm.s32 @!p0 $0x1082;
	s9 =	sld [smem:$0x3FAF]  }
0x2f: {  	lr =	sadd.s32 s0, s3;
	s0 =	sld [smem:$0x3FA6]  }
0x30: {  	s3 =	sld [smem:$0x3FA9]  }
0x31: {  	[smem:$0x3FB2] =	sst s10  }
0x32: {  	s10 =	sld [smem:$0x3FB0];
	_ =	sdelay $0x3  }
0x33: {  	p0 =	seq.s32 s10, $0x1;
	s10 =	sld [smem:$0x3FB2];
	_ =	sdelay $0x3  }
0x34: {  	[smem:$0x3FB2] =	sst s10  }
0x35: {  	s10 =	sld [smem:$0x3FB1];
	_ =	sdelay $0x3  }
0x36: {  	p1 =	seq.s32 s10, $0x1;
	s10 =	sld [smem:$0x3FB2];
	_ =	sdelay $0x3  }
0x37: {  	[smem:$0x3FB2] =	sst s10  }
0x38: {  	s10 =	sld [smem:$0x3FB3]  }
0x39: {  	_ = 	snop;
	(pc) =	sbr.ind lr, $3  }
0x3a: {  	_ = 	snop  }
0x3b: {  	_ = 	snop  }
0x3c: {  	p2 =	seq.s32 s10, $0x1;
	s10 =	sld [smem:$0x3FB2]  }
0x3d: {  	_ =	shalt  }
0x3e: {  	_ =	shalt  }
0x3f: {  	_ =	shalt  }
0x40: {  	_ =	shalt  }
0x41: {  	_ =	shalt  }
0x42: {  	_ =	shalt  }
0x43: {  	_ =	shalt  }
0x44: {  	_ =	shalt  }
0x45: {  	_ =	shalt  }
0x46: {  	_ =	shalt  }
0x47: {  	_ =	shalt  }
0x48: {  	_ =	shalt  }
0x49: {  	_ =	shalt  }
0x4a: {  	_ =	shalt  }
0x4b: {  	_ =	shalt  }
0x4c: {  	_ =	shalt  }
0x4d: {  	_ =	shalt  }
0x4e: {  	_ =	shalt  }
0x4f: {  	_ =	shalt  }
0x50: {  	_ =	shalt  }
0x51: {  	_ =	shalt  }
0x52: {  	_ =	shalt  }
0x53: {  	_ =	shalt  }
0x54: {  	_ =	shalt  }
0x55: {  	_ =	shalt  }
0x56: {  	_ =	shalt  }
0x57: {  	_ =	shalt  }
0x58: {  	_ =	shalt  }
0x59: {  	_ =	shalt  }
0x5a: {  	_ =	shalt  }
0x5b: {  	_ =	shalt  }
0x5c: {  	_ =	shalt  }
0x5d: {  	_ =	shalt  }
0x5e: {  	_ =	shalt  }
0x5f: {  	_ =	shalt  }
0x60: {  	_ =	shalt  }
0x61: {  	_ =	shalt  }
0x62: {  	_ =	shalt  }
0x63: {  	_ =	shalt  }
0x64: {  	_ =	shalt  }
0x65: {  	_ =	shalt  }
0x66: {  	_ =	shalt  }
0x67: {  	_ =	shalt  }
0x68: {  	_ =	shalt  }
0x69: {  	_ =	shalt  }
0x6a: {  	_ =	shalt  }
0x6b: {  	_ =	shalt  }
0x6c: {  	_ =	shalt  }
0x6d: {  	_ =	shalt  }
0x6e: {  	_ =	shalt  }
0x6f: {  	_ =	shalt  }
0x70: {  	_ =	shalt  }
0x71: {  	_ =	shalt  }
0x72: {  	_ =	shalt  }
0x73: {  	_ =	shalt  }
0x74: {  	_ =	shalt  }
0x75: {  	_ =	shalt  }
0x76: {  	_ =	shalt  }
0x77: {  	_ =	shalt  }
0x78: {  	_ =	shalt  }
0x79: {  	_ =	shalt  }
0x7a: {  	_ =	shalt  }
0x7b: {  	_ =	shalt  }
0x7c: {  	_ =	shalt  }
0x7d: {  	_ =	shalt  }
0x7e: {  	_ =	shalt  }
0x7f: {  	_ =	shalt  }
0x80: {  	_ =	shalt  }
0x81: {  	_ =	shalt  }
0x82: {  	_ =	shalt  }
0x83: {  	_ =	shalt  }
0x84: {  	_ =	shalt  }
0x85: {  	_ =	shalt  }
0x86: {  	_ =	shalt  }
0x87: {  	_ =	shalt  }
.Lfunc_end0:
.L_simem_size_0:
called_computation.3_lowered:
.L_overlay_start_0:
0x88: {  	s2 =	sld [smem:$0x3FD9]  }
0x89: {  	s3 =	sld [smem:$0x3FFE];
	_ =	sdelay $0x1  }
0x8a: {  	s1 =	srdreg.scid  }
0x8b: {  	s0 =	sand.u32 $0x1, s1  }
0x8c: {  	s17 =	sshll.u32 s0, $0xA;
	s2 =	sadd.s32 s3, s2  }
0x8d: {  	s2 =	sadd.s32 s2, s17  }
0x8e: {  	[smem:$0x3FBE] =	sst s2  }
0x8f: {  	_ = 	snop  }
0x90: {  	s18 =	sld [smem:$0x3FD0];
	(tm) =	ssettm $0x1  }
0x91: {  	s19 =	sld [smem:$0x3FFB];
	_ =	sdelay $0x3  }
0x92: {  	_ =	strace s19  }
0x93: {  	s2 =	sld [smem:$0x3FFC];
	_ =	sdelay $0x3  }
0x94: {  	_ =	strace s2  }
0x95: {  	s2 =	sld [smem:$0x3FFD];
	_ =	sdelay $0x3  }
0x96: {  	_ =	strace s2  }
0x97: {  	_ =	strace $0x8FFFFFFF  }
0x98: {  	s20 =	sld [smem:$0x3FDB];
	_ =	sdelay $0x1  }
0x99: {  	s4 =	simm.s32 $_scs_section_size  }
0x9a: {  	s5 =	simm.s32 $_size__tile_overlayer_lowered;
	s6 =	simm.s32 $_tile_overlayer_lowered  }
0x9b: {  	s7 =	simm.s32 $0x1BFF;
	s21 =	sshll.u32 s6, $0x1;
	s4 =	sadd.s32 s4, s20  }
0x9c: {  	s22 =	simm.s32 $0x0;
	s5 =	sshll.u32 s5, $0x1;
	s6 =	sadd.s32 s21, s4  }
0x9d: {  	[timem:s22], [sflag:s7] =	dma.local [hbm:s6], s5  }
0x9e: {  	_ =	swait.ge [sflag:s7], s5  }
0x9f: {  	s5 =	ssub.s32 $0x0, s5;
	[sflag:s7] =	ssyncset.done $0x0  }
0xa0: {  	[sflag:s7] =	ssyncadd.s32 s5;
	_ =	sdelay $0x1  }
0xa1: {  	s23 =	simm.s32 $0x1B8B  }
0xa2: {  	_ =	swait.ge [sflag:s23], $0x1  }
0xa3: {  	[sflag:s23] =	ssyncset.done $0x0  }
0xa4: {  	[sflag:s23] =	ssyncadd.s32 $0xFFFFFFFF  }
0xa5: {  	s5 =	sld [smem:$0x0]  }
0xa6: {  	s6 =	sand.u32 $0xFFFFFFFE, s1  }
0xa7: {  	p0 =	sne.s32 s1, s6  }
0xa8: {  	s6 =	sshll.u32 @p0 s6, $0xE  }
0xa9: {  	s6 =	sadd.s32 @p0 $0x11B8D, s6;
	s7 =	sshll.u32 @p0 s5, $0x11  }
0xaa: {  	s6 =	sor.u32 @p0 s7, s6  }
0xab: {  	[sflag:s6] =	ssyncadd.remote.s32 @p0 $0x1;
	_ =	sdelay $0x1  }
0xac: {  	s6 =	simm.s32 @p0 $0x1B8D  }
0xad: {  	_ =	swait.eq @p0 [sflag:s6], $0x1  }
0xae: {  	[sflag:s6] =	ssyncadd.s32 @p0 $0xFFFFFFFF  }
0xaf: {  	s7 =	sshll.u32 @!p0 s1, $0xE  }
0xb0: {  	s7 =	sor.u32 @!p0 $0x4000, s7;
	s6 =	simm.s32 @!p0 $0x1B8D  }
0xb1: {  	s5 =	sshll.u32 @!p0 s5, $0x11;
	s7 =	sadd.s32 @!p0 $0x11B8D, s7;
	_ =	swait.eq @!p0 [sflag:s6], $0x1  }
0xb2: {  	s5 =	sor.u32 @!p0 s5, s7;
	[sflag:s6] =	ssyncadd.s32 @!p0 $0xFFFFFFFF  }
0xb3: {  	s25 =	simm.s32 $0x1B8E;
	s24 =	sld [smem:$0x3FFE];
	[sflag:s5] =	ssyncadd.remote.s32 @!p0 $0x1  }
0xb4: {  	s26 =	simm.s32 $execute0_lowered;
	[smem:$0x3FD2] =	sst s25  }
0xb5: {  	s6 =	sshll.u32 s26, $0x1;
	_ =	strace $0x80000064;
	[dreg:$0x1] =	wrdreg $0xFFFFFFFF  }
0xb6: {  	s28 =	simm.s32 $_size_execute0_lowered;
	s4 =	sadd.s32 s4, s6;
	[dreg:$0x0] =	wrdreg $0x0  }
0xb7: {  	s6 =	sshll.u32 s28, $0x1;
	[dreg:$0x2] =	wrdreg s4  }
0xb8: {  	[dreg:$0x3] =	wrdreg s6  }
0xb9: {  	[dreg:$0x4] =	wrdreg $0xC0  }
0xba: {  	_ =	task [dreg:s22], $0x5FFFF  }
0xbb: {  	[dreg:$0x1] =	wrdreg $0xFFFFFFFF  }
0xbc: {  	[dreg:$0x0] =	wrdreg $0x60  }
0xbd: {  	[dreg:$0x2] =	wrdreg s18  }
0xbe: {  	[dreg:$0x3] =	wrdreg s24  }
0xbf: {  	[dreg:$0x4] =	wrdreg $0xC  }
0xc0: {  	_ =	task.clear_ibuf [dreg:s22], $0x5FFFF;
	_ =	strace $0x90000064  }
0xc1: {  	s29 =	simm.s32 $0xC;
	_ =	strace $0x8000006D  }
0xc2: {  	_ =	swait.ge [sflag:s29], $0x1  }
0xc3: {  	[sflag:s29] =	ssyncadd.s32 $0xFFFFFFFF  }
0xc4: {  	_ =	strace $0x9000006D  }
0xc5: {  	_ =	sfence  }
0xc6: {  	s30 =	sld [smem:$0x0];
	_ =	sdelay $0x2  }
0xc7: {  	s31 =	sshll.u32 s1, $0xD;
	s1 =	sshrl.u32 s1, $0x2  }
0xc8: {  	s4 =	sand.u32 $0x4000, s31;
	s1 =	sadd.s32 s1, s30  }
0xc9: {  	s0 =	sor.u32 s4, s0;
	s1 =	sshll.u32 s1, $0x11  }
0xca: {  	s0 =	sor.u32 s1, s0  }
0xcb: {  	s0 =	sadd.s32 $0x8F2B, s0  }
0xcc: {  	[sflag:s0] =	ssyncadd.remote.s32 $0x1  }
0xcd: {  	_ =	sfence.sel $0xFFFF  }
0xce: {  	[dreg:$0x0] =	wrdreg $0xFFFFFFFF;
	(pc) =	sbr.abs _section_cstart, $3  }
0xcf: {  	[dreg:$0x1] =	wrdreg $0xFFFFFFFF  }
0xd0: {  	_ =	task.clear_ibuf [dreg:s22], $0x2FFFF;
	_ =	strace $0x9FFFFFFF  }
0xd1: {  	(tm) =	ssettm $0x7FFFFFFF  }
tec
execute0_lowered:
.L_overlay_start_1:
0x0: {  	(tag) =	ssettag $0x1  }
0x1: {  	s1 =	rddreg [dreg:$0x0]  }
0x2: {  	s3 =	rddreg [dreg:$0x1]  }
0x3: {  	s0 =	rddreg [dreg:$0x2];
	s2 =	simm.s32 $0x0  }
0x4: {  	s5 =	srdreg.scid;
	s10 =	simm.s32 $0x4;
	s11 =	simm.s32 $0x0  }
0x5: {  	[smem:$0x7FF] =	sst s2;
	s4 =	sadd.s32 $0x6600, s3;
	s5 =	sand.u32 $0x1, s5  }
0x6: {  	s6 =	sadd.s32 $0x4F1600, s3;
	s3 =	stileid.u32;
	s7 =	ssub.s32 $0x2, s5  }
0x7: {  	_ =	strace $0x80000065;
	s5 =	sshll.u32 s5, $0x4;
	s30 =	sshrl.u32 s7, $0x1  }
0x8: {  	v2 =	vlaneseq.u32;
	[dreg:$0x3] =	wrdreg s6;
	s8 =	sor.u32 s3, s5;
	s9 =	ssub.s32 s7, s30  }
0x9: {  	vm0 =	vmmov $0xffff;
	vm1 =	vmmov $0xff;
	v1 =	vshrl.u32 v2, $0x3;
	s5 =	sshll.u32 s8, $0x3;
	s31 =	sshll.u32 s8, $0x7;
	s7 =	sadd.s32 $0x100, s1  }
0xa: {  	v0 =	vand.u32 $0x7, v2;
	v2 =	vor.u32 $0x8, v2;
	v1 =	vmul.u32 $0x8, v1;
	s6 =	sadd.s32 s4, s31;
	s8 =	smax.u32 s9, $0x1;
	s9 =	simm.s32 $0x5  }
.LBB2_1:
0xb: {  	_ =	strace $0x80000066;
	s12 =	simm.s32 $0x8  }
0xc: {  	s13 =	simm.s32 $0x0;
	s14 =	simm.s32 $0x0;
	s15 =	simm.s32 $0x0  }
0xd: {  	[tilespmem:s2], [sflag:$0x1] =	stream.linear.gather [hbm4b:s6+s2], $0x80, $0x200038;
	[tilespmem:$0x18100] =	vst v63  }
0xe: {  	s16 =	simm.s32 $0x0;
	s17 =	simm.s32 $0x1;
	_ =	strace $0x90000066  }
.LBB2_2:
0xf: {  	s18 =	smov.u32 s13;
	s13 =	sadd.s32 $0x1, s13  }
0x10: {  	p0 =	seq.s32 s13, $0x8  }
0x11: {  	s13 =	simm.s32 @p0 $0x0  }
0x12: {  	p6 =	sne.s32 s12, $0x1;
	p1 =	sne.s32 s18, s13  }
0x13: {  	p0 =	por !p6, !p1  }
0x14: {  	p0 =	por !p0, !p0  }
0x15: {  	s19 =	sadd.s32 @p0 s5, s13  }
0x16: {  	s20 =	sand.u32 @p0 $0x1, s17;
	s19 =	sshll.u32 @p0 s19, $0x4  }
0x17: {  	_ =	strace @p0 $0x80000067;
	s22 =	simm.s32 @p0 $0x0;
	s19 =	sand.u32 @p0 $0x1FFFFFF0, s19  }
0x18: {  	s21 =	sshll.u32 @p0 s20, $0x7;
	s20 =	sadd.s32 @p0 $0x1, s20;
	s19 =	sadd.s32 @p0 s4, s19  }
0x19: {  	[tilespmem:s21], [sflag:s20] =	stream.linear.gather @p0 [hbm4b:s19+s22], $0x80, $0x200038;
	[tilespmem:$0x18100] =	vst v63  }
0x1a: {  	s28 =	sand.u32 $0x1, s16;
	_ =	strace @p0 $0x90000067  }
0x1b: {  	s19 =	sadd.s32 $0x1, s28;
	_ =	strace $0x80000068  }
0x1c: {  	_ =	swait.ge [sflag:s19], $0x80  }
0x1d: {  	[sflag:s19] =	ssyncset.done $0x0  }
0x1e: {  	[sflag:s19] =	ssyncadd.s32 $0xFFFFFF80  }
0x1f: {  	s29 =	sshll.u32 s16, $0x7;
	_ =	strace $0x90000068  }
0x20: {  	s22 =	sand.u32 $0x80, s29;
	_ =	strace $0x80000069  }
0x21: {  	v3 =	vld [tilespmem:s22+$0x0];
	_ =	sdelay $0x4  }
0x22: {  	v4 =	vshrl.u32 v3, $0x3  }
0x23: {  	v4 =	vmul.u32 $0x18, v4  }
0x24: {  	v3 =	vand.u32 $0x7, v3  }
0x25: {  	v3 =	vor.u32 v3, v4  }
0x26: {  	v4 =	vperm.xlane v3, v0;
	_ =	sdelay $0x1  }
0x27: {  	s19 =	sand.u32 $0x1, s15;
	v4 =	vadd.s32 v1, v4  }
0x28: {  	s30 =	smul.u32 $0x30000, s19  }
0x29: {  	v3 =	vperm.xlane v3, v2  }
0x2a: {  	s21 =	sshrl.u32 s30, $0x2  }
0x2b: {  	s20 =	sor.u32 $0x100, s21;
	v3 =	vadd.s32 v1, v3  }
0x2c: {  	[tilespmem:s20], [sflag:$0x5] =	stream.indirect_vreg.gather [hbm4b:s1+s2], $0x80, v4, vm0, $0x2000b8;
	[tilespmem:$0x18100] =	vst v63  }
0x2d: {  	s23 =	sor.u32 $0x900, s21  }
0x2e: {  	[tilespmem:s23], [sflag:$0x5] =	stream.indirect_vreg.gather [hbm4b:s7+s2], $0x80, v4, vm1, $0x2000b8;
	[tilespmem:$0x18100] =	vst v63  }
0x2f: {  	s31 =	sor.u32 $0xD00, s21  }
0x30: {  	[tilespmem:s31], [sflag:$0x5] =	stream.indirect_vreg.gather [hbm4b:s1+s2], $0x80, v3, vm0, $0x2000b8;
	[tilespmem:$0x18100] =	vst v63  }
0x31: {  	s24 =	sor.u32 $0x1500, s21  }
0x32: {  	[tilespmem:s24], [sflag:$0x5] =	stream.indirect_vreg.gather [hbm4b:s7+s2], $0x80, v3, vm1, $0x2000b8;
	[tilespmem:$0x18100] =	vst v63  }
0x33: {  	v3 =	vld [tilespmem:s22+$0x10];
	_ =	sdelay $0x4  }
0x34: {  	v57 =	vshrl.u32 v3, $0x3  }
0x35: {  	v4 =	vmul.u32 $0x18, v57  }
0x36: {  	v3 =	vand.u32 $0x7, v3  }
0x37: {  	v3 =	vor.u32 v3, v4  }
0x38: {  	v4 =	vperm.xlane v3, v0;
	_ =	sdelay $0x1  }
0x39: {  	v4 =	vadd.s32 v1, v4;
	_ =	sdelay $0x1  }
0x3a: {  	v3 =	vperm.xlane v3, v2;
	_ =	sdelay $0x1  }
0x3b: {  	s25 =	sor.u32 $0x1900, s21;
	v3 =	vadd.s32 v1, v3  }
0x3c: {  	[tilespmem:s25], [sflag:$0x5] =	stream.indirect_vreg.gather [hbm4b:s1+s2], $0x80, v4, vm0, $0x2000b8;
	[tilespmem:$0x18100] =	vst v63  }
0x3d: {  	s26 =	sor.u32 $0x2100, s21  }
0x3e: {  	[tilespmem:s26], [sflag:$0x5] =	stream.indirect_vreg.gather [hbm4b:s7+s2], $0x80, v4, vm1, $0x2000b8;
	[tilespmem:$0x18100] =	vst v63  }
0x3f: {  	s28 =	sor.u32 $0x2500, s21  }
0x40: {  	[tilespmem:s28], [sflag:$0x5] =	stream.indirect_vreg.gather [hbm4b:s1+s2], $0x80, v3, vm0, $0x2000b8;
	[tilespmem:$0x18100] =	vst v63  }
0x41: {  	s29 =	sor.u32 $0x2D00, s21  }
0x42: {  	[tilespmem:s29], [sflag:$0x5] =	stream.indirect_vreg.gather [hbm4b:s7+s2], $0x80, v3, vm1, $0x2000b8;
	[tilespmem:$0x18100] =	vst v63  }
0x43: {  	v3 =	vld [tilespmem:s22+$0x20];
	_ =	sdelay $0x4  }
0x44: {  	v58 =	vshrl.u32 v3, $0x3  }
0x45: {  	v4 =	vmul.u32 $0x18, v58  }
0x46: {  	v3 =	vand.u32 $0x7, v3  }
0x47: {  	v3 =	vor.u32 v3, v4  }
0x48: {  	v4 =	vperm.xlane v3, v0;
	_ =	sdelay $0x1  }
0x49: {  	v4 =	vadd.s32 v1, v4;
	_ =	sdelay $0x1  }
0x4a: {  	v3 =	vperm.xlane v3, v2;
	_ =	sdelay $0x1  }
0x4b: {  	s30 =	sor.u32 $0x3100, s21;
	v3 =	vadd.s32 v1, v3  }
0x4c: {  	[tilespmem:s30], [sflag:$0x5] =	stream.indirect_vreg.gather [hbm4b:s1+s2], $0x80, v4, vm0, $0x2000b8;
	[tilespmem:$0x18100] =	vst v63  }
0x4d: {  	s31 =	sor.u32 $0x3900, s21  }
0x4e: {  	[tilespmem:s31], [sflag:$0x5] =	stream.indirect_vreg.gather [hbm4b:s7+s2], $0x80, v4, vm1, $0x2000b8;
	[tilespmem:$0x18100] =	vst v63  }
0x4f: {  	s24 =	sor.u32 $0x3D00, s21  }
0x50: {  	[tilespmem:s24], [sflag:$0x5] =	stream.indirect_vreg.gather [hbm4b:s1+s2], $0x80, v3, vm0, $0x2000b8;
	[tilespmem:$0x18100] =	vst v63  }
0x51: {  	s25 =	sadd.s32 $0x4500, s21  }
0x52: {  	[tilespmem:s25], [sflag:$0x5] =	stream.indirect_vreg.gather [hbm4b:s7+s2], $0x80, v3, vm1, $0x2000b8;
	[tilespmem:$0x18100] =	vst v63  }
0x53: {  	v3 =	vld [tilespmem:s22+$0x30];
	_ =	sdelay $0x4  }
0x54: {  	v59 =	vshrl.u32 v3, $0x3  }
0x55: {  	v4 =	vmul.u32 $0x18, v59  }
0x56: {  	v3 =	vand.u32 $0x7, v3  }
0x57: {  	v3 =	vor.u32 v3, v4  }
0x58: {  	v4 =	vperm.xlane v3, v0;
	_ =	sdelay $0x1  }
0x59: {  	v4 =	vadd.s32 v1, v4;
	_ =	sdelay $0x1  }
0x5a: {  	v3 =	vperm.xlane v3, v2;
	_ =	sdelay $0x1  }
0x5b: {  	s26 =	sadd.s32 $0x4900, s21;
	v3 =	vadd.s32 v1, v3  }
0x5c: {  	[tilespmem:s26], [sflag:$0x5] =	stream.indirect_vreg.gather [hbm4b:s1+s2], $0x80, v4, vm0, $0x2000b8;
	[tilespmem:$0x18100] =	vst v63  }
0x5d: {  	s28 =	sadd.s32 $0x5100, s21  }
0x5e: {  	[tilespmem:s28], [sflag:$0x5] =	stream.indirect_vreg.gather [hbm4b:s7+s2], $0x80, v4, vm1, $0x2000b8;
	[tilespmem:$0x18100] =	vst v63  }
0x5f: {  	s29 =	sadd.s32 $0x5500, s21  }
0x60: {  	[tilespmem:s29], [sflag:$0x5] =	stream.indirect_vreg.gather [hbm4b:s1+s2], $0x80, v3, vm0, $0x2000b8;
	[tilespmem:$0x18100] =	vst v63  }
0x61: {  	s30 =	sadd.s32 $0x5D00, s21  }
0x62: {  	[tilespmem:s30], [sflag:$0x5] =	stream.indirect_vreg.gather [hbm4b:s7+s2], $0x80, v3, vm1, $0x2000b8;
	[tilespmem:$0x18100] =	vst v63  }
0x63: {  	v3 =	vld [tilespmem:s22+$0x40];
	_ =	sdelay $0x4  }
0x64: {  	v60 =	vshrl.u32 v3, $0x3  }
0x65: {  	v4 =	vmul.u32 $0x18, v60  }
0x66: {  	v3 =	vand.u32 $0x7, v3  }
0x67: {  	v3 =	vor.u32 v3, v4  }
0x68: {  	v4 =	vperm.xlane v3, v0;
	_ =	sdelay $0x1  }
0x69: {  	v4 =	vadd.s32 v1, v4;
	_ =	sdelay $0x1  }
0x6a: {  	v3 =	vperm.xlane v3, v2;
	_ =	sdelay $0x1  }
0x6b: {  	s31 =	sadd.s32 $0x6100, s21;
	v3 =	vadd.s32 v1, v3  }
0x6c: {  	[tilespmem:s31], [sflag:$0x5] =	stream.indirect_vreg.gather [hbm4b:s1+s2], $0x80, v4, vm0, $0x2000b8;
	[tilespmem:$0x18100] =	vst v63  }
0x6d: {  	s24 =	sadd.s32 $0x6900, s21  }
0x6e: {  	[tilespmem:s24], [sflag:$0x5] =	stream.indirect_vreg.gather [hbm4b:s7+s2], $0x80, v4, vm1, $0x2000b8;
	[tilespmem:$0x18100] =	vst v63  }
0x6f: {  	s25 =	sadd.s32 $0x6D00, s21  }
0x70: {  	[tilespmem:s25], [sflag:$0x5] =	stream.indirect_vreg.gather [hbm4b:s1+s2], $0x80, v3, vm0, $0x2000b8;
	[tilespmem:$0x18100] =	vst v63  }
0x71: {  	s26 =	sadd.s32 $0x7500, s21  }
0x72: {  	[tilespmem:s26], [sflag:$0x5] =	stream.indirect_vreg.gather [hbm4b:s7+s2], $0x80, v3, vm1, $0x2000b8;
	[tilespmem:$0x18100] =	vst v63  }
0x73: {  	v3 =	vld [tilespmem:s22+$0x50];
	_ =	sdelay $0x4  }
0x74: {  	v61 =	vshrl.u32 v3, $0x3  }
0x75: {  	v4 =	vmul.u32 $0x18, v61  }
0x76: {  	v3 =	vand.u32 $0x7, v3  }
0x77: {  	v3 =	vor.u32 v3, v4  }
0x78: {  	v4 =	vperm.xlane v3, v0;
	_ =	sdelay $0x1  }
0x79: {  	v4 =	vadd.s32 v1, v4;
	_ =	sdelay $0x1  }
0x7a: {  	v3 =	vperm.xlane v3, v2;
	_ =	sdelay $0x1  }
0x7b: {  	s28 =	sadd.s32 $0x7900, s21;
	v3 =	vadd.s32 v1, v3  }
0x7c: {  	[tilespmem:s28], [sflag:$0x5] =	stream.indirect_vreg.gather [hbm4b:s1+s2], $0x80, v4, vm0, $0x2000b8;
	[tilespmem:$0x18100] =	vst v63  }
0x7d: {  	s29 =	sadd.s32 $0x8100, s21  }
0x7e: {  	[tilespmem:s29], [sflag:$0x5] =	stream.indirect_vreg.gather [hbm4b:s7+s2], $0x80, v4, vm1, $0x2000b8;
	[tilespmem:$0x18100] =	vst v63  }
0x7f: {  	s30 =	sadd.s32 $0x8500, s21  }
0x80: {  	[tilespmem:s30], [sflag:$0x5] =	stream.indirect_vreg.gather [hbm4b:s1+s2], $0x80, v3, vm0, $0x2000b8;
	[tilespmem:$0x18100] =	vst v63  }
0x81: {  	s31 =	sadd.s32 $0x8D00, s21  }
0x82: {  	[tilespmem:s31], [sflag:$0x5] =	stream.indirect_vreg.gather [hbm4b:s7+s2], $0x80, v3, vm1, $0x2000b8;
	[tilespmem:$0x18100] =	vst v63  }
0x83: {  	v3 =	vld [tilespmem:s22+$0x60];
	_ =	sdelay $0x4  }
0x84: {  	v62 =	vshrl.u32 v3, $0x3  }
0x85: {  	v4 =	vmul.u32 $0x18, v62  }
0x86: {  	v3 =	vand.u32 $0x7, v3  }
0x87: {  	v3 =	vor.u32 v3, v4  }
0x88: {  	v4 =	vperm.xlane v3, v0;
	_ =	sdelay $0x1  }
0x89: {  	v4 =	vadd.s32 v1, v4;
	_ =	sdelay $0x1  }
0x8a: {  	v3 =	vperm.xlane v3, v2;
	_ =	sdelay $0x1  }
0x8b: {  	s24 =	sadd.s32 $0x9100, s21;
	v3 =	vadd.s32 v1, v3  }
0x8c: {  	[tilespmem:s24], [sflag:$0x5] =	stream.indirect_vreg.gather [hbm4b:s1+s2], $0x80, v4, vm0, $0x2000b8;
	[tilespmem:$0x18100] =	vst v63  }
0x8d: {  	s25 =	sadd.s32 $0x9900, s21  }
0x8e: {  	[tilespmem:s25], [sflag:$0x5] =	stream.indirect_vreg.gather [hbm4b:s7+s2], $0x80, v4, vm1, $0x2000b8;
	[tilespmem:$0x18100] =	vst v63  }
0x8f: {  	s26 =	sadd.s32 $0x9D00, s21  }
0x90: {  	[tilespmem:s26], [sflag:$0x5] =	stream.indirect_vreg.gather [hbm4b:s1+s2], $0x80, v3, vm0, $0x2000b8;
	[tilespmem:$0x18100] =	vst v63  }
0x91: {  	s28 =	sadd.s32 $0xA500, s21  }
0x92: {  	[tilespmem:s28], [sflag:$0x5] =	stream.indirect_vreg.gather [hbm4b:s7+s2], $0x80, v3, vm1, $0x2000b8;
	[tilespmem:$0x18100] =	vst v63  }
0x93: {  	v3 =	vld [tilespmem:s22+$0x70];
	_ =	sdelay $0x4  }
0x94: {  	v63 =	vshrl.u32 v3, $0x3  }
0x95: {  	v4 =	vmul.u32 $0x18, v63  }
0x96: {  	v3 =	vand.u32 $0x7, v3  }
0x97: {  	v3 =	vor.u32 v3, v4  }
0x98: {  	v4 =	vperm.xlane v3, v0;
	_ =	sdelay $0x1  }
0x99: {  	v4 =	vadd.s32 v1, v4;
	_ =	sdelay $0x1  }
0x9a: {  	v3 =	vperm.xlane v3, v2;
	_ =	sdelay $0x1  }
0x9b: {  	s29 =	sadd.s32 $0xA900, s21;
	v3 =	vadd.s32 v1, v3  }
0x9c: {  	[tilespmem:s29], [sflag:$0x5] =	stream.indirect_vreg.gather [hbm4b:s1+s2], $0x80, v4, vm0, $0x2000b8;
	[tilespmem:$0x18100] =	vst v63  }
0x9d: {  	s30 =	sadd.s32 $0xB100, s21  }
0x9e: {  	[tilespmem:s30], [sflag:$0x5] =	stream.indirect_vreg.gather [hbm4b:s7+s2], $0x80, v4, vm1, $0x2000b8;
	[tilespmem:$0x18100] =	vst v63  }
0x9f: {  	s31 =	sadd.s32 $0xB500, s21  }
0xa0: {  	[tilespmem:s31], [sflag:$0x5] =	stream.indirect_vreg.gather [hbm4b:s1+s2], $0x80, v3, vm0, $0x2000b8;
	[tilespmem:$0x18100] =	vst v63  }
0xa1: {  	s21 =	sadd.s32 $0xBD00, s21  }
0xa2: {  	[tilespmem:s21], [sflag:$0x5] =	stream.indirect_vreg.gather [hbm4b:s7+s2], $0x80, v3, vm1, $0x2000b8;
	[tilespmem:$0x18100] =	vst v63  }
0xa3: {  	_ =	swait.ge [sflag:s9], $0xC000  }
0xa4: {  	[sflag:s9] =	ssyncset.done $0x0  }
0xa5: {  	p2 =	seq.s32 s12, $0x1;
	[sflag:s9] =	ssyncadd.s32 $0xFFFF4000  }
0xa6: {  	s18 =	sadd.s32 s5, s18;
	p1 =	por p2, p1;
	_ =	strace $0x90000069  }
0xa7: {  	s18 =	smul.u32 @p1 $0x1800, s18;
	s22 =	simm.s32 $0x1;
	_ =	strace @p1 $0x8000006A  }
0xa8: {  	s19 =	sadd.s32 @p1 $0x3, s19;
	s22 =	simm.s32 @!p0 $0x0;
	s21 =	rddreg [dreg:$0x3]  }
0xa9: {  	p0 =	seq.s32 s12, $0x8;
	s18 =	sadd.s32 @p1 s21, s18;
	s21 =	simm.s32 @p1 $0x0  }
0xaa: {  	[hbm4b:s18+s21] =	stream.linear.scatter @p1 [tilespmem:s20], [sflag:s19], $0xC000, $0x200038;
	[tilespmem:$0x18100] =	vst v63  }
0xab: {  	s18 =	simm.s32 $0x1;
	s20 =	simm.s32 $0x1;
	_ =	strace @p1 $0x9000006A  }
0xac: {  	s18 =	simm.s32 @!p1 $0x0;
	p1 =	sne.s32 s12, $0x8;
	s12 =	sadd.s32 $0xFFFFFFFF, s12  }
0xad: {  	s19 =	sand.u32 @!p0 $0x1, s14;
	s20 =	simm.s32 @!p1 $0x0;
	p1 =	sne.s32 s12, $0x0  }
.Ltmp0:
0xae: {  	s19 =	sadd.s32 @!p0 $0x3, s19;
	_ =	strace @!p0 $0x8000006B;
	(pc) =	sbr.rel @p1 .LBB2_2-.Ltmp0, $4  }
0xaf: {  	_ =	swait.ge @!p0 [sflag:s19], $0xC000  }
0xb0: {  	[sflag:s19] =	ssyncset.done @!p0 $0x0  }
0xb1: {  	s17 =	sadd.s32 s22, s17;
	s15 =	sadd.s32 s18, s15;
	[sflag:s19] =	ssyncadd.s32 @!p0 $0xFFFF4000  }
0xb2: {  	s16 =	sadd.s32 s18, s16;
	s14 =	sadd.s32 s20, s14;
	_ =	strace @!p0 $0x9000006B  }
0xb3: {  	s11 =	sadd.s32 $0x1, s11  }
0xb4: {  	p0 =	sne.s32 s11, s8  }
.Ltmp1:
0xb5: {  	_ =	strace $0x8000006C;
	(pc) =	sbr.rel @p0 .LBB2_1-.Ltmp1, $4  }
0xb6: {  	_ =	swait.ge [sflag:s10], $0xC000  }
0xb7: {  	[sflag:s10] =	ssyncset.done $0x0  }
0xb8: {  	[sflag:s10] =	ssyncadd.s32 $0xFFFF4000  }
0xb9: {  	_ =	strace $0x9000006C  }
0xba: {  	_ =	sfence.sel $0x180000  }
0xbb: {  	[bflag:$0x0] =	sbarrier.arrive $0xFFFF  }
0xbc: {  	p0 =	sne.s32 s3, $0x0;
	_ =	strace $0x90000065  }
0xbd: {  	s0 =	sadd.s32 @!p0 $0x100000, s0;
	[bflag:$0x2] =	sbarrier.arrive $0xFFFF  }
0xbe: {  	[sflag:s0] =	ssyncadd.tile.s32 @!p0 $0x1;
	_ =	shalt  }
.Lfunc_end2:
_tile_overlayer_lowered:
.L_overlay_start_2:
0xbf: {  	(tag) =	ssettag $0x2  }
0xc0: {  	s0 =	rddreg [dreg:$0x0];
	s2 =	stileid.u32  }
0xc1: {  	s1 =	rddreg [dreg:$0x1];
	p0 =	sne.s32 s2, $0x0  }
0xc2: {  	s3 =	rddreg [dreg:$0x2];
	[bflag:$0x3] =	sbarrier.arrive $0xFFFF;
	s2 =	simm.s32 @!p0 $0x1C01  }
0xc3: {  	[timem:s3], [sflag:s2] =	dma.local @!p0 [hbm:s0], s1  }
0xc4: {  	s0 =	simm.s32 @!p0 $0x1  }
0xc5: {  	_ =	swait.ge @!p0 [sflag:s0], s1  }
0xc6: {  	s1 =	ssub.s32 @!p0 $0x0, s1;
	[sflag:s0] =	ssyncset.done @!p0 $0x0  }
0xc7: {  	[sflag:s0] =	ssyncadd.s32 @!p0 s1  }
0xc8: {  	[bflag:$0x3] =	sbarrier.arrive $0xFFFF  }
0xc9: {  	_ =	shalt  }

</sc_bundles>
